<compile_context>
chip_gen: v7x
topology: tpu7x:2x2x1
jax: 0.10.2.dev20260603
libtpu: 0.0.44.dev20260713+nightly
codegen_flags: <defaults>
</compile_context>

<pallas_src>
import functools

import jax
import jax.numpy as jnp
from jax import lax
from jax.experimental import pallas as pl
from jax.experimental.pallas import tpu as pltpu
from jax.experimental.pallas import tpu_sc as plsc

L = 16
NW = 32
CHUNK = 2608


def _union_body(n_points, n_chunks, x_hbm, wd_hbm, b_hbm, wa_hbm,
                minv_hbm, sel_hbm,
                wd_v, b_v, wa_v,
                xa0, xa1, xa2, mva, sela,
                xb0, xb1, xb2, mvb, selb,
                sin_a, sin_b, sout_a, sout_b):
    info = plsc.get_sparse_core_info()
    nc = info.num_cores
    wid = lax.axis_index("s") * nc + lax.axis_index("c")
    span = n_chunks * CHUNK

    pltpu.sync_copy(wd_hbm, wd_v)
    pltpu.sync_copy(b_hbm, b_v)
    pltpu.sync_copy(wa_hbm, wa_v)

    wcol = [wd_v[pl.ds(16 * d, 16)] for d in range(3)]
    bvec = b_v[...]
    wd = [[wcol[d][k] for d in range(3)] for k in range(16)]
    bs = [bvec[k] for k in range(16)]

    groups = CHUNK // L

    def cstart(c):
        s = jnp.minimum(wid * span + c * CHUNK, n_points - CHUNK)
        return pl.multiple_of(s, 8)

    def fire_in(c, bufs, sem):
        s = cstart(c)
        for d, dst in enumerate(bufs):
            pltpu.async_copy(x_hbm.at[pl.ds(d * n_points + s, CHUNK)],
                             dst, sem)

    def wait_in(bufs, sem):
        for dst in bufs:
            pltpu.make_async_copy(x_hbm.at[pl.ds(0, CHUNK)], dst, sem).wait()

    def fire_out(c, mv, sel, sem):
        s = cstart(c)
        pltpu.async_copy(mv, minv_hbm.at[pl.ds(s, CHUNK)], sem)
        pltpu.async_copy(sel, sel_hbm.at[pl.ds(s * 16, CHUNK * 16)], sem)

    def wait_out(mv, sel, sem):
        pltpu.make_async_copy(mv, minv_hbm.at[pl.ds(0, CHUNK)], sem).wait()
        pltpu.make_async_copy(
            sel, sel_hbm.at[pl.ds(0, CHUNK * 16)], sem).wait()

    def compute(x0b, x1b, x2b, mv, sel):
        def group_body(g, gcarry):
            gb = pl.multiple_of(g * L, 8)
            x0 = x0b[pl.ds(gb, L)]
            x1 = x1b[pl.ds(gb, L)]
            x2 = x2b[pl.ds(gb, L)]

            minv = x0 * wd[0][0] + x1 * wd[0][1] + x2 * wd[0][2] + bs[0]
            idxv = jnp.zeros((L,), jnp.int32)
            for k in range(1, 16):
                t = x0 * wd[k][0] + x1 * wd[k][1] + x2 * wd[k][2] + bs[k]
                m = t < minv
                idxv = jnp.where(m, k, idxv)
                minv = jnp.where(m, t, minv)
            mv[pl.ds(gb, L)] = minv

            base = idxv * 48
            for p in range(L):
                jb = pl.multiple_of(base[p], 16)
                w0 = wa_v[pl.ds(jb, L)]
                w1 = wa_v[pl.ds(jb + 16, L)]
                w2 = wa_v[pl.ds(jb + 32, L)]
                sv = x0[p] * w0 + x1[p] * w1 + x2[p] * w2
                ob = pl.multiple_of((gb + p) * 16, 16)
                sel[pl.ds(ob, L)] = sv
            return gcarry

        lax.fori_loop(0, groups, group_body, 0, unroll=False)

    bufa = (xa0, xa1, xa2)
    bufb = (xb0, xb1, xb2)
    fire_in(0, bufa, sin_a)

    def body2(c2, carry):
        c = 2 * c2
        wait_in(bufa, sin_a)

        @pl.when(c + 1 < n_chunks)
        def _():
            fire_in(c + 1, bufb, sin_b)

        @pl.when(c2 >= 1)
        def _():
            wait_out(mva, sela, sout_a)

        compute(xa0, xa1, xa2, mva, sela)
        fire_out(c, mva, sela, sout_a)

        wait_in(bufb, sin_b)

        @pl.when(c + 2 < n_chunks)
        def _():
            fire_in(c + 2, bufa, sin_a)

        @pl.when(c2 >= 1)
        def _():
            wait_out(mvb, selb, sout_b)

        compute(xb0, xb1, xb2, mvb, selb)
        fire_out(c + 1, mvb, selb, sout_b)
        return carry

    lax.fori_loop(0, n_chunks // 2, body2, 0, unroll=False)
    wait_out(mva, sela, sout_a)
    wait_out(mvb, selb, sout_b)


def kernel(x, W_d, b_d, W_a):
    n, d = x.shape
    k = W_d.shape[0]
    a = W_a.shape[2]
    assert (d, k, a) == (3, 16, 16)
    n_chunks = -(-n // (NW * CHUNK))
    n_chunks += n_chunks % 2

    body = functools.partial(_union_body, n, n_chunks)
    xbuf = lambda: pltpu.VMEM((CHUNK,), jnp.float32)
    run = pl.kernel(
        body,
        out_type=(
            jax.ShapeDtypeStruct((n,), jnp.float32),
            jax.ShapeDtypeStruct((n * 16,), jnp.float32),
        ),
        mesh=plsc.VectorSubcoreMesh(core_axis_name="c", subcore_axis_name="s"),
        scratch_types=[
            pltpu.VMEM((48,), jnp.float32),
            pltpu.VMEM((16,), jnp.float32),
            pltpu.VMEM((768,), jnp.float32),
            xbuf(), xbuf(), xbuf(),
            pltpu.VMEM((CHUNK,), jnp.float32),
            pltpu.VMEM((CHUNK * 16,), jnp.float32),
            xbuf(), xbuf(), xbuf(),
            pltpu.VMEM((CHUNK,), jnp.float32),
            pltpu.VMEM((CHUNK * 16,), jnp.float32),
            pltpu.SemaphoreType.DMA,
            pltpu.SemaphoreType.DMA,
            pltpu.SemaphoreType.DMA,
            pltpu.SemaphoreType.DMA,
        ],
    )
    def _bf16_round(v):
        u = lax.bitcast_convert_type(v, jnp.uint32)
        r = (u + jnp.uint32(0x7FFF) + ((u >> 16) & jnp.uint32(1))) \
            & jnp.uint32(0xFFFF0000)
        return lax.bitcast_convert_type(r, jnp.float32)

    xb = _bf16_round(x)
    wdb = _bf16_round(W_d)
    wab = _bf16_round(W_a)
    min_vals, sel_flat = run(
        xb.T.reshape(-1),
        wdb.T.reshape(-1),
        b_d,
        wab.reshape(-1),
    )
    return min_vals, sel_flat.reshape(n, 16)

# --- scband reference (transcript-rebuilt; emitter-appended) ---
"""Pipeline reference for scband-union-node-936302871024 (READ-ONLY COPY).

The authoritative reference and input builder live on the scoring server;
editing this copy changes nothing except your own understanding.
"""

import jax, jax.numpy as jnp
import numpy as np

N = 500000
K = 16
D = 3
A = 16

def setup_inputs(seed: int = 0) -> dict:
    key = jax.random.key(seed)
    k1, k2, k3, k4 = jax.random.split(key, 4)
    x = jax.random.normal(k1, (N, D), dtype=jnp.float32)
    # Learned parameters of the K child SDF nodes: each child computes
    # dist_k = x @ W_d[k] + b_d[k]  (plane-like SDF)
    # attrs_k = x @ W_a[k]          (per-point attribute field)
    W_d = jax.random.normal(k2, (K, D), dtype=jnp.float32)
    b_d = jax.random.normal(k3, (K,), dtype=jnp.float32)
    W_a = jax.random.normal(k4, (K, D, A), dtype=jnp.float32) * 0.1
    return {"x": x, "W_d": W_d, "b_d": b_d, "W_a": W_a}

def reference(x, W_d, b_d, W_a):
    # Evaluate all K children: results[k] = (dists[:,k], attrs[:,k,:])
    dists = x @ W_d.T + b_d                      # [N, K]  == torch.stack([r[0] ...], dim=1)
    attrs = jnp.einsum('nd,kda->nka', x, W_a)    # [N, K, A] == torch.stack([r[1] ...], dim=1)
    # Boolean union: min over children
    min_vals = jnp.min(dists, axis=1)            # [N]
    min_indices = jnp.argmin(dists, axis=1)      # [N]
    n_attrs = attrs.shape[2]
    s_indices = jnp.broadcast_to(min_indices[:, None, None], (attrs.shape[0], 1, n_attrs))
    selected = jnp.take_along_axis(attrs, s_indices, axis=1)[:, 0, :]  # [N, A]
    return (min_vals, selected)

if __name__ == "__main__":
    import jax
    _d = setup_inputs()
    print(jax.jit(kernel)(*tuple(_d.values())))

</pallas_src>

<mosaic_0001>
#map = affine_map<(d0, d1) -> (0)>
module attributes {stable_mosaic.version = 14 : i64} {
  func.func @_union_body(%arg0: i32, %arg1: i32, %arg2: memref<1500000xf32, #tpu.memory_space<hbm>>, %arg3: memref<48xf32, #tpu.memory_space<hbm>>, %arg4: memref<16xf32, #tpu.memory_space<hbm>>, %arg5: memref<768xf32, #tpu.memory_space<hbm>>, %arg6: memref<500000xf32, #tpu.memory_space<hbm>>, %arg7: memref<8000000xf32, #tpu.memory_space<hbm>>, %arg8: memref<48xf32, #tpu.memory_space<vmem>>, %arg9: memref<16xf32, #tpu.memory_space<vmem>>, %arg10: memref<768xf32, #tpu.memory_space<vmem>>, %arg11: memref<2608xf32, #tpu.memory_space<vmem>>, %arg12: memref<2608xf32, #tpu.memory_space<vmem>>, %arg13: memref<2608xf32, #tpu.memory_space<vmem>>, %arg14: memref<2608xf32, #tpu.memory_space<vmem>>, %arg15: memref<41728xf32, #tpu.memory_space<vmem>>, %arg16: memref<2608xf32, #tpu.memory_space<vmem>>, %arg17: memref<2608xf32, #tpu.memory_space<vmem>>, %arg18: memref<2608xf32, #tpu.memory_space<vmem>>, %arg19: memref<2608xf32, #tpu.memory_space<vmem>>, %arg20: memref<41728xf32, #tpu.memory_space<vmem>>, %arg21: memref<!tpu.dma_semaphore, #tpu.memory_space<semaphore_mem>>, %arg22: memref<!tpu.dma_semaphore, #tpu.memory_space<semaphore_mem>>, %arg23: memref<!tpu.dma_semaphore, #tpu.memory_space<semaphore_mem>>, %arg24: memref<!tpu.dma_semaphore, #tpu.memory_space<semaphore_mem>>) attributes {dimension_semantics = [#tpu.dimension_semantics<core_parallel>, #tpu.dimension_semantics<subcore_parallel>], iteration_bounds = array<i64: 2, 16>, scalar_prefetch = 0 : i64, scratch_operands = 17 : i64, tpu.core_type = #tpu.core_type<sc_vector_subcore>, window_params = [{transform_indices = #map}, {transform_indices = #map}, {transform_indices = #map}, {transform_indices = #map}, {transform_indices = #map}, {transform_indices = #map}]} {
    %mul3A = arith.constant 2 : i32
    %mul3A_0 = arith.muli %arg1, %mul3A : i32
    %add3A = arith.addi %mul3A_0, %arg0 : i32
    "tpu.region"() ({
      %run_scoped3A = tpu.sem_alloc : memref<!tpu.dma_semaphore, #tpu.memory_space<semaphore_mem>>
      tpu.enqueue_dma source(%arg3 : memref<48xf32, #tpu.memory_space<hbm>>) target(%arg8 : memref<48xf32, #tpu.memory_space<vmem>>) target_semaphore(%run_scoped3A : memref<!tpu.dma_semaphore, #tpu.memory_space<semaphore_mem>>)
      tpu.wait_dma2 semaphore(%run_scoped3A : memref<!tpu.dma_semaphore, #tpu.memory_space<semaphore_mem>>) src(%arg3 : memref<48xf32, #tpu.memory_space<hbm>>) dst(%arg8 : memref<48xf32, #tpu.memory_space<vmem>>)
      tpu.yield
    }) : () -> ()
    "tpu.region"() ({
      %run_scoped3A = tpu.sem_alloc : memref<!tpu.dma_semaphore, #tpu.memory_space<semaphore_mem>>
      tpu.enqueue_dma source(%arg4 : memref<16xf32, #tpu.memory_space<hbm>>) target(%arg9 : memref<16xf32, #tpu.memory_space<vmem>>) target_semaphore(%run_scoped3A : memref<!tpu.dma_semaphore, #tpu.memory_space<semaphore_mem>>)
      tpu.wait_dma2 semaphore(%run_scoped3A : memref<!tpu.dma_semaphore, #tpu.memory_space<semaphore_mem>>) src(%arg4 : memref<16xf32, #tpu.memory_space<hbm>>) dst(%arg9 : memref<16xf32, #tpu.memory_space<vmem>>)
      tpu.yield
    }) : () -> ()
    "tpu.region"() ({
      %run_scoped3A = tpu.sem_alloc : memref<!tpu.dma_semaphore, #tpu.memory_space<semaphore_mem>>
      tpu.enqueue_dma source(%arg5 : memref<768xf32, #tpu.memory_space<hbm>>) target(%arg10 : memref<768xf32, #tpu.memory_space<vmem>>) target_semaphore(%run_scoped3A : memref<!tpu.dma_semaphore, #tpu.memory_space<semaphore_mem>>)
      tpu.wait_dma2 semaphore(%run_scoped3A : memref<!tpu.dma_semaphore, #tpu.memory_space<semaphore_mem>>) src(%arg5 : memref<768xf32, #tpu.memory_space<hbm>>) dst(%arg10 : memref<768xf32, #tpu.memory_space<vmem>>)
      tpu.yield
    }) : () -> ()
    %get3A = arith.constant 0 : index
    %get3A_1 = tpu.vector_load %arg8[%get3A] {strides = array<i32>} : memref<48xf32, #tpu.memory_space<vmem>>, vector<16xf32>,
    %get3A_2 = vector.shape_cast %get3A_1 : vector<16xf32> to vector<16xf32>
    %get3A_3 = arith.constant 16 : index
    %get3A_4 = tpu.vector_load %arg8[%get3A_3] {strides = array<i32>} : memref<48xf32, #tpu.memory_space<vmem>>, vector<16xf32>,
    %get3A_5 = vector.shape_cast %get3A_4 : vector<16xf32> to vector<16xf32>
    %get3A_6 = arith.constant 32 : index
    %get3A_7 = tpu.vector_load %arg8[%get3A_6] {strides = array<i32>} : memref<48xf32, #tpu.memory_space<vmem>>, vector<16xf32>,
    %get3A_8 = vector.shape_cast %get3A_7 : vector<16xf32> to vector<16xf32>
    %get3A_9 = arith.constant 0 : index
    %get3A_10 = tpu.vector_load %arg9[%get3A_9] {strides = array<i32>} : memref<16xf32, #tpu.memory_space<vmem>>, vector<16xf32>,
    %get3A_11 = vector.shape_cast %get3A_10 : vector<16xf32> to vector<16xf32>
    %slice3A = vector.extract_strided_slice %get3A_2 {offsets = [0], sizes = [1], strides = [1]} : vector<16xf32> to vector<1xf32>
    %squeeze3A = vector.extract %slice3A[0] : f32 from vector<1xf32>
    %slice3A_12 = vector.extract_strided_slice %get3A_5 {offsets = [0], sizes = [1], strides = [1]} : vector<16xf32> to vector<1xf32>
    %squeeze3A_13 = vector.extract %slice3A_12[0] : f32 from vector<1xf32>
    %slice3A_14 = vector.extract_strided_slice %get3A_8 {offsets = [0], sizes = [1], strides = [1]} : vector<16xf32> to vector<1xf32>
    %squeeze3A_15 = vector.extract %slice3A_14[0] : f32 from vector<1xf32>
    %slice3A_16 = vector.extract_strided_slice %get3A_2 {offsets = [1], sizes = [1], strides = [1]} : vector<16xf32> to vector<1xf32>
    %squeeze3A_17 = vector.extract %slice3A_16[0] : f32 from vector<1xf32>
    %slice3A_18 = vector.extract_strided_slice %get3A_5 {offsets = [1], sizes = [1], strides = [1]} : vector<16xf32> to vector<1xf32>
    %squeeze3A_19 = vector.extract %slice3A_18[0] : f32 from vector<1xf32>
    %slice3A_20 = vector.extract_strided_slice %get3A_8 {offsets = [1], sizes = [1], strides = [1]} : vector<16xf32> to vector<1xf32>
    %squeeze3A_21 = vector.extract %slice3A_20[0] : f32 from vector<1xf32>
    %slice3A_22 = vector.extract_strided_slice %get3A_2 {offsets = [2], sizes = [1], strides = [1]} : vector<16xf32> to vector<1xf32>
    %squeeze3A_23 = vector.extract %slice3A_22[0] : f32 from vector<1xf32>
    %slice3A_24 = vector.extract_strided_slice %get3A_5 {offsets = [2], sizes = [1], strides = [1]} : vector<16xf32> to vector<1xf32>
    %squeeze3A_25 = vector.extract %slice3A_24[0] : f32 from vector<1xf32>
    %slice3A_26 = vector.extract_strided_slice %get3A_8 {offsets = [2], sizes = [1], strides = [1]} : vector<16xf32> to vector<1xf32>
    %squeeze3A_27 = vector.extract %slice3A_26[0] : f32 from vector<1xf32>
    %slice3A_28 = vector.extract_strided_slice %get3A_2 {offsets = [3], sizes = [1], strides = [1]} : vector<16xf32> to vector<1xf32>
    %squeeze3A_29 = vector.extract %slice3A_28[0] : f32 from vector<1xf32>
    %slice3A_30 = vector.extract_strided_slice %get3A_5 {offsets = [3], sizes = [1], strides = [1]} : vector<16xf32> to vector<1xf32>
    %squeeze3A_31 = vector.extract %slice3A_30[0] : f32 from vector<1xf32>
    %slice3A_32 = vector.extract_strided_slice %get3A_8 {offsets = [3], sizes = [1], strides = [1]} : vector<16xf32> to vector<1xf32>
    %squeeze3A_33 = vector.extract %slice3A_32[0] : f32 from vector<1xf32>
    %slice3A_34 = vector.extract_strided_slice %get3A_2 {offsets = [4], sizes = [1], strides = [1]} : vector<16xf32> to vector<1xf32>
    %squeeze3A_35 = vector.extract %slice3A_34[0] : f32 from vector<1xf32>
    %slice3A_36 = vector.extract_strided_slice %get3A_5 {offsets = [4], sizes = [1], strides = [1]} : vector<16xf32> to vector<1xf32>
    %squeeze3A_37 = vector.extract %slice3A_36[0] : f32 from vector<1xf32>
    %slice3A_38 = vector.extract_strided_slice %get3A_8 {offsets = [4], sizes = [1], strides = [1]} : vector<16xf32> to vector<1xf32>
    %squeeze3A_39 = vector.extract %slice3A_38[0] : f32 from vector<1xf32>
    %slice3A_40 = vector.extract_strided_slice %get3A_2 {offsets = [5], sizes = [1], strides = [1]} : vector<16xf32> to vector<1xf32>
    %squeeze3A_41 = vector.extract %slice3A_40[0] : f32 from vector<1xf32>
    %slice3A_42 = vector.extract_strided_slice %get3A_5 {offsets = [5], sizes = [1], strides = [1]} : vector<16xf32> to vector<1xf32>
    %squeeze3A_43 = vector.extract %slice3A_42[0] : f32 from vector<1xf32>
    %slice3A_44 = vector.extract_strided_slice %get3A_8 {offsets = [5], sizes = [1], strides = [1]} : vector<16xf32> to vector<1xf32>
    %squeeze3A_45 = vector.extract %slice3A_44[0] : f32 from vector<1xf32>
    %slice3A_46 = vector.extract_strided_slice %get3A_2 {offsets = [6], sizes = [1], strides = [1]} : vector<16xf32> to vector<1xf32>
    %squeeze3A_47 = vector.extract %slice3A_46[0] : f32 from vector<1xf32>
    %slice3A_48 = vector.extract_strided_slice %get3A_5 {offsets = [6], sizes = [1], strides = [1]} : vector<16xf32> to vector<1xf32>
    %squeeze3A_49 = vector.extract %slice3A_48[0] : f32 from vector<1xf32>
    %slice3A_50 = vector.extract_strided_slice %get3A_8 {offsets = [6], sizes = [1], strides = [1]} : vector<16xf32> to vector<1xf32>
    %squeeze3A_51 = vector.extract %slice3A_50[0] : f32 from vector<1xf32>
    %slice3A_52 = vector.extract_strided_slice %get3A_2 {offsets = [7], sizes = [1], strides = [1]} : vector<16xf32> to vector<1xf32>
    %squeeze3A_53 = vector.extract %slice3A_52[0] : f32 from vector<1xf32>
    %slice3A_54 = vector.extract_strided_slice %get3A_5 {offsets = [7], sizes = [1], strides = [1]} : vector<16xf32> to vector<1xf32>
    %squeeze3A_55 = vector.extract %slice3A_54[0] : f32 from vector<1xf32>
    %slice3A_56 = vector.extract_strided_slice %get3A_8 {offsets = [7], sizes = [1], strides = [1]} : vector<16xf32> to vector<1xf32>
    %squeeze3A_57 = vector.extract %slice3A_56[0] : f32 from vector<1xf32>
    %slice3A_58 = vector.extract_strided_slice %get3A_2 {offsets = [8], sizes = [1], strides = [1]} : vector<16xf32> to vector<1xf32>
    %squeeze3A_59 = vector.extract %slice3A_58[0] : f32 from vector<1xf32>
    %slice3A_60 = vector.extract_strided_slice %get3A_5 {offsets = [8], sizes = [1], strides = [1]} : vector<16xf32> to vector<1xf32>
    %squeeze3A_61 = vector.extract %slice3A_60[0] : f32 from vector<1xf32>
    %slice3A_62 = vector.extract_strided_slice %get3A_8 {offsets = [8], sizes = [1], strides = [1]} : vector<16xf32> to vector<1xf32>
    %squeeze3A_63 = vector.extract %slice3A_62[0] : f32 from vector<1xf32>
    %slice3A_64 = vector.extract_strided_slice %get3A_2 {offsets = [9], sizes = [1], strides = [1]} : vector<16xf32> to vector<1xf32>
    %squeeze3A_65 = vector.extract %slice3A_64[0] : f32 from vector<1xf32>
    %slice3A_66 = vector.extract_strided_slice %get3A_5 {offsets = [9], sizes = [1], strides = [1]} : vector<16xf32> to vector<1xf32>
    %squeeze3A_67 = vector.extract %slice3A_66[0] : f32 from vector<1xf32>
    %slice3A_68 = vector.extract_strided_slice %get3A_8 {offsets = [9], sizes = [1], strides = [1]} : vector<16xf32> to vector<1xf32>
    %squeeze3A_69 = vector.extract %slice3A_68[0] : f32 from vector<1xf32>
    %slice3A_70 = vector.extract_strided_slice %get3A_2 {offsets = [10], sizes = [1], strides = [1]} : vector<16xf32> to vector<1xf32>
    %squeeze3A_71 = vector.extract %slice3A_70[0] : f32 from vector<1xf32>
    %slice3A_72 = vector.extract_strided_slice %get3A_5 {offsets = [10], sizes = [1], strides = [1]} : vector<16xf32> to vector<1xf32>
    %squeeze3A_73 = vector.extract %slice3A_72[0] : f32 from vector<1xf32>
    %slice3A_74 = vector.extract_strided_slice %get3A_8 {offsets = [10], sizes = [1], strides = [1]} : vector<16xf32> to vector<1xf32>
    %squeeze3A_75 = vector.extract %slice3A_74[0] : f32 from vector<1xf32>
    %slice3A_76 = vector.extract_strided_slice %get3A_2 {offsets = [11], sizes = [1], strides = [1]} : vector<16xf32> to vector<1xf32>
    %squeeze3A_77 = vector.extract %slice3A_76[0] : f32 from vector<1xf32>
    %slice3A_78 = vector.extract_strided_slice %get3A_5 {offsets = [11], sizes = [1], strides = [1]} : vector<16xf32> to vector<1xf32>
    %squeeze3A_79 = vector.extract %slice3A_78[0] : f32 from vector<1xf32>
    %slice3A_80 = vector.extract_strided_slice %get3A_8 {offsets = [11], sizes = [1], strides = [1]} : vector<16xf32> to vector<1xf32>
    %squeeze3A_81 = vector.extract %slice3A_80[0] : f32 from vector<1xf32>
    %slice3A_82 = vector.extract_strided_slice %get3A_2 {offsets = [12], sizes = [1], strides = [1]} : vector<16xf32> to vector<1xf32>
    %squeeze3A_83 = vector.extract %slice3A_82[0] : f32 from vector<1xf32>
    %slice3A_84 = vector.extract_strided_slice %get3A_5 {offsets = [12], sizes = [1], strides = [1]} : vector<16xf32> to vector<1xf32>
    %squeeze3A_85 = vector.extract %slice3A_84[0] : f32 from vector<1xf32>
    %slice3A_86 = vector.extract_strided_slice %get3A_8 {offsets = [12], sizes = [1], strides = [1]} : vector<16xf32> to vector<1xf32>
    %squeeze3A_87 = vector.extract %slice3A_86[0] : f32 from vector<1xf32>
    %slice3A_88 = vector.extract_strided_slice %get3A_2 {offsets = [13], sizes = [1], strides = [1]} : vector<16xf32> to vector<1xf32>
    %squeeze3A_89 = vector.extract %slice3A_88[0] : f32 from vector<1xf32>
    %slice3A_90 = vector.extract_strided_slice %get3A_5 {offsets = [13], sizes = [1], strides = [1]} : vector<16xf32> to vector<1xf32>
    %squeeze3A_91 = vector.extract %slice3A_90[0] : f32 from vector<1xf32>
    %slice3A_92 = vector.extract_strided_slice %get3A_8 {offsets = [13], sizes = [1], strides = [1]} : vector<16xf32> to vector<1xf32>
    %squeeze3A_93 = vector.extract %slice3A_92[0] : f32 from vector<1xf32>
    %slice3A_94 = vector.extract_strided_slice %get3A_2 {offsets = [14], sizes = [1], strides = [1]} : vector<16xf32> to vector<1xf32>
    %squeeze3A_95 = vector.extract %slice3A_94[0] : f32 from vector<1xf32>
    %slice3A_96 = vector.extract_strided_slice %get3A_5 {offsets = [14], sizes = [1], strides = [1]} : vector<16xf32> to vector<1xf32>
    %squeeze3A_97 = vector.extract %slice3A_96[0] : f32 from vector<1xf32>
    %slice3A_98 = vector.extract_strided_slice %get3A_8 {offsets = [14], sizes = [1], strides = [1]} : vector<16xf32> to vector<1xf32>
    %squeeze3A_99 = vector.extract %slice3A_98[0] : f32 from vector<1xf32>
    %slice3A_100 = vector.extract_strided_slice %get3A_2 {offsets = [15], sizes = [1], strides = [1]} : vector<16xf32> to vector<1xf32>
    %squeeze3A_101 = vector.extract %slice3A_100[0] : f32 from vector<1xf32>
    %slice3A_102 = vector.extract_strided_slice %get3A_5 {offsets = [15], sizes = [1], strides = [1]} : vector<16xf32> to vector<1xf32>
    %squeeze3A_103 = vector.extract %slice3A_102[0] : f32 from vector<1xf32>
    %slice3A_104 = vector.extract_strided_slice %get3A_8 {offsets = [15], sizes = [1], strides = [1]} : vector<16xf32> to vector<1xf32>
    %squeeze3A_105 = vector.extract %slice3A_104[0] : f32 from vector<1xf32>
    %slice3A_106 = vector.extract_strided_slice %get3A_11 {offsets = [0], sizes = [1], strides = [1]} : vector<16xf32> to vector<1xf32>
    %squeeze3A_107 = vector.extract %slice3A_106[0] : f32 from vector<1xf32>
    %slice3A_108 = vector.extract_strided_slice %get3A_11 {offsets = [1], sizes = [1], strides = [1]} : vector<16xf32> to vector<1xf32>
    %squeeze3A_109 = vector.extract %slice3A_108[0] : f32 from vector<1xf32>
    %slice3A_110 = vector.extract_strided_slice %get3A_11 {offsets = [2], sizes = [1], strides = [1]} : vector<16xf32> to vector<1xf32>
    %squeeze3A_111 = vector.extract %slice3A_110[0] : f32 from vector<1xf32>
    %slice3A_112 = vector.extract_strided_slice %get3A_11 {offsets = [3], sizes = [1], strides = [1]} : vector<16xf32> to vector<1xf32>
    %squeeze3A_113 = vector.extract %slice3A_112[0] : f32 from vector<1xf32>
    %slice3A_114 = vector.extract_strided_slice %get3A_11 {offsets = [4], sizes = [1], strides = [1]} : vector<16xf32> to vector<1xf32>
    %squeeze3A_115 = vector.extract %slice3A_114[0] : f32 from vector<1xf32>
    %slice3A_116 = vector.extract_strided_slice %get3A_11 {offsets = [5], sizes = [1], strides = [1]} : vector<16xf32> to vector<1xf32>
    %squeeze3A_117 = vector.extract %slice3A_116[0] : f32 from vector<1xf32>
    %slice3A_118 = vector.extract_strided_slice %get3A_11 {offsets = [6], sizes = [1], strides = [1]} : vector<16xf32> to vector<1xf32>
    %squeeze3A_119 = vector.extract %slice3A_118[0] : f32 from vector<1xf32>
    %slice3A_120 = vector.extract_strided_slice %get3A_11 {offsets = [7], sizes = [1], strides = [1]} : vector<16xf32> to vector<1xf32>
    %squeeze3A_121 = vector.extract %slice3A_120[0] : f32 from vector<1xf32>
    %slice3A_122 = vector.extract_strided_slice %get3A_11 {offsets = [8], sizes = [1], strides = [1]} : vector<16xf32> to vector<1xf32>
    %squeeze3A_123 = vector.extract %slice3A_122[0] : f32 from vector<1xf32>
    %slice3A_124 = vector.extract_strided_slice %get3A_11 {offsets = [9], sizes = [1], strides = [1]} : vector<16xf32> to vector<1xf32>
    %squeeze3A_125 = vector.extract %slice3A_124[0] : f32 from vector<1xf32>
    %slice3A_126 = vector.extract_strided_slice %get3A_11 {offsets = [10], sizes = [1], strides = [1]} : vector<16xf32> to vector<1xf32>
    %squeeze3A_127 = vector.extract %slice3A_126[0] : f32 from vector<1xf32>
    %slice3A_128 = vector.extract_strided_slice %get3A_11 {offsets = [11], sizes = [1], strides = [1]} : vector<16xf32> to vector<1xf32>
    %squeeze3A_129 = vector.extract %slice3A_128[0] : f32 from vector<1xf32>
    %slice3A_130 = vector.extract_strided_slice %get3A_11 {offsets = [12], sizes = [1], strides = [1]} : vector<16xf32> to vector<1xf32>
    %squeeze3A_131 = vector.extract %slice3A_130[0] : f32 from vector<1xf32>
    %slice3A_132 = vector.extract_strided_slice %get3A_11 {offsets = [13], sizes = [1], strides = [1]} : vector<16xf32> to vector<1xf32>
    %squeeze3A_133 = vector.extract %slice3A_132[0] : f32 from vector<1xf32>
    %slice3A_134 = vector.extract_strided_slice %get3A_11 {offsets = [14], sizes = [1], strides = [1]} : vector<16xf32> to vector<1xf32>
    %squeeze3A_135 = vector.extract %slice3A_134[0] : f32 from vector<1xf32>
    %slice3A_136 = vector.extract_strided_slice %get3A_11 {offsets = [15], sizes = [1], strides = [1]} : vector<16xf32> to vector<1xf32>
    %squeeze3A_137 = vector.extract %slice3A_136[0] : f32 from vector<1xf32>
    %mul3A_138 = arith.constant 15648 : i32
    %mul3A_139 = arith.muli %add3A, %mul3A_138 : i32
    %add3A_140 = arith.constant 0 : i32
    %add3A_141 = arith.addi %mul3A_139, %add3A_140 : i32
    %min3A = arith.constant 497392 : i32
    %min3A_142 = arith.minsi %add3A_141, %min3A : i32
    %multiple_of3A = tpu.assume_multiple %min3A_142, 8 : i32
    %add3A_143 = arith.constant 0 : i32
    %add3A_144 = arith.addi %add3A_143, %multiple_of3A : i32
    %dma_start3A = tpu.memref_slice %arg2[%add3A_144] : memref<1500000xf32, #tpu.memory_space<hbm>> -> memref<2608xf32, #tpu.memory_space<hbm>>
    %dma_start3A_145 = tpu.memref_slice %arg2[%add3A_144] : memref<1500000xf32, #tpu.memory_space<hbm>> -> memref<2608xf32, #tpu.memory_space<hbm>>
    tpu.enqueue_dma source(%dma_start3A_145 : memref<2608xf32, #tpu.memory_space<hbm>>) target(%arg11 : memref<2608xf32, #tpu.memory_space<vmem>>) target_semaphore(%arg21 : memref<!tpu.dma_semaphore, #tpu.memory_space<semaphore_mem>>)
    %add3A_146 = arith.constant 500000 : i32
    %add3A_147 = arith.addi %add3A_146, %multiple_of3A : i32
    %dma_start3A_148 = tpu.memref_slice %arg2[%add3A_147] : memref<1500000xf32, #tpu.memory_space<hbm>> -> memref<2608xf32, #tpu.memory_space<hbm>>
    %dma_start3A_149 = tpu.memref_slice %arg2[%add3A_147] : memref<1500000xf32, #tpu.memory_space<hbm>> -> memref<2608xf32, #tpu.memory_space<hbm>>
    tpu.enqueue_dma source(%dma_start3A_149 : memref<2608xf32, #tpu.memory_space<hbm>>) target(%arg12 : memref<2608xf32, #tpu.memory_space<vmem>>) target_semaphore(%arg21 : memref<!tpu.dma_semaphore, #tpu.memory_space<semaphore_mem>>)
    %add3A_150 = arith.constant 1000000 : i32
    %add3A_151 = arith.addi %add3A_150, %multiple_of3A : i32
    %dma_start3A_152 = tpu.memref_slice %arg2[%add3A_151] : memref<1500000xf32, #tpu.memory_space<hbm>> -> memref<2608xf32, #tpu.memory_space<hbm>>
    %dma_start3A_153 = tpu.memref_slice %arg2[%add3A_151] : memref<1500000xf32, #tpu.memory_space<hbm>> -> memref<2608xf32, #tpu.memory_space<hbm>>
    tpu.enqueue_dma source(%dma_start3A_153 : memref<2608xf32, #tpu.memory_space<hbm>>) target(%arg13 : memref<2608xf32, #tpu.memory_space<vmem>>) target_semaphore(%arg21 : memref<!tpu.dma_semaphore, #tpu.memory_space<semaphore_mem>>)
    %scan3A = arith.constant 0 : i32
    %scan3A_154 = arith.constant 0 : i32
    %scan3A_155 = arith.constant 3 : i32
    %scan3A_156 = arith.addi %scan3A_154, %scan3A_155 : i32
    %scan3A_157 = arith.constant 1 : i32
    scf.for %scan3A_174 = %scan3A_154 to %scan3A_156 step %scan3A_157  : i32 {
      %mul3A_175 = arith.constant 2 : i32
      %mul3A_176 = arith.muli %mul3A_175, %scan3A_174 : i32
      %dma_wait3A_177 = arith.constant 0 : i32
      %dma_wait3A_178 = tpu.memref_slice %arg2[%dma_wait3A_177] : memref<1500000xf32, #tpu.memory_space<hbm>> -> memref<2608xf32, #tpu.memory_space<hbm>>
      %dma_wait3A_179 = arith.constant 0 : i32
      %dma_wait3A_180 = tpu.memref_slice %arg2[%dma_wait3A_179] : memref<1500000xf32, #tpu.memory_space<hbm>> -> memref<2608xf32, #tpu.memory_space<hbm>>
      tpu.wait_dma2 semaphore(%arg21 : memref<!tpu.dma_semaphore, #tpu.memory_space<semaphore_mem>>) src(%dma_wait3A_180 : memref<2608xf32, #tpu.memory_space<hbm>>) dst(%arg11 : memref<2608xf32, #tpu.memory_space<vmem>>)
      %dma_wait3A_181 = arith.constant 0 : i32
      %dma_wait3A_182 = tpu.memref_slice %arg2[%dma_wait3A_181] : memref<1500000xf32, #tpu.memory_space<hbm>> -> memref<2608xf32, #tpu.memory_space<hbm>>
      %dma_wait3A_183 = arith.constant 0 : i32
      %dma_wait3A_184 = tpu.memref_slice %arg2[%dma_wait3A_183] : memref<1500000xf32, #tpu.memory_space<hbm>> -> memref<2608xf32, #tpu.memory_space<hbm>>
      tpu.wait_dma2 semaphore(%arg21 : memref<!tpu.dma_semaphore, #tpu.memory_space<semaphore_mem>>) src(%dma_wait3A_184 : memref<2608xf32, #tpu.memory_space<hbm>>) dst(%arg12 : memref<2608xf32, #tpu.memory_space<vmem>>)
      %dma_wait3A_185 = arith.constant 0 : i32
      %dma_wait3A_186 = tpu.memref_slice %arg2[%dma_wait3A_185] : memref<1500000xf32, #tpu.memory_space<hbm>> -> memref<2608xf32, #tpu.memory_space<hbm>>
      %dma_wait3A_187 = arith.constant 0 : i32
      %dma_wait3A_188 = tpu.memref_slice %arg2[%dma_wait3A_187] : memref<1500000xf32, #tpu.memory_space<hbm>> -> memref<2608xf32, #tpu.memory_space<hbm>>
      tpu.wait_dma2 semaphore(%arg21 : memref<!tpu.dma_semaphore, #tpu.memory_space<semaphore_mem>>) src(%dma_wait3A_188 : memref<2608xf32, #tpu.memory_space<hbm>>) dst(%arg13 : memref<2608xf32, #tpu.memory_space<vmem>>)
      %add3A_189 = arith.constant 1 : i32
      %add3A_190 = arith.addi %mul3A_176, %add3A_189 : i32
      %lt3A = arith.constant 6 : i32
      %lt3A_191 = arith.cmpi slt, %add3A_190, %lt3A : i32
      %convert_element_type3A = arith.extui %lt3A_191 : i1 to i32
      %cond3A = arith.constant 0 : i32
      %cond3A_192 = arith.cmpi ne, %convert_element_type3A, %cond3A : i32
      scf.if %cond3A_192 {
        %add3A_263 = arith.constant 1 : i32
        %add3A_264 = arith.addi %mul3A_176, %add3A_263 : i32
        %mul3A_265 = arith.constant 15648 : i32
        %mul3A_266 = arith.muli %add3A, %mul3A_265 : i32
        %mul3A_267 = arith.constant 2608 : i32
        %mul3A_268 = arith.muli %add3A_264, %mul3A_267 : i32
        %add3A_269 = arith.addi %mul3A_266, %mul3A_268 : i32
        %min3A_270 = arith.constant 497392 : i32
        %min3A_271 = arith.minsi %add3A_269, %min3A_270 : i32
        %multiple_of3A_272 = tpu.assume_multiple %min3A_271, 8 : i32
        %add3A_273 = arith.constant 0 : i32
        %add3A_274 = arith.addi %add3A_273, %multiple_of3A_272 : i32
        %dma_start3A_275 = tpu.memref_slice %arg2[%add3A_274] : memref<1500000xf32, #tpu.memory_space<hbm>> -> memref<2608xf32, #tpu.memory_space<hbm>>
        %dma_start3A_276 = tpu.memref_slice %arg2[%add3A_274] : memref<1500000xf32, #tpu.memory_space<hbm>> -> memref<2608xf32, #tpu.memory_space<hbm>>
        tpu.enqueue_dma source(%dma_start3A_276 : memref<2608xf32, #tpu.memory_space<hbm>>) target(%arg16 : memref<2608xf32, #tpu.memory_space<vmem>>) target_semaphore(%arg22 : memref<!tpu.dma_semaphore, #tpu.memory_space<semaphore_mem>>)
        %add3A_277 = arith.constant 500000 : i32
        %add3A_278 = arith.addi %add3A_277, %multiple_of3A_272 : i32
        %dma_start3A_279 = tpu.memref_slice %arg2[%add3A_278] : memref<1500000xf32, #tpu.memory_space<hbm>> -> memref<2608xf32, #tpu.memory_space<hbm>>
        %dma_start3A_280 = tpu.memref_slice %arg2[%add3A_278] : memref<1500000xf32, #tpu.memory_space<hbm>> -> memref<2608xf32, #tpu.memory_space<hbm>>
        tpu.enqueue_dma source(%dma_start3A_280 : memref<2608xf32, #tpu.memory_space<hbm>>) target(%arg17 : memref<2608xf32, #tpu.memory_space<vmem>>) target_semaphore(%arg22 : memref<!tpu.dma_semaphore, #tpu.memory_space<semaphore_mem>>)
        %add3A_281 = arith.constant 1000000 : i32
        %add3A_282 = arith.addi %add3A_281, %multiple_of3A_272 : i32
        %dma_start3A_283 = tpu.memref_slice %arg2[%add3A_282] : memref<1500000xf32, #tpu.memory_space<hbm>> -> memref<2608xf32, #tpu.memory_space<hbm>>
        %dma_start3A_284 = tpu.memref_slice %arg2[%add3A_282] : memref<1500000xf32, #tpu.memory_space<hbm>> -> memref<2608xf32, #tpu.memory_space<hbm>>
        tpu.enqueue_dma source(%dma_start3A_284 : memref<2608xf32, #tpu.memory_space<hbm>>) target(%arg18 : memref<2608xf32, #tpu.memory_space<vmem>>) target_semaphore(%arg22 : memref<!tpu.dma_semaphore, #tpu.memory_space<semaphore_mem>>)
      } else {
      }
      %ge3A = arith.constant 1 : i32
      %ge3A_193 = arith.cmpi sge, %scan3A_174, %ge3A : i32
      %convert_element_type3A_194 = arith.extui %ge3A_193 : i1 to i32
      %cond3A_195 = arith.constant 0 : i32
      %cond3A_196 = arith.cmpi ne, %convert_element_type3A_194, %cond3A_195 : i32
      scf.if %cond3A_196 {
        %dma_wait3A_263 = arith.constant 0 : i32
        %dma_wait3A_264 = tpu.memref_slice %arg6[%dma_wait3A_263] : memref<500000xf32, #tpu.memory_space<hbm>> -> memref<2608xf32, #tpu.memory_space<hbm>>
        %dma_wait3A_265 = arith.constant 0 : i32
        %dma_wait3A_266 = tpu.memref_slice %arg6[%dma_wait3A_265] : memref<500000xf32, #tpu.memory_space<hbm>> -> memref<2608xf32, #tpu.memory_space<hbm>>
        tpu.wait_dma2 semaphore(%arg23 : memref<!tpu.dma_semaphore, #tpu.memory_space<semaphore_mem>>) src(%arg14 : memref<2608xf32, #tpu.memory_space<vmem>>) dst(%dma_wait3A_266 : memref<2608xf32, #tpu.memory_space<hbm>>)
        %dma_wait3A_267 = arith.constant 0 : i32
        %dma_wait3A_268 = tpu.memref_slice %arg7[%dma_wait3A_267] : memref<8000000xf32, #tpu.memory_space<hbm>> -> memref<41728xf32, #tpu.memory_space<hbm>>
        %dma_wait3A_269 = arith.constant 0 : i32
        %dma_wait3A_270 = tpu.memref_slice %arg7[%dma_wait3A_269] : memref<8000000xf32, #tpu.memory_space<hbm>> -> memref<41728xf32, #tpu.memory_space<hbm>>
        tpu.wait_dma2 semaphore(%arg23 : memref<!tpu.dma_semaphore, #tpu.memory_space<semaphore_mem>>) src(%arg15 : memref<41728xf32, #tpu.memory_space<vmem>>) dst(%dma_wait3A_270 : memref<41728xf32, #tpu.memory_space<hbm>>)
      } else {
      }
      %scan3A_197 = arith.constant 0 : i32
      %scan3A_198 = arith.constant 0 : i32
      %scan3A_199 = arith.constant 163 : i32
      %scan3A_200 = arith.addi %scan3A_198, %scan3A_199 : i32
      %scan3A_201 = arith.constant 1 : i32
      scf.for %scan3A_263 = %scan3A_198 to %scan3A_200 step %scan3A_201  : i32 {
        %mul3A_264 = arith.constant 16 : i32
        %mul3A_265 = arith.muli %scan3A_263, %mul3A_264 : i32
        %multiple_of3A_266 = tpu.assume_multiple %mul3A_265, 8 : i32
        %get3A_267 = arith.index_cast %multiple_of3A_266 : i32 to index
        %get3A_268 = tpu.vector_load %arg11[%get3A_267] {strides = array<i32>} : memref<2608xf32, #tpu.memory_space<vmem>>, vector<16xf32>,
        %get3A_269 = vector.shape_cast %get3A_268 : vector<16xf32> to vector<16xf32>
        %get3A_270 = arith.index_cast %multiple_of3A_266 : i32 to index
        %get3A_271 = tpu.vector_load %arg12[%get3A_270] {strides = array<i32>} : memref<2608xf32, #tpu.memory_space<vmem>>, vector<16xf32>,
        %get3A_272 = vector.shape_cast %get3A_271 : vector<16xf32> to vector<16xf32>
        %get3A_273 = arith.index_cast %multiple_of3A_266 : i32 to index
        %get3A_274 = tpu.vector_load %arg13[%get3A_273] {strides = array<i32>} : memref<2608xf32, #tpu.memory_space<vmem>>, vector<16xf32>,
        %get3A_275 = vector.shape_cast %get3A_274 : vector<16xf32> to vector<16xf32>
        %mul3A_276 = vector.broadcast %squeeze3A : f32 to vector<16xf32>
        %mul3A_277 = arith.mulf %get3A_269, %mul3A_276 : vector<16xf32>
        %mul3A_278 = vector.broadcast %squeeze3A_13 : f32 to vector<16xf32>
        %mul3A_279 = arith.mulf %get3A_272, %mul3A_278 : vector<16xf32>
        %add3A_280 = arith.addf %mul3A_277, %mul3A_279 : vector<16xf32>
        %mul3A_281 = vector.broadcast %squeeze3A_15 : f32 to vector<16xf32>
        %mul3A_282 = arith.mulf %get3A_275, %mul3A_281 : vector<16xf32>
        %add3A_283 = arith.addf %add3A_280, %mul3A_282 : vector<16xf32>
        %add3A_284 = vector.broadcast %squeeze3A_107 : f32 to vector<16xf32>
        %add3A_285 = arith.addf %add3A_283, %add3A_284 : vector<16xf32>
        %broadcast_in_dim3A = arith.constant 0 : i32
        %broadcast_in_dim3A_286 = vector.broadcast %broadcast_in_dim3A : i32 to vector<16xi32>
        %mul3A_287 = vector.broadcast %squeeze3A_17 : f32 to vector<16xf32>
        %mul3A_288 = arith.mulf %get3A_269, %mul3A_287 : vector<16xf32>
        %mul3A_289 = vector.broadcast %squeeze3A_19 : f32 to vector<16xf32>
        %mul3A_290 = arith.mulf %get3A_272, %mul3A_289 : vector<16xf32>
        %add3A_291 = arith.addf %mul3A_288, %mul3A_290 : vector<16xf32>
        %mul3A_292 = vector.broadcast %squeeze3A_21 : f32 to vector<16xf32>
        %mul3A_293 = arith.mulf %get3A_275, %mul3A_292 : vector<16xf32>
        %add3A_294 = arith.addf %add3A_291, %mul3A_293 : vector<16xf32>
        %add3A_295 = vector.broadcast %squeeze3A_109 : f32 to vector<16xf32>
        %add3A_296 = arith.addf %add3A_294, %add3A_295 : vector<16xf32>
        %lt3A_297 = arith.cmpf olt, %add3A_296, %add3A_285 : vector<16xf32>
        %jit3A = arith.constant 1 : i32
        %broadcast_in_dim3A_298 = vector.broadcast %jit3A : i32 to vector<16xi32>
        %select_n3A = arith.select %lt3A_297, %broadcast_in_dim3A_298, %broadcast_in_dim3A_286 : vector<16xi1>, vector<16xi32>
        %select_n3A_299 = arith.select %lt3A_297, %add3A_296, %add3A_285 : vector<16xi1>, vector<16xf32>
        %mul3A_300 = vector.broadcast %squeeze3A_23 : f32 to vector<16xf32>
        %mul3A_301 = arith.mulf %get3A_269, %mul3A_300 : vector<16xf32>
        %mul3A_302 = vector.broadcast %squeeze3A_25 : f32 to vector<16xf32>
        %mul3A_303 = arith.mulf %get3A_272, %mul3A_302 : vector<16xf32>
        %add3A_304 = arith.addf %mul3A_301, %mul3A_303 : vector<16xf32>
        %mul3A_305 = vector.broadcast %squeeze3A_27 : f32 to vector<16xf32>
        %mul3A_306 = arith.mulf %get3A_275, %mul3A_305 : vector<16xf32>
        %add3A_307 = arith.addf %add3A_304, %mul3A_306 : vector<16xf32>
        %add3A_308 = vector.broadcast %squeeze3A_111 : f32 to vector<16xf32>
        %add3A_309 = arith.addf %add3A_307, %add3A_308 : vector<16xf32>
        %lt3A_310 = arith.cmpf olt, %add3A_309, %select_n3A_299 : vector<16xf32>
        %jit3A_311 = arith.constant 2 : i32
        %broadcast_in_dim3A_312 = vector.broadcast %jit3A_311 : i32 to vector<16xi32>
        %select_n3A_313 = arith.select %lt3A_310, %broadcast_in_dim3A_312, %select_n3A : vector<16xi1>, vector<16xi32>
        %select_n3A_314 = arith.select %lt3A_310, %add3A_309, %select_n3A_299 : vector<16xi1>, vector<16xf32>
        %mul3A_315 = vector.broadcast %squeeze3A_29 : f32 to vector<16xf32>
        %mul3A_316 = arith.mulf %get3A_269, %mul3A_315 : vector<16xf32>
        %mul3A_317 = vector.broadcast %squeeze3A_31 : f32 to vector<16xf32>
        %mul3A_318 = arith.mulf %get3A_272, %mul3A_317 : vector<16xf32>
        %add3A_319 = arith.addf %mul3A_316, %mul3A_318 : vector<16xf32>
        %mul3A_320 = vector.broadcast %squeeze3A_33 : f32 to vector<16xf32>
        %mul3A_321 = arith.mulf %get3A_275, %mul3A_320 : vector<16xf32>
        %add3A_322 = arith.addf %add3A_319, %mul3A_321 : vector<16xf32>
        %add3A_323 = vector.broadcast %squeeze3A_113 : f32 to vector<16xf32>
        %add3A_324 = arith.addf %add3A_322, %add3A_323 : vector<16xf32>
        %lt3A_325 = arith.cmpf olt, %add3A_324, %select_n3A_314 : vector<16xf32>
        %jit3A_326 = arith.constant 3 : i32
        %broadcast_in_dim3A_327 = vector.broadcast %jit3A_326 : i32 to vector<16xi32>
        %select_n3A_328 = arith.select %lt3A_325, %broadcast_in_dim3A_327, %select_n3A_313 : vector<16xi1>, vector<16xi32>
        %select_n3A_329 = arith.select %lt3A_325, %add3A_324, %select_n3A_314 : vector<16xi1>, vector<16xf32>
        %mul3A_330 = vector.broadcast %squeeze3A_35 : f32 to vector<16xf32>
        %mul3A_331 = arith.mulf %get3A_269, %mul3A_330 : vector<16xf32>
        %mul3A_332 = vector.broadcast %squeeze3A_37 : f32 to vector<16xf32>
        %mul3A_333 = arith.mulf %get3A_272, %mul3A_332 : vector<16xf32>
        %add3A_334 = arith.addf %mul3A_331, %mul3A_333 : vector<16xf32>
        %mul3A_335 = vector.broadcast %squeeze3A_39 : f32 to vector<16xf32>
        %mul3A_336 = arith.mulf %get3A_275, %mul3A_335 : vector<16xf32>
        %add3A_337 = arith.addf %add3A_334, %mul3A_336 : vector<16xf32>
        %add3A_338 = vector.broadcast %squeeze3A_115 : f32 to vector<16xf32>
        %add3A_339 = arith.addf %add3A_337, %add3A_338 : vector<16xf32>
        %lt3A_340 = arith.cmpf olt, %add3A_339, %select_n3A_329 : vector<16xf32>
        %jit3A_341 = arith.constant 4 : i32
        %broadcast_in_dim3A_342 = vector.broadcast %jit3A_341 : i32 to vector<16xi32>
        %select_n3A_343 = arith.select %lt3A_340, %broadcast_in_dim3A_342, %select_n3A_328 : vector<16xi1>, vector<16xi32>
        %select_n3A_344 = arith.select %lt3A_340, %add3A_339, %select_n3A_329 : vector<16xi1>, vector<16xf32>
        %mul3A_345 = vector.broadcast %squeeze3A_41 : f32 to vector<16xf32>
        %mul3A_346 = arith.mulf %get3A_269, %mul3A_345 : vector<16xf32>
        %mul3A_347 = vector.broadcast %squeeze3A_43 : f32 to vector<16xf32>
        %mul3A_348 = arith.mulf %get3A_272, %mul3A_347 : vector<16xf32>
        %add3A_349 = arith.addf %mul3A_346, %mul3A_348 : vector<16xf32>
        %mul3A_350 = vector.broadcast %squeeze3A_45 : f32 to vector<16xf32>
        %mul3A_351 = arith.mulf %get3A_275, %mul3A_350 : vector<16xf32>
        %add3A_352 = arith.addf %add3A_349, %mul3A_351 : vector<16xf32>
        %add3A_353 = vector.broadcast %squeeze3A_117 : f32 to vector<16xf32>
        %add3A_354 = arith.addf %add3A_352, %add3A_353 : vector<16xf32>
        %lt3A_355 = arith.cmpf olt, %add3A_354, %select_n3A_344 : vector<16xf32>
        %jit3A_356 = arith.constant 5 : i32
        %broadcast_in_dim3A_357 = vector.broadcast %jit3A_356 : i32 to vector<16xi32>
        %select_n3A_358 = arith.select %lt3A_355, %broadcast_in_dim3A_357, %select_n3A_343 : vector<16xi1>, vector<16xi32>
        %select_n3A_359 = arith.select %lt3A_355, %add3A_354, %select_n3A_344 : vector<16xi1>, vector<16xf32>
        %mul3A_360 = vector.broadcast %squeeze3A_47 : f32 to vector<16xf32>
        %mul3A_361 = arith.mulf %get3A_269, %mul3A_360 : vector<16xf32>
        %mul3A_362 = vector.broadcast %squeeze3A_49 : f32 to vector<16xf32>
        %mul3A_363 = arith.mulf %get3A_272, %mul3A_362 : vector<16xf32>
        %add3A_364 = arith.addf %mul3A_361, %mul3A_363 : vector<16xf32>
        %mul3A_365 = vector.broadcast %squeeze3A_51 : f32 to vector<16xf32>
        %mul3A_366 = arith.mulf %get3A_275, %mul3A_365 : vector<16xf32>
        %add3A_367 = arith.addf %add3A_364, %mul3A_366 : vector<16xf32>
        %add3A_368 = vector.broadcast %squeeze3A_119 : f32 to vector<16xf32>
        %add3A_369 = arith.addf %add3A_367, %add3A_368 : vector<16xf32>
        %lt3A_370 = arith.cmpf olt, %add3A_369, %select_n3A_359 : vector<16xf32>
        %jit3A_371 = arith.constant 6 : i32
        %broadcast_in_dim3A_372 = vector.broadcast %jit3A_371 : i32 to vector<16xi32>
        %select_n3A_373 = arith.select %lt3A_370, %broadcast_in_dim3A_372, %select_n3A_358 : vector<16xi1>, vector<16xi32>
        %select_n3A_374 = arith.select %lt3A_370, %add3A_369, %select_n3A_359 : vector<16xi1>, vector<16xf32>
        %mul3A_375 = vector.broadcast %squeeze3A_53 : f32 to vector<16xf32>
        %mul3A_376 = arith.mulf %get3A_269, %mul3A_375 : vector<16xf32>
        %mul3A_377 = vector.broadcast %squeeze3A_55 : f32 to vector<16xf32>
        %mul3A_378 = arith.mulf %get3A_272, %mul3A_377 : vector<16xf32>
        %add3A_379 = arith.addf %mul3A_376, %mul3A_378 : vector<16xf32>
        %mul3A_380 = vector.broadcast %squeeze3A_57 : f32 to vector<16xf32>
        %mul3A_381 = arith.mulf %get3A_275, %mul3A_380 : vector<16xf32>
        %add3A_382 = arith.addf %add3A_379, %mul3A_381 : vector<16xf32>
        %add3A_383 = vector.broadcast %squeeze3A_121 : f32 to vector<16xf32>
        %add3A_384 = arith.addf %add3A_382, %add3A_383 : vector<16xf32>
        %lt3A_385 = arith.cmpf olt, %add3A_384, %select_n3A_374 : vector<16xf32>
        %jit3A_386 = arith.constant 7 : i32
        %broadcast_in_dim3A_387 = vector.broadcast %jit3A_386 : i32 to vector<16xi32>
        %select_n3A_388 = arith.select %lt3A_385, %broadcast_in_dim3A_387, %select_n3A_373 : vector<16xi1>, vector<16xi32>
        %select_n3A_389 = arith.select %lt3A_385, %add3A_384, %select_n3A_374 : vector<16xi1>, vector<16xf32>
        %mul3A_390 = vector.broadcast %squeeze3A_59 : f32 to vector<16xf32>
        %mul3A_391 = arith.mulf %get3A_269, %mul3A_390 : vector<16xf32>
        %mul3A_392 = vector.broadcast %squeeze3A_61 : f32 to vector<16xf32>
        %mul3A_393 = arith.mulf %get3A_272, %mul3A_392 : vector<16xf32>
        %add3A_394 = arith.addf %mul3A_391, %mul3A_393 : vector<16xf32>
        %mul3A_395 = vector.broadcast %squeeze3A_63 : f32 to vector<16xf32>
        %mul3A_396 = arith.mulf %get3A_275, %mul3A_395 : vector<16xf32>
        %add3A_397 = arith.addf %add3A_394, %mul3A_396 : vector<16xf32>
        %add3A_398 = vector.broadcast %squeeze3A_123 : f32 to vector<16xf32>
        %add3A_399 = arith.addf %add3A_397, %add3A_398 : vector<16xf32>
        %lt3A_400 = arith.cmpf olt, %add3A_399, %select_n3A_389 : vector<16xf32>
        %jit3A_401 = arith.constant 8 : i32
        %broadcast_in_dim3A_402 = vector.broadcast %jit3A_401 : i32 to vector<16xi32>
        %select_n3A_403 = arith.select %lt3A_400, %broadcast_in_dim3A_402, %select_n3A_388 : vector<16xi1>, vector<16xi32>
        %select_n3A_404 = arith.select %lt3A_400, %add3A_399, %select_n3A_389 : vector<16xi1>, vector<16xf32>
        %mul3A_405 = vector.broadcast %squeeze3A_65 : f32 to vector<16xf32>
        %mul3A_406 = arith.mulf %get3A_269, %mul3A_405 : vector<16xf32>
        %mul3A_407 = vector.broadcast %squeeze3A_67 : f32 to vector<16xf32>
        %mul3A_408 = arith.mulf %get3A_272, %mul3A_407 : vector<16xf32>
        %add3A_409 = arith.addf %mul3A_406, %mul3A_408 : vector<16xf32>
        %mul3A_410 = vector.broadcast %squeeze3A_69 : f32 to vector<16xf32>
        %mul3A_411 = arith.mulf %get3A_275, %mul3A_410 : vector<16xf32>
        %add3A_412 = arith.addf %add3A_409, %mul3A_411 : vector<16xf32>
        %add3A_413 = vector.broadcast %squeeze3A_125 : f32 to vector<16xf32>
        %add3A_414 = arith.addf %add3A_412, %add3A_413 : vector<16xf32>
        %lt3A_415 = arith.cmpf olt, %add3A_414, %select_n3A_404 : vector<16xf32>
        %jit3A_416 = arith.constant 9 : i32
        %broadcast_in_dim3A_417 = vector.broadcast %jit3A_416 : i32 to vector<16xi32>
        %select_n3A_418 = arith.select %lt3A_415, %broadcast_in_dim3A_417, %select_n3A_403 : vector<16xi1>, vector<16xi32>
        %select_n3A_419 = arith.select %lt3A_415, %add3A_414, %select_n3A_404 : vector<16xi1>, vector<16xf32>
        %mul3A_420 = vector.broadcast %squeeze3A_71 : f32 to vector<16xf32>
        %mul3A_421 = arith.mulf %get3A_269, %mul3A_420 : vector<16xf32>
        %mul3A_422 = vector.broadcast %squeeze3A_73 : f32 to vector<16xf32>
        %mul3A_423 = arith.mulf %get3A_272, %mul3A_422 : vector<16xf32>
        %add3A_424 = arith.addf %mul3A_421, %mul3A_423 : vector<16xf32>
        %mul3A_425 = vector.broadcast %squeeze3A_75 : f32 to vector<16xf32>
        %mul3A_426 = arith.mulf %get3A_275, %mul3A_425 : vector<16xf32>
        %add3A_427 = arith.addf %add3A_424, %mul3A_426 : vector<16xf32>
        %add3A_428 = vector.broadcast %squeeze3A_127 : f32 to vector<16xf32>
        %add3A_429 = arith.addf %add3A_427, %add3A_428 : vector<16xf32>
        %lt3A_430 = arith.cmpf olt, %add3A_429, %select_n3A_419 : vector<16xf32>
        %jit3A_431 = arith.constant 10 : i32
        %broadcast_in_dim3A_432 = vector.broadcast %jit3A_431 : i32 to vector<16xi32>
        %select_n3A_433 = arith.select %lt3A_430, %broadcast_in_dim3A_432, %select_n3A_418 : vector<16xi1>, vector<16xi32>
        %select_n3A_434 = arith.select %lt3A_430, %add3A_429, %select_n3A_419 : vector<16xi1>, vector<16xf32>
        %mul3A_435 = vector.broadcast %squeeze3A_77 : f32 to vector<16xf32>
        %mul3A_436 = arith.mulf %get3A_269, %mul3A_435 : vector<16xf32>
        %mul3A_437 = vector.broadcast %squeeze3A_79 : f32 to vector<16xf32>
        %mul3A_438 = arith.mulf %get3A_272, %mul3A_437 : vector<16xf32>
        %add3A_439 = arith.addf %mul3A_436, %mul3A_438 : vector<16xf32>
        %mul3A_440 = vector.broadcast %squeeze3A_81 : f32 to vector<16xf32>
        %mul3A_441 = arith.mulf %get3A_275, %mul3A_440 : vector<16xf32>
        %add3A_442 = arith.addf %add3A_439, %mul3A_441 : vector<16xf32>
        %add3A_443 = vector.broadcast %squeeze3A_129 : f32 to vector<16xf32>
        %add3A_444 = arith.addf %add3A_442, %add3A_443 : vector<16xf32>
        %lt3A_445 = arith.cmpf olt, %add3A_444, %select_n3A_434 : vector<16xf32>
        %jit3A_446 = arith.constant 11 : i32
        %broadcast_in_dim3A_447 = vector.broadcast %jit3A_446 : i32 to vector<16xi32>
        %select_n3A_448 = arith.select %lt3A_445, %broadcast_in_dim3A_447, %select_n3A_433 : vector<16xi1>, vector<16xi32>
        %select_n3A_449 = arith.select %lt3A_445, %add3A_444, %select_n3A_434 : vector<16xi1>, vector<16xf32>
        %mul3A_450 = vector.broadcast %squeeze3A_83 : f32 to vector<16xf32>
        %mul3A_451 = arith.mulf %get3A_269, %mul3A_450 : vector<16xf32>
        %mul3A_452 = vector.broadcast %squeeze3A_85 : f32 to vector<16xf32>
        %mul3A_453 = arith.mulf %get3A_272, %mul3A_452 : vector<16xf32>
        %add3A_454 = arith.addf %mul3A_451, %mul3A_453 : vector<16xf32>
        %mul3A_455 = vector.broadcast %squeeze3A_87 : f32 to vector<16xf32>
        %mul3A_456 = arith.mulf %get3A_275, %mul3A_455 : vector<16xf32>
        %add3A_457 = arith.addf %add3A_454, %mul3A_456 : vector<16xf32>
        %add3A_458 = vector.broadcast %squeeze3A_131 : f32 to vector<16xf32>
        %add3A_459 = arith.addf %add3A_457, %add3A_458 : vector<16xf32>
        %lt3A_460 = arith.cmpf olt, %add3A_459, %select_n3A_449 : vector<16xf32>
        %jit3A_461 = arith.constant 12 : i32
        %broadcast_in_dim3A_462 = vector.broadcast %jit3A_461 : i32 to vector<16xi32>
        %select_n3A_463 = arith.select %lt3A_460, %broadcast_in_dim3A_462, %select_n3A_448 : vector<16xi1>, vector<16xi32>
        %select_n3A_464 = arith.select %lt3A_460, %add3A_459, %select_n3A_449 : vector<16xi1>, vector<16xf32>
        %mul3A_465 = vector.broadcast %squeeze3A_89 : f32 to vector<16xf32>
        %mul3A_466 = arith.mulf %get3A_269, %mul3A_465 : vector<16xf32>
        %mul3A_467 = vector.broadcast %squeeze3A_91 : f32 to vector<16xf32>
        %mul3A_468 = arith.mulf %get3A_272, %mul3A_467 : vector<16xf32>
        %add3A_469 = arith.addf %mul3A_466, %mul3A_468 : vector<16xf32>
        %mul3A_470 = vector.broadcast %squeeze3A_93 : f32 to vector<16xf32>
        %mul3A_471 = arith.mulf %get3A_275, %mul3A_470 : vector<16xf32>
        %add3A_472 = arith.addf %add3A_469, %mul3A_471 : vector<16xf32>
        %add3A_473 = vector.broadcast %squeeze3A_133 : f32 to vector<16xf32>
        %add3A_474 = arith.addf %add3A_472, %add3A_473 : vector<16xf32>
        %lt3A_475 = arith.cmpf olt, %add3A_474, %select_n3A_464 : vector<16xf32>
        %jit3A_476 = arith.constant 13 : i32
        %broadcast_in_dim3A_477 = vector.broadcast %jit3A_476 : i32 to vector<16xi32>
        %select_n3A_478 = arith.select %lt3A_475, %broadcast_in_dim3A_477, %select_n3A_463 : vector<16xi1>, vector<16xi32>
        %select_n3A_479 = arith.select %lt3A_475, %add3A_474, %select_n3A_464 : vector<16xi1>, vector<16xf32>
        %mul3A_480 = vector.broadcast %squeeze3A_95 : f32 to vector<16xf32>
        %mul3A_481 = arith.mulf %get3A_269, %mul3A_480 : vector<16xf32>
        %mul3A_482 = vector.broadcast %squeeze3A_97 : f32 to vector<16xf32>
        %mul3A_483 = arith.mulf %get3A_272, %mul3A_482 : vector<16xf32>
        %add3A_484 = arith.addf %mul3A_481, %mul3A_483 : vector<16xf32>
        %mul3A_485 = vector.broadcast %squeeze3A_99 : f32 to vector<16xf32>
        %mul3A_486 = arith.mulf %get3A_275, %mul3A_485 : vector<16xf32>
        %add3A_487 = arith.addf %add3A_484, %mul3A_486 : vector<16xf32>
        %add3A_488 = vector.broadcast %squeeze3A_135 : f32 to vector<16xf32>
        %add3A_489 = arith.addf %add3A_487, %add3A_488 : vector<16xf32>
        %lt3A_490 = arith.cmpf olt, %add3A_489, %select_n3A_479 : vector<16xf32>
        %jit3A_491 = arith.constant 14 : i32
        %broadcast_in_dim3A_492 = vector.broadcast %jit3A_491 : i32 to vector<16xi32>
        %select_n3A_493 = arith.select %lt3A_490, %broadcast_in_dim3A_492, %select_n3A_478 : vector<16xi1>, vector<16xi32>
        %select_n3A_494 = arith.select %lt3A_490, %add3A_489, %select_n3A_479 : vector<16xi1>, vector<16xf32>
        %mul3A_495 = vector.broadcast %squeeze3A_101 : f32 to vector<16xf32>
        %mul3A_496 = arith.mulf %get3A_269, %mul3A_495 : vector<16xf32>
        %mul3A_497 = vector.broadcast %squeeze3A_103 : f32 to vector<16xf32>
        %mul3A_498 = arith.mulf %get3A_272, %mul3A_497 : vector<16xf32>
        %add3A_499 = arith.addf %mul3A_496, %mul3A_498 : vector<16xf32>
        %mul3A_500 = vector.broadcast %squeeze3A_105 : f32 to vector<16xf32>
        %mul3A_501 = arith.mulf %get3A_275, %mul3A_500 : vector<16xf32>
        %add3A_502 = arith.addf %add3A_499, %mul3A_501 : vector<16xf32>
        %add3A_503 = vector.broadcast %squeeze3A_137 : f32 to vector<16xf32>
        %add3A_504 = arith.addf %add3A_502, %add3A_503 : vector<16xf32>
        %lt3A_505 = arith.cmpf olt, %add3A_504, %select_n3A_494 : vector<16xf32>
        %jit3A_506 = arith.constant 15 : i32
        %broadcast_in_dim3A_507 = vector.broadcast %jit3A_506 : i32 to vector<16xi32>
        %select_n3A_508 = arith.select %lt3A_505, %broadcast_in_dim3A_507, %select_n3A_493 : vector<16xi1>, vector<16xi32>
        %select_n3A_509 = arith.select %lt3A_505, %add3A_504, %select_n3A_494 : vector<16xi1>, vector<16xf32>
        %swap3A = arith.index_cast %multiple_of3A_266 : i32 to index
        %swap3A_510 = tpu.vector_load %arg14[%swap3A] {strides = array<i32>} : memref<2608xf32, #tpu.memory_space<vmem>>, vector<16xf32>,
        %swap3A_511 = vector.shape_cast %swap3A_510 : vector<16xf32> to vector<16xf32>
        %swap3A_512 = vector.shape_cast %select_n3A_509 : vector<16xf32> to vector<16xf32>
        tpu.vector_store %arg14[%swap3A], %swap3A_512 {strides = array<i32>} : memref<2608xf32, #tpu.memory_space<vmem>>, vector<16xf32>,
        %mul3A_513 = arith.constant 48 : i32
        %mul3A_514 = vector.broadcast %mul3A_513 : i32 to vector<16xi32>
        %mul3A_515 = arith.muli %select_n3A_508, %mul3A_514 : vector<16xi32>
        %slice3A_516 = vector.extract_strided_slice %mul3A_515 {offsets = [0], sizes = [1], strides = [1]} : vector<16xi32> to vector<1xi32>
        %squeeze3A_517 = vector.extract %slice3A_516[0] : i32 from vector<1xi32>
        %multiple_of3A_518 = tpu.assume_multiple %squeeze3A_517, 16 : i32
        %get3A_519 = arith.index_cast %multiple_of3A_518 : i32 to index
        %get3A_520 = tpu.vector_load %arg10[%get3A_519] {strides = array<i32>} : memref<768xf32, #tpu.memory_space<vmem>>, vector<16xf32>,
        %get3A_521 = vector.shape_cast %get3A_520 : vector<16xf32> to vector<16xf32>
        %add3A_522 = arith.constant 16 : i32
        %add3A_523 = arith.addi %multiple_of3A_518, %add3A_522 : i32
        %get3A_524 = arith.index_cast %add3A_523 : i32 to index
        %get3A_525 = tpu.vector_load %arg10[%get3A_524] {strides = array<i32>} : memref<768xf32, #tpu.memory_space<vmem>>, vector<16xf32>,
        %get3A_526 = vector.shape_cast %get3A_525 : vector<16xf32> to vector<16xf32>
        %add3A_527 = arith.constant 32 : i32
        %add3A_528 = arith.addi %multiple_of3A_518, %add3A_527 : i32
        %get3A_529 = arith.index_cast %add3A_528 : i32 to index
        %get3A_530 = tpu.vector_load %arg10[%get3A_529] {strides = array<i32>} : memref<768xf32, #tpu.memory_space<vmem>>, vector<16xf32>,
        %get3A_531 = vector.shape_cast %get3A_530 : vector<16xf32> to vector<16xf32>
        %slice3A_532 = vector.extract_strided_slice %get3A_269 {offsets = [0], sizes = [1], strides = [1]} : vector<16xf32> to vector<1xf32>
        %squeeze3A_533 = vector.extract %slice3A_532[0] : f32 from vector<1xf32>
        %mul3A_534 = vector.broadcast %squeeze3A_533 : f32 to vector<16xf32>
        %mul3A_535 = arith.mulf %mul3A_534, %get3A_521 : vector<16xf32>
        %slice3A_536 = vector.extract_strided_slice %get3A_272 {offsets = [0], sizes = [1], strides = [1]} : vector<16xf32> to vector<1xf32>
        %squeeze3A_537 = vector.extract %slice3A_536[0] : f32 from vector<1xf32>
        %mul3A_538 = vector.broadcast %squeeze3A_537 : f32 to vector<16xf32>
        %mul3A_539 = arith.mulf %mul3A_538, %get3A_526 : vector<16xf32>
        %add3A_540 = arith.addf %mul3A_535, %mul3A_539 : vector<16xf32>
        %slice3A_541 = vector.extract_strided_slice %get3A_275 {offsets = [0], sizes = [1], strides = [1]} : vector<16xf32> to vector<1xf32>
        %squeeze3A_542 = vector.extract %slice3A_541[0] : f32 from vector<1xf32>
        %mul3A_543 = vector.broadcast %squeeze3A_542 : f32 to vector<16xf32>
        %mul3A_544 = arith.mulf %mul3A_543, %get3A_531 : vector<16xf32>
        %add3A_545 = arith.addf %add3A_540, %mul3A_544 : vector<16xf32>
        %add3A_546 = arith.constant 0 : i32
        %add3A_547 = arith.addi %multiple_of3A_266, %add3A_546 : i32
        %mul3A_548 = arith.constant 16 : i32
        %mul3A_549 = arith.muli %add3A_547, %mul3A_548 : i32
        %multiple_of3A_550 = tpu.assume_multiple %mul3A_549, 16 : i32
        %swap3A_551 = arith.index_cast %multiple_of3A_550 : i32 to index
        %swap3A_552 = tpu.vector_load %arg15[%swap3A_551] {strides = array<i32>} : memref<41728xf32, #tpu.memory_space<vmem>>, vector<16xf32>,
        %swap3A_553 = vector.shape_cast %swap3A_552 : vector<16xf32> to vector<16xf32>
        %swap3A_554 = vector.shape_cast %add3A_545 : vector<16xf32> to vector<16xf32>
        tpu.vector_store %arg15[%swap3A_551], %swap3A_554 {strides = array<i32>} : memref<41728xf32, #tpu.memory_space<vmem>>, vector<16xf32>,
        %slice3A_555 = vector.extract_strided_slice %mul3A_515 {offsets = [1], sizes = [1], strides = [1]} : vector<16xi32> to vector<1xi32>
        %squeeze3A_556 = vector.extract %slice3A_555[0] : i32 from vector<1xi32>
        %multiple_of3A_557 = tpu.assume_multiple %squeeze3A_556, 16 : i32
        %get3A_558 = arith.index_cast %multiple_of3A_557 : i32 to index
        %get3A_559 = tpu.vector_load %arg10[%get3A_558] {strides = array<i32>} : memref<768xf32, #tpu.memory_space<vmem>>, vector<16xf32>,
        %get3A_560 = vector.shape_cast %get3A_559 : vector<16xf32> to vector<16xf32>
        %add3A_561 = arith.constant 16 : i32
        %add3A_562 = arith.addi %multiple_of3A_557, %add3A_561 : i32
        %get3A_563 = arith.index_cast %add3A_562 : i32 to index
        %get3A_564 = tpu.vector_load %arg10[%get3A_563] {strides = array<i32>} : memref<768xf32, #tpu.memory_space<vmem>>, vector<16xf32>,
        %get3A_565 = vector.shape_cast %get3A_564 : vector<16xf32> to vector<16xf32>
        %add3A_566 = arith.constant 32 : i32
        %add3A_567 = arith.addi %multiple_of3A_557, %add3A_566 : i32
        %get3A_568 = arith.index_cast %add3A_567 : i32 to index
        %get3A_569 = tpu.vector_load %arg10[%get3A_568] {strides = array<i32>} : memref<768xf32, #tpu.memory_space<vmem>>, vector<16xf32>,
        %get3A_570 = vector.shape_cast %get3A_569 : vector<16xf32> to vector<16xf32>
        %slice3A_571 = vector.extract_strided_slice %get3A_269 {offsets = [1], sizes = [1], strides = [1]} : vector<16xf32> to vector<1xf32>
        %squeeze3A_572 = vector.extract %slice3A_571[0] : f32 from vector<1xf32>
        %mul3A_573 = vector.broadcast %squeeze3A_572 : f32 to vector<16xf32>
        %mul3A_574 = arith.mulf %mul3A_573, %get3A_560 : vector<16xf32>
        %slice3A_575 = vector.extract_strided_slice %get3A_272 {offsets = [1], sizes = [1], strides = [1]} : vector<16xf32> to vector<1xf32>
        %squeeze3A_576 = vector.extract %slice3A_575[0] : f32 from vector<1xf32>
        %mul3A_577 = vector.broadcast %squeeze3A_576 : f32 to vector<16xf32>
        %mul3A_578 = arith.mulf %mul3A_577, %get3A_565 : vector<16xf32>
        %add3A_579 = arith.addf %mul3A_574, %mul3A_578 : vector<16xf32>
        %slice3A_580 = vector.extract_strided_slice %get3A_275 {offsets = [1], sizes = [1], strides = [1]} : vector<16xf32> to vector<1xf32>
        %squeeze3A_581 = vector.extract %slice3A_580[0] : f32 from vector<1xf32>
        %mul3A_582 = vector.broadcast %squeeze3A_581 : f32 to vector<16xf32>
        %mul3A_583 = arith.mulf %mul3A_582, %get3A_570 : vector<16xf32>
        %add3A_584 = arith.addf %add3A_579, %mul3A_583 : vector<16xf32>
        %add3A_585 = arith.constant 1 : i32
        %add3A_586 = arith.addi %multiple_of3A_266, %add3A_585 : i32
        %mul3A_587 = arith.constant 16 : i32
        %mul3A_588 = arith.muli %add3A_586, %mul3A_587 : i32
        %multiple_of3A_589 = tpu.assume_multiple %mul3A_588, 16 : i32
        %swap3A_590 = arith.index_cast %multiple_of3A_589 : i32 to index
        %swap3A_591 = tpu.vector_load %arg15[%swap3A_590] {strides = array<i32>} : memref<41728xf32, #tpu.memory_space<vmem>>, vector<16xf32>,
        %swap3A_592 = vector.shape_cast %swap3A_591 : vector<16xf32> to vector<16xf32>
        %swap3A_593 = vector.shape_cast %add3A_584 : vector<16xf32> to vector<16xf32>
        tpu.vector_store %arg15[%swap3A_590], %swap3A_593 {strides = array<i32>} : memref<41728xf32, #tpu.memory_space<vmem>>, vector<16xf32>,
        %slice3A_594 = vector.extract_strided_slice %mul3A_515 {offsets = [2], sizes = [1], strides = [1]} : vector<16xi32> to vector<1xi32>
        %squeeze3A_595 = vector.extract %slice3A_594[0] : i32 from vector<1xi32>
        %multiple_of3A_596 = tpu.assume_multiple %squeeze3A_595, 16 : i32
        %get3A_597 = arith.index_cast %multiple_of3A_596 : i32 to index
        %get3A_598 = tpu.vector_load %arg10[%get3A_597] {strides = array<i32>} : memref<768xf32, #tpu.memory_space<vmem>>, vector<16xf32>,
        %get3A_599 = vector.shape_cast %get3A_598 : vector<16xf32> to vector<16xf32>
        %add3A_600 = arith.constant 16 : i32
        %add3A_601 = arith.addi %multiple_of3A_596, %add3A_600 : i32
        %get3A_602 = arith.index_cast %add3A_601 : i32 to index
        %get3A_603 = tpu.vector_load %arg10[%get3A_602] {strides = array<i32>} : memref<768xf32, #tpu.memory_space<vmem>>, vector<16xf32>,
        %get3A_604 = vector.shape_cast %get3A_603 : vector<16xf32> to vector<16xf32>
        %add3A_605 = arith.constant 32 : i32
        %add3A_606 = arith.addi %multiple_of3A_596, %add3A_605 : i32
        %get3A_607 = arith.index_cast %add3A_606 : i32 to index
        %get3A_608 = tpu.vector_load %arg10[%get3A_607] {strides = array<i32>} : memref<768xf32, #tpu.memory_space<vmem>>, vector<16xf32>,
        %get3A_609 = vector.shape_cast %get3A_608 : vector<16xf32> to vector<16xf32>
        %slice3A_610 = vector.extract_strided_slice %get3A_269 {offsets = [2], sizes = [1], strides = [1]} : vector<16xf32> to vector<1xf32>
        %squeeze3A_611 = vector.extract %slice3A_610[0] : f32 from vector<1xf32>
        %mul3A_612 = vector.broadcast %squeeze3A_611 : f32 to vector<16xf32>
        %mul3A_613 = arith.mulf %mul3A_612, %get3A_599 : vector<16xf32>
        %slice3A_614 = vector.extract_strided_slice %get3A_272 {offsets = [2], sizes = [1], strides = [1]} : vector<16xf32> to vector<1xf32>
        %squeeze3A_615 = vector.extract %slice3A_614[0] : f32 from vector<1xf32>
        %mul3A_616 = vector.broadcast %squeeze3A_615 : f32 to vector<16xf32>
        %mul3A_617 = arith.mulf %mul3A_616, %get3A_604 : vector<16xf32>
        %add3A_618 = arith.addf %mul3A_613, %mul3A_617 : vector<16xf32>
        %slice3A_619 = vector.extract_strided_slice %get3A_275 {offsets = [2], sizes = [1], strides = [1]} : vector<16xf32> to vector<1xf32>
        %squeeze3A_620 = vector.extract %slice3A_619[0] : f32 from vector<1xf32>
        %mul3A_621 = vector.broadcast %squeeze3A_620 : f32 to vector<16xf32>
        %mul3A_622 = arith.mulf %mul3A_621, %get3A_609 : vector<16xf32>
        %add3A_623 = arith.addf %add3A_618, %mul3A_622 : vector<16xf32>
        %add3A_624 = arith.constant 2 : i32
        %add3A_625 = arith.addi %multiple_of3A_266, %add3A_624 : i32
        %mul3A_626 = arith.constant 16 : i32
        %mul3A_627 = arith.muli %add3A_625, %mul3A_626 : i32
        %multiple_of3A_628 = tpu.assume_multiple %mul3A_627, 16 : i32
        %swap3A_629 = arith.index_cast %multiple_of3A_628 : i32 to index
        %swap3A_630 = tpu.vector_load %arg15[%swap3A_629] {strides = array<i32>} : memref<41728xf32, #tpu.memory_space<vmem>>, vector<16xf32>,
        %swap3A_631 = vector.shape_cast %swap3A_630 : vector<16xf32> to vector<16xf32>
        %swap3A_632 = vector.shape_cast %add3A_623 : vector<16xf32> to vector<16xf32>
        tpu.vector_store %arg15[%swap3A_629], %swap3A_632 {strides = array<i32>} : memref<41728xf32, #tpu.memory_space<vmem>>, vector<16xf32>,
        %slice3A_633 = vector.extract_strided_slice %mul3A_515 {offsets = [3], sizes = [1], strides = [1]} : vector<16xi32> to vector<1xi32>
        %squeeze3A_634 = vector.extract %slice3A_633[0] : i32 from vector<1xi32>
        %multiple_of3A_635 = tpu.assume_multiple %squeeze3A_634, 16 : i32
        %get3A_636 = arith.index_cast %multiple_of3A_635 : i32 to index
        %get3A_637 = tpu.vector_load %arg10[%get3A_636] {strides = array<i32>} : memref<768xf32, #tpu.memory_space<vmem>>, vector<16xf32>,
        %get3A_638 = vector.shape_cast %get3A_637 : vector<16xf32> to vector<16xf32>
        %add3A_639 = arith.constant 16 : i32
        %add3A_640 = arith.addi %multiple_of3A_635, %add3A_639 : i32
        %get3A_641 = arith.index_cast %add3A_640 : i32 to index
        %get3A_642 = tpu.vector_load %arg10[%get3A_641] {strides = array<i32>} : memref<768xf32, #tpu.memory_space<vmem>>, vector<16xf32>,
        %get3A_643 = vector.shape_cast %get3A_642 : vector<16xf32> to vector<16xf32>
        %add3A_644 = arith.constant 32 : i32
        %add3A_645 = arith.addi %multiple_of3A_635, %add3A_644 : i32
        %get3A_646 = arith.index_cast %add3A_645 : i32 to index
        %get3A_647 = tpu.vector_load %arg10[%get3A_646] {strides = array<i32>} : memref<768xf32, #tpu.memory_space<vmem>>, vector<16xf32>,
        %get3A_648 = vector.shape_cast %get3A_647 : vector<16xf32> to vector<16xf32>
        %slice3A_649 = vector.extract_strided_slice %get3A_269 {offsets = [3], sizes = [1], strides = [1]} : vector<16xf32> to vector<1xf32>
        %squeeze3A_650 = vector.extract %slice3A_649[0] : f32 from vector<1xf32>
        %mul3A_651 = vector.broadcast %squeeze3A_650 : f32 to vector<16xf32>
        %mul3A_652 = arith.mulf %mul3A_651, %get3A_638 : vector<16xf32>
        %slice3A_653 = vector.extract_strided_slice %get3A_272 {offsets = [3], sizes = [1], strides = [1]} : vector<16xf32> to vector<1xf32>
        %squeeze3A_654 = vector.extract %slice3A_653[0] : f32 from vector<1xf32>
        %mul3A_655 = vector.broadcast %squeeze3A_654 : f32 to vector<16xf32>
        %mul3A_656 = arith.mulf %mul3A_655, %get3A_643 : vector<16xf32>
        %add3A_657 = arith.addf %mul3A_652, %mul3A_656 : vector<16xf32>
        %slice3A_658 = vector.extract_strided_slice %get3A_275 {offsets = [3], sizes = [1], strides = [1]} : vector<16xf32> to vector<1xf32>
        %squeeze3A_659 = vector.extract %slice3A_658[0] : f32 from vector<1xf32>
        %mul3A_660 = vector.broadcast %squeeze3A_659 : f32 to vector<16xf32>
        %mul3A_661 = arith.mulf %mul3A_660, %get3A_648 : vector<16xf32>
        %add3A_662 = arith.addf %add3A_657, %mul3A_661 : vector<16xf32>
        %add3A_663 = arith.constant 3 : i32
        %add3A_664 = arith.addi %multiple_of3A_266, %add3A_663 : i32
        %mul3A_665 = arith.constant 16 : i32
        %mul3A_666 = arith.muli %add3A_664, %mul3A_665 : i32
        %multiple_of3A_667 = tpu.assume_multiple %mul3A_666, 16 : i32
        %swap3A_668 = arith.index_cast %multiple_of3A_667 : i32 to index
        %swap3A_669 = tpu.vector_load %arg15[%swap3A_668] {strides = array<i32>} : memref<41728xf32, #tpu.memory_space<vmem>>, vector<16xf32>,
        %swap3A_670 = vector.shape_cast %swap3A_669 : vector<16xf32> to vector<16xf32>
        %swap3A_671 = vector.shape_cast %add3A_662 : vector<16xf32> to vector<16xf32>
        tpu.vector_store %arg15[%swap3A_668], %swap3A_671 {strides = array<i32>} : memref<41728xf32, #tpu.memory_space<vmem>>, vector<16xf32>,
        %slice3A_672 = vector.extract_strided_slice %mul3A_515 {offsets = [4], sizes = [1], strides = [1]} : vector<16xi32> to vector<1xi32>
        %squeeze3A_673 = vector.extract %slice3A_672[0] : i32 from vector<1xi32>
        %multiple_of3A_674 = tpu.assume_multiple %squeeze3A_673, 16 : i32
        %get3A_675 = arith.index_cast %multiple_of3A_674 : i32 to index
        %get3A_676 = tpu.vector_load %arg10[%get3A_675] {strides = array<i32>} : memref<768xf32, #tpu.memory_space<vmem>>, vector<16xf32>,
        %get3A_677 = vector.shape_cast %get3A_676 : vector<16xf32> to vector<16xf32>
        %add3A_678 = arith.constant 16 : i32
        %add3A_679 = arith.addi %multiple_of3A_674, %add3A_678 : i32
        %get3A_680 = arith.index_cast %add3A_679 : i32 to index
        %get3A_681 = tpu.vector_load %arg10[%get3A_680] {strides = array<i32>} : memref<768xf32, #tpu.memory_space<vmem>>, vector<16xf32>,
        %get3A_682 = vector.shape_cast %get3A_681 : vector<16xf32> to vector<16xf32>
        %add3A_683 = arith.constant 32 : i32
        %add3A_684 = arith.addi %multiple_of3A_674, %add3A_683 : i32
        %get3A_685 = arith.index_cast %add3A_684 : i32 to index
        %get3A_686 = tpu.vector_load %arg10[%get3A_685] {strides = array<i32>} : memref<768xf32, #tpu.memory_space<vmem>>, vector<16xf32>,
        %get3A_687 = vector.shape_cast %get3A_686 : vector<16xf32> to vector<16xf32>
        %slice3A_688 = vector.extract_strided_slice %get3A_269 {offsets = [4], sizes = [1], strides = [1]} : vector<16xf32> to vector<1xf32>
        %squeeze3A_689 = vector.extract %slice3A_688[0] : f32 from vector<1xf32>
        %mul3A_690 = vector.broadcast %squeeze3A_689 : f32 to vector<16xf32>
        %mul3A_691 = arith.mulf %mul3A_690, %get3A_677 : vector<16xf32>
        %slice3A_692 = vector.extract_strided_slice %get3A_272 {offsets = [4], sizes = [1], strides = [1]} : vector<16xf32> to vector<1xf32>
        %squeeze3A_693 = vector.extract %slice3A_692[0] : f32 from vector<1xf32>
        %mul3A_694 = vector.broadcast %squeeze3A_693 : f32 to vector<16xf32>
        %mul3A_695 = arith.mulf %mul3A_694, %get3A_682 : vector<16xf32>
        %add3A_696 = arith.addf %mul3A_691, %mul3A_695 : vector<16xf32>
        %slice3A_697 = vector.extract_strided_slice %get3A_275 {offsets = [4], sizes = [1], strides = [1]} : vector<16xf32> to vector<1xf32>
        %squeeze3A_698 = vector.extract %slice3A_697[0] : f32 from vector<1xf32>
        %mul3A_699 = vector.broadcast %squeeze3A_698 : f32 to vector<16xf32>
        %mul3A_700 = arith.mulf %mul3A_699, %get3A_687 : vector<16xf32>
        %add3A_701 = arith.addf %add3A_696, %mul3A_700 : vector<16xf32>
        %add3A_702 = arith.constant 4 : i32
        %add3A_703 = arith.addi %multiple_of3A_266, %add3A_702 : i32
        %mul3A_704 = arith.constant 16 : i32
        %mul3A_705 = arith.muli %add3A_703, %mul3A_704 : i32
        %multiple_of3A_706 = tpu.assume_multiple %mul3A_705, 16 : i32
        %swap3A_707 = arith.index_cast %multiple_of3A_706 : i32 to index
        %swap3A_708 = tpu.vector_load %arg15[%swap3A_707] {strides = array<i32>} : memref<41728xf32, #tpu.memory_space<vmem>>, vector<16xf32>,
        %swap3A_709 = vector.shape_cast %swap3A_708 : vector<16xf32> to vector<16xf32>
        %swap3A_710 = vector.shape_cast %add3A_701 : vector<16xf32> to vector<16xf32>
        tpu.vector_store %arg15[%swap3A_707], %swap3A_710 {strides = array<i32>} : memref<41728xf32, #tpu.memory_space<vmem>>, vector<16xf32>,
        %slice3A_711 = vector.extract_strided_slice %mul3A_515 {offsets = [5], sizes = [1], strides = [1]} : vector<16xi32> to vector<1xi32>
        %squeeze3A_712 = vector.extract %slice3A_711[0] : i32 from vector<1xi32>
        %multiple_of3A_713 = tpu.assume_multiple %squeeze3A_712, 16 : i32
        %get3A_714 = arith.index_cast %multiple_of3A_713 : i32 to index
        %get3A_715 = tpu.vector_load %arg10[%get3A_714] {strides = array<i32>} : memref<768xf32, #tpu.memory_space<vmem>>, vector<16xf32>,
        %get3A_716 = vector.shape_cast %get3A_715 : vector<16xf32> to vector<16xf32>
        %add3A_717 = arith.constant 16 : i32
        %add3A_718 = arith.addi %multiple_of3A_713, %add3A_717 : i32
        %get3A_719 = arith.index_cast %add3A_718 : i32 to index
        %get3A_720 = tpu.vector_load %arg10[%get3A_719] {strides = array<i32>} : memref<768xf32, #tpu.memory_space<vmem>>, vector<16xf32>,
        %get3A_721 = vector.shape_cast %get3A_720 : vector<16xf32> to vector<16xf32>
        %add3A_722 = arith.constant 32 : i32
        %add3A_723 = arith.addi %multiple_of3A_713, %add3A_722 : i32
        %get3A_724 = arith.index_cast %add3A_723 : i32 to index
        %get3A_725 = tpu.vector_load %arg10[%get3A_724] {strides = array<i32>} : memref<768xf32, #tpu.memory_space<vmem>>, vector<16xf32>,
        %get3A_726 = vector.shape_cast %get3A_725 : vector<16xf32> to vector<16xf32>
        %slice3A_727 = vector.extract_strided_slice %get3A_269 {offsets = [5], sizes = [1], strides = [1]} : vector<16xf32> to vector<1xf32>
        %squeeze3A_728 = vector.extract %slice3A_727[0] : f32 from vector<1xf32>
        %mul3A_729 = vector.broadcast %squeeze3A_728 : f32 to vector<16xf32>
        %mul3A_730 = arith.mulf %mul3A_729, %get3A_716 : vector<16xf32>
        %slice3A_731 = vector.extract_strided_slice %get3A_272 {offsets = [5], sizes = [1], strides = [1]} : vector<16xf32> to vector<1xf32>
        %squeeze3A_732 = vector.extract %slice3A_731[0] : f32 from vector<1xf32>
        %mul3A_733 = vector.broadcast %squeeze3A_732 : f32 to vector<16xf32>
        %mul3A_734 = arith.mulf %mul3A_733, %get3A_721 : vector<16xf32>
        %add3A_735 = arith.addf %mul3A_730, %mul3A_734 : vector<16xf32>
        %slice3A_736 = vector.extract_strided_slice %get3A_275 {offsets = [5], sizes = [1], strides = [1]} : vector<16xf32> to vector<1xf32>
        %squeeze3A_737 = vector.extract %slice3A_736[0] : f32 from vector<1xf32>
        %mul3A_738 = vector.broadcast %squeeze3A_737 : f32 to vector<16xf32>
        %mul3A_739 = arith.mulf %mul3A_738, %get3A_726 : vector<16xf32>
        %add3A_740 = arith.addf %add3A_735, %mul3A_739 : vector<16xf32>
        %add3A_741 = arith.constant 5 : i32
        %add3A_742 = arith.addi %multiple_of3A_266, %add3A_741 : i32
        %mul3A_743 = arith.constant 16 : i32
        %mul3A_744 = arith.muli %add3A_742, %mul3A_743 : i32
        %multiple_of3A_745 = tpu.assume_multiple %mul3A_744, 16 : i32
        %swap3A_746 = arith.index_cast %multiple_of3A_745 : i32 to index
        %swap3A_747 = tpu.vector_load %arg15[%swap3A_746] {strides = array<i32>} : memref<41728xf32, #tpu.memory_space<vmem>>, vector<16xf32>,
        %swap3A_748 = vector.shape_cast %swap3A_747 : vector<16xf32> to vector<16xf32>
        %swap3A_749 = vector.shape_cast %add3A_740 : vector<16xf32> to vector<16xf32>
        tpu.vector_store %arg15[%swap3A_746], %swap3A_749 {strides = array<i32>} : memref<41728xf32, #tpu.memory_space<vmem>>, vector<16xf32>,
        %slice3A_750 = vector.extract_strided_slice %mul3A_515 {offsets = [6], sizes = [1], strides = [1]} : vector<16xi32> to vector<1xi32>
        %squeeze3A_751 = vector.extract %slice3A_750[0] : i32 from vector<1xi32>
        %multiple_of3A_752 = tpu.assume_multiple %squeeze3A_751, 16 : i32
        %get3A_753 = arith.index_cast %multiple_of3A_752 : i32 to index
        %get3A_754 = tpu.vector_load %arg10[%get3A_753] {strides = array<i32>} : memref<768xf32, #tpu.memory_space<vmem>>, vector<16xf32>,
        %get3A_755 = vector.shape_cast %get3A_754 : vector<16xf32> to vector<16xf32>
        %add3A_756 = arith.constant 16 : i32
        %add3A_757 = arith.addi %multiple_of3A_752, %add3A_756 : i32
        %get3A_758 = arith.index_cast %add3A_757 : i32 to index
        %get3A_759 = tpu.vector_load %arg10[%get3A_758] {strides = array<i32>} : memref<768xf32, #tpu.memory_space<vmem>>, vector<16xf32>,
        %get3A_760 = vector.shape_cast %get3A_759 : vector<16xf32> to vector<16xf32>
        %add3A_761 = arith.constant 32 : i32
        %add3A_762 = arith.addi %multiple_of3A_752, %add3A_761 : i32
        %get3A_763 = arith.index_cast %add3A_762 : i32 to index
        %get3A_764 = tpu.vector_load %arg10[%get3A_763] {strides = array<i32>} : memref<768xf32, #tpu.memory_space<vmem>>, vector<16xf32>,
        %get3A_765 = vector.shape_cast %get3A_764 : vector<16xf32> to vector<16xf32>
        %slice3A_766 = vector.extract_strided_slice %get3A_269 {offsets = [6], sizes = [1], strides = [1]} : vector<16xf32> to vector<1xf32>
        %squeeze3A_767 = vector.extract %slice3A_766[0] : f32 from vector<1xf32>
        %mul3A_768 = vector.broadcast %squeeze3A_767 : f32 to vector<16xf32>
        %mul3A_769 = arith.mulf %mul3A_768, %get3A_755 : vector<16xf32>
        %slice3A_770 = vector.extract_strided_slice %get3A_272 {offsets = [6], sizes = [1], strides = [1]} : vector<16xf32> to vector<1xf32>
        %squeeze3A_771 = vector.extract %slice3A_770[0] : f32 from vector<1xf32>
        %mul3A_772 = vector.broadcast %squeeze3A_771 : f32 to vector<16xf32>
        %mul3A_773 = arith.mulf %mul3A_772, %get3A_760 : vector<16xf32>
        %add3A_774 = arith.addf %mul3A_769, %mul3A_773 : vector<16xf32>
        %slice3A_775 = vector.extract_strided_slice %get3A_275 {offsets = [6], sizes = [1], strides = [1]} : vector<16xf32> to vector<1xf32>
        %squeeze3A_776 = vector.extract %slice3A_775[0] : f32 from vector<1xf32>
        %mul3A_777 = vector.broadcast %squeeze3A_776 : f32 to vector<16xf32>
        %mul3A_778 = arith.mulf %mul3A_777, %get3A_765 : vector<16xf32>
        %add3A_779 = arith.addf %add3A_774, %mul3A_778 : vector<16xf32>
        %add3A_780 = arith.constant 6 : i32
        %add3A_781 = arith.addi %multiple_of3A_266, %add3A_780 : i32
        %mul3A_782 = arith.constant 16 : i32
        %mul3A_783 = arith.muli %add3A_781, %mul3A_782 : i32
        %multiple_of3A_784 = tpu.assume_multiple %mul3A_783, 16 : i32
        %swap3A_785 = arith.index_cast %multiple_of3A_784 : i32 to index
        %swap3A_786 = tpu.vector_load %arg15[%swap3A_785] {strides = array<i32>} : memref<41728xf32, #tpu.memory_space<vmem>>, vector<16xf32>,
        %swap3A_787 = vector.shape_cast %swap3A_786 : vector<16xf32> to vector<16xf32>
        %swap3A_788 = vector.shape_cast %add3A_779 : vector<16xf32> to vector<16xf32>
        tpu.vector_store %arg15[%swap3A_785], %swap3A_788 {strides = array<i32>} : memref<41728xf32, #tpu.memory_space<vmem>>, vector<16xf32>,
        %slice3A_789 = vector.extract_strided_slice %mul3A_515 {offsets = [7], sizes = [1], strides = [1]} : vector<16xi32> to vector<1xi32>
        %squeeze3A_790 = vector.extract %slice3A_789[0] : i32 from vector<1xi32>
        %multiple_of3A_791 = tpu.assume_multiple %squeeze3A_790, 16 : i32
        %get3A_792 = arith.index_cast %multiple_of3A_791 : i32 to index
        %get3A_793 = tpu.vector_load %arg10[%get3A_792] {strides = array<i32>} : memref<768xf32, #tpu.memory_space<vmem>>, vector<16xf32>,
        %get3A_794 = vector.shape_cast %get3A_793 : vector<16xf32> to vector<16xf32>
        %add3A_795 = arith.constant 16 : i32
        %add3A_796 = arith.addi %multiple_of3A_791, %add3A_795 : i32
        %get3A_797 = arith.index_cast %add3A_796 : i32 to index
        %get3A_798 = tpu.vector_load %arg10[%get3A_797] {strides = array<i32>} : memref<768xf32, #tpu.memory_space<vmem>>, vector<16xf32>,
        %get3A_799 = vector.shape_cast %get3A_798 : vector<16xf32> to vector<16xf32>
        %add3A_800 = arith.constant 32 : i32
        %add3A_801 = arith.addi %multiple_of3A_791, %add3A_800 : i32
        %get3A_802 = arith.index_cast %add3A_801 : i32 to index
        %get3A_803 = tpu.vector_load %arg10[%get3A_802] {strides = array<i32>} : memref<768xf32, #tpu.memory_space<vmem>>, vector<16xf32>,
        %get3A_804 = vector.shape_cast %get3A_803 : vector<16xf32> to vector<16xf32>
        %slice3A_805 = vector.extract_strided_slice %get3A_269 {offsets = [7], sizes = [1], strides = [1]} : vector<16xf32> to vector<1xf32>
        %squeeze3A_806 = vector.extract %slice3A_805[0] : f32 from vector<1xf32>
        %mul3A_807 = vector.broadcast %squeeze3A_806 : f32 to vector<16xf32>
        %mul3A_808 = arith.mulf %mul3A_807, %get3A_794 : vector<16xf32>
        %slice3A_809 = vector.extract_strided_slice %get3A_272 {offsets = [7], sizes = [1], strides = [1]} : vector<16xf32> to vector<1xf32>
        %squeeze3A_810 = vector.extract %slice3A_809[0] : f32 from vector<1xf32>
        %mul3A_811 = vector.broadcast %squeeze3A_810 : f32 to vector<16xf32>
        %mul3A_812 = arith.mulf %mul3A_811, %get3A_799 : vector<16xf32>
        %add3A_813 = arith.addf %mul3A_808, %mul3A_812 : vector<16xf32>
        %slice3A_814 = vector.extract_strided_slice %get3A_275 {offsets = [7], sizes = [1], strides = [1]} : vector<16xf32> to vector<1xf32>
        %squeeze3A_815 = vector.extract %slice3A_814[0] : f32 from vector<1xf32>
        %mul3A_816 = vector.broadcast %squeeze3A_815 : f32 to vector<16xf32>
        %mul3A_817 = arith.mulf %mul3A_816, %get3A_804 : vector<16xf32>
        %add3A_818 = arith.addf %add3A_813, %mul3A_817 : vector<16xf32>
        %add3A_819 = arith.constant 7 : i32
        %add3A_820 = arith.addi %multiple_of3A_266, %add3A_819 : i32
        %mul3A_821 = arith.constant 16 : i32
        %mul3A_822 = arith.muli %add3A_820, %mul3A_821 : i32
        %multiple_of3A_823 = tpu.assume_multiple %mul3A_822, 16 : i32
        %swap3A_824 = arith.index_cast %multiple_of3A_823 : i32 to index
        %swap3A_825 = tpu.vector_load %arg15[%swap3A_824] {strides = array<i32>} : memref<41728xf32, #tpu.memory_space<vmem>>, vector<16xf32>,
        %swap3A_826 = vector.shape_cast %swap3A_825 : vector<16xf32> to vector<16xf32>
        %swap3A_827 = vector.shape_cast %add3A_818 : vector<16xf32> to vector<16xf32>
        tpu.vector_store %arg15[%swap3A_824], %swap3A_827 {strides = array<i32>} : memref<41728xf32, #tpu.memory_space<vmem>>, vector<16xf32>,
        %slice3A_828 = vector.extract_strided_slice %mul3A_515 {offsets = [8], sizes = [1], strides = [1]} : vector<16xi32> to vector<1xi32>
        %squeeze3A_829 = vector.extract %slice3A_828[0] : i32 from vector<1xi32>
        %multiple_of3A_830 = tpu.assume_multiple %squeeze3A_829, 16 : i32
        %get3A_831 = arith.index_cast %multiple_of3A_830 : i32 to index
        %get3A_832 = tpu.vector_load %arg10[%get3A_831] {strides = array<i32>} : memref<768xf32, #tpu.memory_space<vmem>>, vector<16xf32>,
        %get3A_833 = vector.shape_cast %get3A_832 : vector<16xf32> to vector<16xf32>
        %add3A_834 = arith.constant 16 : i32
        %add3A_835 = arith.addi %multiple_of3A_830, %add3A_834 : i32
        %get3A_836 = arith.index_cast %add3A_835 : i32 to index
        %get3A_837 = tpu.vector_load %arg10[%get3A_836] {strides = array<i32>} : memref<768xf32, #tpu.memory_space<vmem>>, vector<16xf32>,
        %get3A_838 = vector.shape_cast %get3A_837 : vector<16xf32> to vector<16xf32>
        %add3A_839 = arith.constant 32 : i32
        %add3A_840 = arith.addi %multiple_of3A_830, %add3A_839 : i32
        %get3A_841 = arith.index_cast %add3A_840 : i32 to index
        %get3A_842 = tpu.vector_load %arg10[%get3A_841] {strides = array<i32>} : memref<768xf32, #tpu.memory_space<vmem>>, vector<16xf32>,
        %get3A_843 = vector.shape_cast %get3A_842 : vector<16xf32> to vector<16xf32>
        %slice3A_844 = vector.extract_strided_slice %get3A_269 {offsets = [8], sizes = [1], strides = [1]} : vector<16xf32> to vector<1xf32>
        %squeeze3A_845 = vector.extract %slice3A_844[0] : f32 from vector<1xf32>
        %mul3A_846 = vector.broadcast %squeeze3A_845 : f32 to vector<16xf32>
        %mul3A_847 = arith.mulf %mul3A_846, %get3A_833 : vector<16xf32>
        %slice3A_848 = vector.extract_strided_slice %get3A_272 {offsets = [8], sizes = [1], strides = [1]} : vector<16xf32> to vector<1xf32>
        %squeeze3A_849 = vector.extract %slice3A_848[0] : f32 from vector<1xf32>
        %mul3A_850 = vector.broadcast %squeeze3A_849 : f32 to vector<16xf32>
        %mul3A_851 = arith.mulf %mul3A_850, %get3A_838 : vector<16xf32>
        %add3A_852 = arith.addf %mul3A_847, %mul3A_851 : vector<16xf32>
        %slice3A_853 = vector.extract_strided_slice %get3A_275 {offsets = [8], sizes = [1], strides = [1]} : vector<16xf32> to vector<1xf32>
        %squeeze3A_854 = vector.extract %slice3A_853[0] : f32 from vector<1xf32>
        %mul3A_855 = vector.broadcast %squeeze3A_854 : f32 to vector<16xf32>
        %mul3A_856 = arith.mulf %mul3A_855, %get3A_843 : vector<16xf32>
        %add3A_857 = arith.addf %add3A_852, %mul3A_856 : vector<16xf32>
        %add3A_858 = arith.constant 8 : i32
        %add3A_859 = arith.addi %multiple_of3A_266, %add3A_858 : i32
        %mul3A_860 = arith.constant 16 : i32
        %mul3A_861 = arith.muli %add3A_859, %mul3A_860 : i32
        %multiple_of3A_862 = tpu.assume_multiple %mul3A_861, 16 : i32
        %swap3A_863 = arith.index_cast %multiple_of3A_862 : i32 to index
        %swap3A_864 = tpu.vector_load %arg15[%swap3A_863] {strides = array<i32>} : memref<41728xf32, #tpu.memory_space<vmem>>, vector<16xf32>,
        %swap3A_865 = vector.shape_cast %swap3A_864 : vector<16xf32> to vector<16xf32>
        %swap3A_866 = vector.shape_cast %add3A_857 : vector<16xf32> to vector<16xf32>
        tpu.vector_store %arg15[%swap3A_863], %swap3A_866 {strides = array<i32>} : memref<41728xf32, #tpu.memory_space<vmem>>, vector<16xf32>,
        %slice3A_867 = vector.extract_strided_slice %mul3A_515 {offsets = [9], sizes = [1], strides = [1]} : vector<16xi32> to vector<1xi32>
        %squeeze3A_868 = vector.extract %slice3A_867[0] : i32 from vector<1xi32>
        %multiple_of3A_869 = tpu.assume_multiple %squeeze3A_868, 16 : i32
        %get3A_870 = arith.index_cast %multiple_of3A_869 : i32 to index
        %get3A_871 = tpu.vector_load %arg10[%get3A_870] {strides = array<i32>} : memref<768xf32, #tpu.memory_space<vmem>>, vector<16xf32>,
        %get3A_872 = vector.shape_cast %get3A_871 : vector<16xf32> to vector<16xf32>
        %add3A_873 = arith.constant 16 : i32
        %add3A_874 = arith.addi %multiple_of3A_869, %add3A_873 : i32
        %get3A_875 = arith.index_cast %add3A_874 : i32 to index
        %get3A_876 = tpu.vector_load %arg10[%get3A_875] {strides = array<i32>} : memref<768xf32, #tpu.memory_space<vmem>>, vector<16xf32>,
        %get3A_877 = vector.shape_cast %get3A_876 : vector<16xf32> to vector<16xf32>
        %add3A_878 = arith.constant 32 : i32
        %add3A_879 = arith.addi %multiple_of3A_869, %add3A_878 : i32
        %get3A_880 = arith.index_cast %add3A_879 : i32 to index
        %get3A_881 = tpu.vector_load %arg10[%get3A_880] {strides = array<i32>} : memref<768xf32, #tpu.memory_space<vmem>>, vector<16xf32>,
        %get3A_882 = vector.shape_cast %get3A_881 : vector<16xf32> to vector<16xf32>
        %slice3A_883 = vector.extract_strided_slice %get3A_269 {offsets = [9], sizes = [1], strides = [1]} : vector<16xf32> to vector<1xf32>
        %squeeze3A_884 = vector.extract %slice3A_883[0] : f32 from vector<1xf32>
        %mul3A_885 = vector.broadcast %squeeze3A_884 : f32 to vector<16xf32>
        %mul3A_886 = arith.mulf %mul3A_885, %get3A_872 : vector<16xf32>
        %slice3A_887 = vector.extract_strided_slice %get3A_272 {offsets = [9], sizes = [1], strides = [1]} : vector<16xf32> to vector<1xf32>
        %squeeze3A_888 = vector.extract %slice3A_887[0] : f32 from vector<1xf32>
        %mul3A_889 = vector.broadcast %squeeze3A_888 : f32 to vector<16xf32>
        %mul3A_890 = arith.mulf %mul3A_889, %get3A_877 : vector<16xf32>
        %add3A_891 = arith.addf %mul3A_886, %mul3A_890 : vector<16xf32>
        %slice3A_892 = vector.extract_strided_slice %get3A_275 {offsets = [9], sizes = [1], strides = [1]} : vector<16xf32> to vector<1xf32>
        %squeeze3A_893 = vector.extract %slice3A_892[0] : f32 from vector<1xf32>
        %mul3A_894 = vector.broadcast %squeeze3A_893 : f32 to vector<16xf32>
        %mul3A_895 = arith.mulf %mul3A_894, %get3A_882 : vector<16xf32>
        %add3A_896 = arith.addf %add3A_891, %mul3A_895 : vector<16xf32>
        %add3A_897 = arith.constant 9 : i32
        %add3A_898 = arith.addi %multiple_of3A_266, %add3A_897 : i32
        %mul3A_899 = arith.constant 16 : i32
        %mul3A_900 = arith.muli %add3A_898, %mul3A_899 : i32
        %multiple_of3A_901 = tpu.assume_multiple %mul3A_900, 16 : i32
        %swap3A_902 = arith.index_cast %multiple_of3A_901 : i32 to index
        %swap3A_903 = tpu.vector_load %arg15[%swap3A_902] {strides = array<i32>} : memref<41728xf32, #tpu.memory_space<vmem>>, vector<16xf32>,
        %swap3A_904 = vector.shape_cast %swap3A_903 : vector<16xf32> to vector<16xf32>
        %swap3A_905 = vector.shape_cast %add3A_896 : vector<16xf32> to vector<16xf32>
        tpu.vector_store %arg15[%swap3A_902], %swap3A_905 {strides = array<i32>} : memref<41728xf32, #tpu.memory_space<vmem>>, vector<16xf32>,
        %slice3A_906 = vector.extract_strided_slice %mul3A_515 {offsets = [10], sizes = [1], strides = [1]} : vector<16xi32> to vector<1xi32>
        %squeeze3A_907 = vector.extract %slice3A_906[0] : i32 from vector<1xi32>
        %multiple_of3A_908 = tpu.assume_multiple %squeeze3A_907, 16 : i32
        %get3A_909 = arith.index_cast %multiple_of3A_908 : i32 to index
        %get3A_910 = tpu.vector_load %arg10[%get3A_909] {strides = array<i32>} : memref<768xf32, #tpu.memory_space<vmem>>, vector<16xf32>,
        %get3A_911 = vector.shape_cast %get3A_910 : vector<16xf32> to vector<16xf32>
        %add3A_912 = arith.constant 16 : i32
        %add3A_913 = arith.addi %multiple_of3A_908, %add3A_912 : i32
        %get3A_914 = arith.index_cast %add3A_913 : i32 to index
        %get3A_915 = tpu.vector_load %arg10[%get3A_914] {strides = array<i32>} : memref<768xf32, #tpu.memory_space<vmem>>, vector<16xf32>,
        %get3A_916 = vector.shape_cast %get3A_915 : vector<16xf32> to vector<16xf32>
        %add3A_917 = arith.constant 32 : i32
        %add3A_918 = arith.addi %multiple_of3A_908, %add3A_917 : i32
        %get3A_919 = arith.index_cast %add3A_918 : i32 to index
        %get3A_920 = tpu.vector_load %arg10[%get3A_919] {strides = array<i32>} : memref<768xf32, #tpu.memory_space<vmem>>, vector<16xf32>,
        %get3A_921 = vector.shape_cast %get3A_920 : vector<16xf32> to vector<16xf32>
        %slice3A_922 = vector.extract_strided_slice %get3A_269 {offsets = [10], sizes = [1], strides = [1]} : vector<16xf32> to vector<1xf32>
        %squeeze3A_923 = vector.extract %slice3A_922[0] : f32 from vector<1xf32>
        %mul3A_924 = vector.broadcast %squeeze3A_923 : f32 to vector<16xf32>
        %mul3A_925 = arith.mulf %mul3A_924, %get3A_911 : vector<16xf32>
        %slice3A_926 = vector.extract_strided_slice %get3A_272 {offsets = [10], sizes = [1], strides = [1]} : vector<16xf32> to vector<1xf32>
        %squeeze3A_927 = vector.extract %slice3A_926[0] : f32 from vector<1xf32>
        %mul3A_928 = vector.broadcast %squeeze3A_927 : f32 to vector<16xf32>
        %mul3A_929 = arith.mulf %mul3A_928, %get3A_916 : vector<16xf32>
        %add3A_930 = arith.addf %mul3A_925, %mul3A_929 : vector<16xf32>
        %slice3A_931 = vector.extract_strided_slice %get3A_275 {offsets = [10], sizes = [1], strides = [1]} : vector<16xf32> to vector<1xf32>
        %squeeze3A_932 = vector.extract %slice3A_931[0] : f32 from vector<1xf32>
        %mul3A_933 = vector.broadcast %squeeze3A_932 : f32 to vector<16xf32>
        %mul3A_934 = arith.mulf %mul3A_933, %get3A_921 : vector<16xf32>
        %add3A_935 = arith.addf %add3A_930, %mul3A_934 : vector<16xf32>
        %add3A_936 = arith.constant 10 : i32
        %add3A_937 = arith.addi %multiple_of3A_266, %add3A_936 : i32
        %mul3A_938 = arith.constant 16 : i32
        %mul3A_939 = arith.muli %add3A_937, %mul3A_938 : i32
        %multiple_of3A_940 = tpu.assume_multiple %mul3A_939, 16 : i32
        %swap3A_941 = arith.index_cast %multiple_of3A_940 : i32 to index
        %swap3A_942 = tpu.vector_load %arg15[%swap3A_941] {strides = array<i32>} : memref<41728xf32, #tpu.memory_space<vmem>>, vector<16xf32>,
        %swap3A_943 = vector.shape_cast %swap3A_942 : vector<16xf32> to vector<16xf32>
        %swap3A_944 = vector.shape_cast %add3A_935 : vector<16xf32> to vector<16xf32>
        tpu.vector_store %arg15[%swap3A_941], %swap3A_944 {strides = array<i32>} : memref<41728xf32, #tpu.memory_space<vmem>>, vector<16xf32>,
        %slice3A_945 = vector.extract_strided_slice %mul3A_515 {offsets = [11], sizes = [1], strides = [1]} : vector<16xi32> to vector<1xi32>
        %squeeze3A_946 = vector.extract %slice3A_945[0] : i32 from vector<1xi32>
        %multiple_of3A_947 = tpu.assume_multiple %squeeze3A_946, 16 : i32
        %get3A_948 = arith.index_cast %multiple_of3A_947 : i32 to index
        %get3A_949 = tpu.vector_load %arg10[%get3A_948] {strides = array<i32>} : memref<768xf32, #tpu.memory_space<vmem>>, vector<16xf32>,
        %get3A_950 = vector.shape_cast %get3A_949 : vector<16xf32> to vector<16xf32>
        %add3A_951 = arith.constant 16 : i32
        %add3A_952 = arith.addi %multiple_of3A_947, %add3A_951 : i32
        %get3A_953 = arith.index_cast %add3A_952 : i32 to index
        %get3A_954 = tpu.vector_load %arg10[%get3A_953] {strides = array<i32>} : memref<768xf32, #tpu.memory_space<vmem>>, vector<16xf32>,
        %get3A_955 = vector.shape_cast %get3A_954 : vector<16xf32> to vector<16xf32>
        %add3A_956 = arith.constant 32 : i32
        %add3A_957 = arith.addi %multiple_of3A_947, %add3A_956 : i32
        %get3A_958 = arith.index_cast %add3A_957 : i32 to index
        %get3A_959 = tpu.vector_load %arg10[%get3A_958] {strides = array<i32>} : memref<768xf32, #tpu.memory_space<vmem>>, vector<16xf32>,
        %get3A_960 = vector.shape_cast %get3A_959 : vector<16xf32> to vector<16xf32>
        %slice3A_961 = vector.extract_strided_slice %get3A_269 {offsets = [11], sizes = [1], strides = [1]} : vector<16xf32> to vector<1xf32>
        %squeeze3A_962 = vector.extract %slice3A_961[0] : f32 from vector<1xf32>
        %mul3A_963 = vector.broadcast %squeeze3A_962 : f32 to vector<16xf32>
        %mul3A_964 = arith.mulf %mul3A_963, %get3A_950 : vector<16xf32>
        %slice3A_965 = vector.extract_strided_slice %get3A_272 {offsets = [11], sizes = [1], strides = [1]} : vector<16xf32> to vector<1xf32>
        %squeeze3A_966 = vector.extract %slice3A_965[0] : f32 from vector<1xf32>
        %mul3A_967 = vector.broadcast %squeeze3A_966 : f32 to vector<16xf32>
        %mul3A_968 = arith.mulf %mul3A_967, %get3A_955 : vector<16xf32>
        %add3A_969 = arith.addf %mul3A_964, %mul3A_968 : vector<16xf32>
        %slice3A_970 = vector.extract_strided_slice %get3A_275 {offsets = [11], sizes = [1], strides = [1]} : vector<16xf32> to vector<1xf32>
        %squeeze3A_971 = vector.extract %slice3A_970[0] : f32 from vector<1xf32>
        %mul3A_972 = vector.broadcast %squeeze3A_971 : f32 to vector<16xf32>
        %mul3A_973 = arith.mulf %mul3A_972, %get3A_960 : vector<16xf32>
        %add3A_974 = arith.addf %add3A_969, %mul3A_973 : vector<16xf32>
        %add3A_975 = arith.constant 11 : i32
        %add3A_976 = arith.addi %multiple_of3A_266, %add3A_975 : i32
        %mul3A_977 = arith.constant 16 : i32
        %mul3A_978 = arith.muli %add3A_976, %mul3A_977 : i32
        %multiple_of3A_979 = tpu.assume_multiple %mul3A_978, 16 : i32
        %swap3A_980 = arith.index_cast %multiple_of3A_979 : i32 to index
        %swap3A_981 = tpu.vector_load %arg15[%swap3A_980] {strides = array<i32>} : memref<41728xf32, #tpu.memory_space<vmem>>, vector<16xf32>,
        %swap3A_982 = vector.shape_cast %swap3A_981 : vector<16xf32> to vector<16xf32>
        %swap3A_983 = vector.shape_cast %add3A_974 : vector<16xf32> to vector<16xf32>
        tpu.vector_store %arg15[%swap3A_980], %swap3A_983 {strides = array<i32>} : memref<41728xf32, #tpu.memory_space<vmem>>, vector<16xf32>,
        %slice3A_984 = vector.extract_strided_slice %mul3A_515 {offsets = [12], sizes = [1], strides = [1]} : vector<16xi32> to vector<1xi32>
        %squeeze3A_985 = vector.extract %slice3A_984[0] : i32 from vector<1xi32>
        %multiple_of3A_986 = tpu.assume_multiple %squeeze3A_985, 16 : i32
        %get3A_987 = arith.index_cast %multiple_of3A_986 : i32 to index
        %get3A_988 = tpu.vector_load %arg10[%get3A_987] {strides = array<i32>} : memref<768xf32, #tpu.memory_space<vmem>>, vector<16xf32>,
        %get3A_989 = vector.shape_cast %get3A_988 : vector<16xf32> to vector<16xf32>
        %add3A_990 = arith.constant 16 : i32
        %add3A_991 = arith.addi %multiple_of3A_986, %add3A_990 : i32
        %get3A_992 = arith.index_cast %add3A_991 : i32 to index
        %get3A_993 = tpu.vector_load %arg10[%get3A_992] {strides = array<i32>} : memref<768xf32, #tpu.memory_space<vmem>>, vector<16xf32>,
        %get3A_994 = vector.shape_cast %get3A_993 : vector<16xf32> to vector<16xf32>
        %add3A_995 = arith.constant 32 : i32
        %add3A_996 = arith.addi %multiple_of3A_986, %add3A_995 : i32
        %get3A_997 = arith.index_cast %add3A_996 : i32 to index
        %get3A_998 = tpu.vector_load %arg10[%get3A_997] {strides = array<i32>} : memref<768xf32, #tpu.memory_space<vmem>>, vector<16xf32>,
        %get3A_999 = vector.shape_cast %get3A_998 : vector<16xf32> to vector<16xf32>
        %slice3A_1000 = vector.extract_strided_slice %get3A_269 {offsets = [12], sizes = [1], strides = [1]} : vector<16xf32> to vector<1xf32>
        %squeeze3A_1001 = vector.extract %slice3A_1000[0] : f32 from vector<1xf32>
        %mul3A_1002 = vector.broadcast %squeeze3A_1001 : f32 to vector<16xf32>
        %mul3A_1003 = arith.mulf %mul3A_1002, %get3A_989 : vector<16xf32>
        %slice3A_1004 = vector.extract_strided_slice %get3A_272 {offsets = [12], sizes = [1], strides = [1]} : vector<16xf32> to vector<1xf32>
        %squeeze3A_1005 = vector.extract %slice3A_1004[0] : f32 from vector<1xf32>
        %mul3A_1006 = vector.broadcast %squeeze3A_1005 : f32 to vector<16xf32>
        %mul3A_1007 = arith.mulf %mul3A_1006, %get3A_994 : vector<16xf32>
        %add3A_1008 = arith.addf %mul3A_1003, %mul3A_1007 : vector<16xf32>
        %slice3A_1009 = vector.extract_strided_slice %get3A_275 {offsets = [12], sizes = [1], strides = [1]} : vector<16xf32> to vector<1xf32>
        %squeeze3A_1010 = vector.extract %slice3A_1009[0] : f32 from vector<1xf32>
        %mul3A_1011 = vector.broadcast %squeeze3A_1010 : f32 to vector<16xf32>
        %mul3A_1012 = arith.mulf %mul3A_1011, %get3A_999 : vector<16xf32>
        %add3A_1013 = arith.addf %add3A_1008, %mul3A_1012 : vector<16xf32>
        %add3A_1014 = arith.constant 12 : i32
        %add3A_1015 = arith.addi %multiple_of3A_266, %add3A_1014 : i32
        %mul3A_1016 = arith.constant 16 : i32
        %mul3A_1017 = arith.muli %add3A_1015, %mul3A_1016 : i32
        %multiple_of3A_1018 = tpu.assume_multiple %mul3A_1017, 16 : i32
        %swap3A_1019 = arith.index_cast %multiple_of3A_1018 : i32 to index
        %swap3A_1020 = tpu.vector_load %arg15[%swap3A_1019] {strides = array<i32>} : memref<41728xf32, #tpu.memory_space<vmem>>, vector<16xf32>,
        %swap3A_1021 = vector.shape_cast %swap3A_1020 : vector<16xf32> to vector<16xf32>
        %swap3A_1022 = vector.shape_cast %add3A_1013 : vector<16xf32> to vector<16xf32>
        tpu.vector_store %arg15[%swap3A_1019], %swap3A_1022 {strides = array<i32>} : memref<41728xf32, #tpu.memory_space<vmem>>, vector<16xf32>,
        %slice3A_1023 = vector.extract_strided_slice %mul3A_515 {offsets = [13], sizes = [1], strides = [1]} : vector<16xi32> to vector<1xi32>
        %squeeze3A_1024 = vector.extract %slice3A_1023[0] : i32 from vector<1xi32>
        %multiple_of3A_1025 = tpu.assume_multiple %squeeze3A_1024, 16 : i32
        %get3A_1026 = arith.index_cast %multiple_of3A_1025 : i32 to index
        %get3A_1027 = tpu.vector_load %arg10[%get3A_1026] {strides = array<i32>} : memref<768xf32, #tpu.memory_space<vmem>>, vector<16xf32>,
        %get3A_1028 = vector.shape_cast %get3A_1027 : vector<16xf32> to vector<16xf32>
        %add3A_1029 = arith.constant 16 : i32
        %add3A_1030 = arith.addi %multiple_of3A_1025, %add3A_1029 : i32
        %get3A_1031 = arith.index_cast %add3A_1030 : i32 to index
        %get3A_1032 = tpu.vector_load %arg10[%get3A_1031] {strides = array<i32>} : memref<768xf32, #tpu.memory_space<vmem>>, vector<16xf32>,
        %get3A_1033 = vector.shape_cast %get3A_1032 : vector<16xf32> to vector<16xf32>
        %add3A_1034 = arith.constant 32 : i32
        %add3A_1035 = arith.addi %multiple_of3A_1025, %add3A_1034 : i32
        %get3A_1036 = arith.index_cast %add3A_1035 : i32 to index
        %get3A_1037 = tpu.vector_load %arg10[%get3A_1036] {strides = array<i32>} : memref<768xf32, #tpu.memory_space<vmem>>, vector<16xf32>,
        %get3A_1038 = vector.shape_cast %get3A_1037 : vector<16xf32> to vector<16xf32>
        %slice3A_1039 = vector.extract_strided_slice %get3A_269 {offsets = [13], sizes = [1], strides = [1]} : vector<16xf32> to vector<1xf32>
        %squeeze3A_1040 = vector.extract %slice3A_1039[0] : f32 from vector<1xf32>
        %mul3A_1041 = vector.broadcast %squeeze3A_1040 : f32 to vector<16xf32>
        %mul3A_1042 = arith.mulf %mul3A_1041, %get3A_1028 : vector<16xf32>
        %slice3A_1043 = vector.extract_strided_slice %get3A_272 {offsets = [13], sizes = [1], strides = [1]} : vector<16xf32> to vector<1xf32>
        %squeeze3A_1044 = vector.extract %slice3A_1043[0] : f32 from vector<1xf32>
        %mul3A_1045 = vector.broadcast %squeeze3A_1044 : f32 to vector<16xf32>
        %mul3A_1046 = arith.mulf %mul3A_1045, %get3A_1033 : vector<16xf32>
        %add3A_1047 = arith.addf %mul3A_1042, %mul3A_1046 : vector<16xf32>
        %slice3A_1048 = vector.extract_strided_slice %get3A_275 {offsets = [13], sizes = [1], strides = [1]} : vector<16xf32> to vector<1xf32>
        %squeeze3A_1049 = vector.extract %slice3A_1048[0] : f32 from vector<1xf32>
        %mul3A_1050 = vector.broadcast %squeeze3A_1049 : f32 to vector<16xf32>
        %mul3A_1051 = arith.mulf %mul3A_1050, %get3A_1038 : vector<16xf32>
        %add3A_1052 = arith.addf %add3A_1047, %mul3A_1051 : vector<16xf32>
        %add3A_1053 = arith.constant 13 : i32
        %add3A_1054 = arith.addi %multiple_of3A_266, %add3A_1053 : i32
        %mul3A_1055 = arith.constant 16 : i32
        %mul3A_1056 = arith.muli %add3A_1054, %mul3A_1055 : i32
        %multiple_of3A_1057 = tpu.assume_multiple %mul3A_1056, 16 : i32
        %swap3A_1058 = arith.index_cast %multiple_of3A_1057 : i32 to index
        %swap3A_1059 = tpu.vector_load %arg15[%swap3A_1058] {strides = array<i32>} : memref<41728xf32, #tpu.memory_space<vmem>>, vector<16xf32>,
        %swap3A_1060 = vector.shape_cast %swap3A_1059 : vector<16xf32> to vector<16xf32>
        %swap3A_1061 = vector.shape_cast %add3A_1052 : vector<16xf32> to vector<16xf32>
        tpu.vector_store %arg15[%swap3A_1058], %swap3A_1061 {strides = array<i32>} : memref<41728xf32, #tpu.memory_space<vmem>>, vector<16xf32>,
        %slice3A_1062 = vector.extract_strided_slice %mul3A_515 {offsets = [14], sizes = [1], strides = [1]} : vector<16xi32> to vector<1xi32>
        %squeeze3A_1063 = vector.extract %slice3A_1062[0] : i32 from vector<1xi32>
        %multiple_of3A_1064 = tpu.assume_multiple %squeeze3A_1063, 16 : i32
        %get3A_1065 = arith.index_cast %multiple_of3A_1064 : i32 to index
        %get3A_1066 = tpu.vector_load %arg10[%get3A_1065] {strides = array<i32>} : memref<768xf32, #tpu.memory_space<vmem>>, vector<16xf32>,
        %get3A_1067 = vector.shape_cast %get3A_1066 : vector<16xf32> to vector<16xf32>
        %add3A_1068 = arith.constant 16 : i32
        %add3A_1069 = arith.addi %multiple_of3A_1064, %add3A_1068 : i32
        %get3A_1070 = arith.index_cast %add3A_1069 : i32 to index
        %get3A_1071 = tpu.vector_load %arg10[%get3A_1070] {strides = array<i32>} : memref<768xf32, #tpu.memory_space<vmem>>, vector<16xf32>,
        %get3A_1072 = vector.shape_cast %get3A_1071 : vector<16xf32> to vector<16xf32>
        %add3A_1073 = arith.constant 32 : i32
        %add3A_1074 = arith.addi %multiple_of3A_1064, %add3A_1073 : i32
        %get3A_1075 = arith.index_cast %add3A_1074 : i32 to index
        %get3A_1076 = tpu.vector_load %arg10[%get3A_1075] {strides = array<i32>} : memref<768xf32, #tpu.memory_space<vmem>>, vector<16xf32>,
        %get3A_1077 = vector.shape_cast %get3A_1076 : vector<16xf32> to vector<16xf32>
        %slice3A_1078 = vector.extract_strided_slice %get3A_269 {offsets = [14], sizes = [1], strides = [1]} : vector<16xf32> to vector<1xf32>
        %squeeze3A_1079 = vector.extract %slice3A_1078[0] : f32 from vector<1xf32>
        %mul3A_1080 = vector.broadcast %squeeze3A_1079 : f32 to vector<16xf32>
        %mul3A_1081 = arith.mulf %mul3A_1080, %get3A_1067 : vector<16xf32>
        %slice3A_1082 = vector.extract_strided_slice %get3A_272 {offsets = [14], sizes = [1], strides = [1]} : vector<16xf32> to vector<1xf32>
        %squeeze3A_1083 = vector.extract %slice3A_1082[0] : f32 from vector<1xf32>
        %mul3A_1084 = vector.broadcast %squeeze3A_1083 : f32 to vector<16xf32>
        %mul3A_1085 = arith.mulf %mul3A_1084, %get3A_1072 : vector<16xf32>
        %add3A_1086 = arith.addf %mul3A_1081, %mul3A_1085 : vector<16xf32>
        %slice3A_1087 = vector.extract_strided_slice %get3A_275 {offsets = [14], sizes = [1], strides = [1]} : vector<16xf32> to vector<1xf32>
        %squeeze3A_1088 = vector.extract %slice3A_1087[0] : f32 from vector<1xf32>
        %mul3A_1089 = vector.broadcast %squeeze3A_1088 : f32 to vector<16xf32>
        %mul3A_1090 = arith.mulf %mul3A_1089, %get3A_1077 : vector<16xf32>
        %add3A_1091 = arith.addf %add3A_1086, %mul3A_1090 : vector<16xf32>
        %add3A_1092 = arith.constant 14 : i32
        %add3A_1093 = arith.addi %multiple_of3A_266, %add3A_1092 : i32
        %mul3A_1094 = arith.constant 16 : i32
        %mul3A_1095 = arith.muli %add3A_1093, %mul3A_1094 : i32
        %multiple_of3A_1096 = tpu.assume_multiple %mul3A_1095, 16 : i32
        %swap3A_1097 = arith.index_cast %multiple_of3A_1096 : i32 to index
        %swap3A_1098 = tpu.vector_load %arg15[%swap3A_1097] {strides = array<i32>} : memref<41728xf32, #tpu.memory_space<vmem>>, vector<16xf32>,
        %swap3A_1099 = vector.shape_cast %swap3A_1098 : vector<16xf32> to vector<16xf32>
        %swap3A_1100 = vector.shape_cast %add3A_1091 : vector<16xf32> to vector<16xf32>
        tpu.vector_store %arg15[%swap3A_1097], %swap3A_1100 {strides = array<i32>} : memref<41728xf32, #tpu.memory_space<vmem>>, vector<16xf32>,
        %slice3A_1101 = vector.extract_strided_slice %mul3A_515 {offsets = [15], sizes = [1], strides = [1]} : vector<16xi32> to vector<1xi32>
        %squeeze3A_1102 = vector.extract %slice3A_1101[0] : i32 from vector<1xi32>
        %multiple_of3A_1103 = tpu.assume_multiple %squeeze3A_1102, 16 : i32
        %get3A_1104 = arith.index_cast %multiple_of3A_1103 : i32 to index
        %get3A_1105 = tpu.vector_load %arg10[%get3A_1104] {strides = array<i32>} : memref<768xf32, #tpu.memory_space<vmem>>, vector<16xf32>,
        %get3A_1106 = vector.shape_cast %get3A_1105 : vector<16xf32> to vector<16xf32>
        %add3A_1107 = arith.constant 16 : i32
        %add3A_1108 = arith.addi %multiple_of3A_1103, %add3A_1107 : i32
        %get3A_1109 = arith.index_cast %add3A_1108 : i32 to index
        %get3A_1110 = tpu.vector_load %arg10[%get3A_1109] {strides = array<i32>} : memref<768xf32, #tpu.memory_space<vmem>>, vector<16xf32>,
        %get3A_1111 = vector.shape_cast %get3A_1110 : vector<16xf32> to vector<16xf32>
        %add3A_1112 = arith.constant 32 : i32
        %add3A_1113 = arith.addi %multiple_of3A_1103, %add3A_1112 : i32
        %get3A_1114 = arith.index_cast %add3A_1113 : i32 to index
        %get3A_1115 = tpu.vector_load %arg10[%get3A_1114] {strides = array<i32>} : memref<768xf32, #tpu.memory_space<vmem>>, vector<16xf32>,
        %get3A_1116 = vector.shape_cast %get3A_1115 : vector<16xf32> to vector<16xf32>
        %slice3A_1117 = vector.extract_strided_slice %get3A_269 {offsets = [15], sizes = [1], strides = [1]} : vector<16xf32> to vector<1xf32>
        %squeeze3A_1118 = vector.extract %slice3A_1117[0] : f32 from vector<1xf32>
        %mul3A_1119 = vector.broadcast %squeeze3A_1118 : f32 to vector<16xf32>
        %mul3A_1120 = arith.mulf %mul3A_1119, %get3A_1106 : vector<16xf32>
        %slice3A_1121 = vector.extract_strided_slice %get3A_272 {offsets = [15], sizes = [1], strides = [1]} : vector<16xf32> to vector<1xf32>
        %squeeze3A_1122 = vector.extract %slice3A_1121[0] : f32 from vector<1xf32>
        %mul3A_1123 = vector.broadcast %squeeze3A_1122 : f32 to vector<16xf32>
        %mul3A_1124 = arith.mulf %mul3A_1123, %get3A_1111 : vector<16xf32>
        %add3A_1125 = arith.addf %mul3A_1120, %mul3A_1124 : vector<16xf32>
        %slice3A_1126 = vector.extract_strided_slice %get3A_275 {offsets = [15], sizes = [1], strides = [1]} : vector<16xf32> to vector<1xf32>
        %squeeze3A_1127 = vector.extract %slice3A_1126[0] : f32 from vector<1xf32>
        %mul3A_1128 = vector.broadcast %squeeze3A_1127 : f32 to vector<16xf32>
        %mul3A_1129 = arith.mulf %mul3A_1128, %get3A_1116 : vector<16xf32>
        %add3A_1130 = arith.addf %add3A_1125, %mul3A_1129 : vector<16xf32>
        %add3A_1131 = arith.constant 15 : i32
        %add3A_1132 = arith.addi %multiple_of3A_266, %add3A_1131 : i32
        %mul3A_1133 = arith.constant 16 : i32
        %mul3A_1134 = arith.muli %add3A_1132, %mul3A_1133 : i32
        %multiple_of3A_1135 = tpu.assume_multiple %mul3A_1134, 16 : i32
        %swap3A_1136 = arith.index_cast %multiple_of3A_1135 : i32 to index
        %swap3A_1137 = tpu.vector_load %arg15[%swap3A_1136] {strides = array<i32>} : memref<41728xf32, #tpu.memory_space<vmem>>, vector<16xf32>,
        %swap3A_1138 = vector.shape_cast %swap3A_1137 : vector<16xf32> to vector<16xf32>
        %swap3A_1139 = vector.shape_cast %add3A_1130 : vector<16xf32> to vector<16xf32>
        tpu.vector_store %arg15[%swap3A_1136], %swap3A_1139 {strides = array<i32>} : memref<41728xf32, #tpu.memory_space<vmem>>, vector<16xf32>,
      }
      %scan3A_202 = arith.constant 163 : i32
      %mul3A_203 = arith.constant 15648 : i32
      %mul3A_204 = arith.muli %add3A, %mul3A_203 : i32
      %mul3A_205 = arith.constant 2608 : i32
      %mul3A_206 = arith.muli %mul3A_176, %mul3A_205 : i32
      %add3A_207 = arith.addi %mul3A_204, %mul3A_206 : i32
      %min3A_208 = arith.constant 497392 : i32
      %min3A_209 = arith.minsi %add3A_207, %min3A_208 : i32
      %multiple_of3A_210 = tpu.assume_multiple %min3A_209, 8 : i32
      %dma_start3A_211 = tpu.memref_slice %arg6[%multiple_of3A_210] : memref<500000xf32, #tpu.memory_space<hbm>> -> memref<2608xf32, #tpu.memory_space<hbm>>
      %dma_start3A_212 = tpu.memref_slice %arg6[%multiple_of3A_210] : memref<500000xf32, #tpu.memory_space<hbm>> -> memref<2608xf32, #tpu.memory_space<hbm>>
      tpu.enqueue_dma source(%arg14 : memref<2608xf32, #tpu.memory_space<vmem>>) target(%dma_start3A_212 : memref<2608xf32, #tpu.memory_space<hbm>>) target_semaphore(%arg23 : memref<!tpu.dma_semaphore, #tpu.memory_space<semaphore_mem>>)
      %mul3A_213 = arith.constant 16 : i32
      %mul3A_214 = arith.muli %multiple_of3A_210, %mul3A_213 : i32
      %dma_start3A_215 = tpu.memref_slice %arg7[%mul3A_214] : memref<8000000xf32, #tpu.memory_space<hbm>> -> memref<41728xf32, #tpu.memory_space<hbm>>
      %dma_start3A_216 = tpu.memref_slice %arg7[%mul3A_214] : memref<8000000xf32, #tpu.memory_space<hbm>> -> memref<41728xf32, #tpu.memory_space<hbm>>
      tpu.enqueue_dma source(%arg15 : memref<41728xf32, #tpu.memory_space<vmem>>) target(%dma_start3A_216 : memref<41728xf32, #tpu.memory_space<hbm>>) target_semaphore(%arg23 : memref<!tpu.dma_semaphore, #tpu.memory_space<semaphore_mem>>)
      %dma_wait3A_217 = arith.constant 0 : i32
      %dma_wait3A_218 = tpu.memref_slice %arg2[%dma_wait3A_217] : memref<1500000xf32, #tpu.memory_space<hbm>> -> memref<2608xf32, #tpu.memory_space<hbm>>
      %dma_wait3A_219 = arith.constant 0 : i32
      %dma_wait3A_220 = tpu.memref_slice %arg2[%dma_wait3A_219] : memref<1500000xf32, #tpu.memory_space<hbm>> -> memref<2608xf32, #tpu.memory_space<hbm>>
      tpu.wait_dma2 semaphore(%arg22 : memref<!tpu.dma_semaphore, #tpu.memory_space<semaphore_mem>>) src(%dma_wait3A_220 : memref<2608xf32, #tpu.memory_space<hbm>>) dst(%arg16 : memref<2608xf32, #tpu.memory_space<vmem>>)
      %dma_wait3A_221 = arith.constant 0 : i32
      %dma_wait3A_222 = tpu.memref_slice %arg2[%dma_wait3A_221] : memref<1500000xf32, #tpu.memory_space<hbm>> -> memref<2608xf32, #tpu.memory_space<hbm>>
      %dma_wait3A_223 = arith.constant 0 : i32
      %dma_wait3A_224 = tpu.memref_slice %arg2[%dma_wait3A_223] : memref<1500000xf32, #tpu.memory_space<hbm>> -> memref<2608xf32, #tpu.memory_space<hbm>>
      tpu.wait_dma2 semaphore(%arg22 : memref<!tpu.dma_semaphore, #tpu.memory_space<semaphore_mem>>) src(%dma_wait3A_224 : memref<2608xf32, #tpu.memory_space<hbm>>) dst(%arg17 : memref<2608xf32, #tpu.memory_space<vmem>>)
      %dma_wait3A_225 = arith.constant 0 : i32
      %dma_wait3A_226 = tpu.memref_slice %arg2[%dma_wait3A_225] : memref<1500000xf32, #tpu.memory_space<hbm>> -> memref<2608xf32, #tpu.memory_space<hbm>>
      %dma_wait3A_227 = arith.constant 0 : i32
      %dma_wait3A_228 = tpu.memref_slice %arg2[%dma_wait3A_227] : memref<1500000xf32, #tpu.memory_space<hbm>> -> memref<2608xf32, #tpu.memory_space<hbm>>
      tpu.wait_dma2 semaphore(%arg22 : memref<!tpu.dma_semaphore, #tpu.memory_space<semaphore_mem>>) src(%dma_wait3A_228 : memref<2608xf32, #tpu.memory_space<hbm>>) dst(%arg18 : memref<2608xf32, #tpu.memory_space<vmem>>)
      %add3A_229 = arith.constant 2 : i32
      %add3A_230 = arith.addi %mul3A_176, %add3A_229 : i32
      %lt3A_231 = arith.constant 6 : i32
      %lt3A_232 = arith.cmpi slt, %add3A_230, %lt3A_231 : i32
      %convert_element_type3A_233 = arith.extui %lt3A_232 : i1 to i32
      %cond3A_234 = arith.constant 0 : i32
      %cond3A_235 = arith.cmpi ne, %convert_element_type3A_233, %cond3A_234 : i32
      scf.if %cond3A_235 {
        %add3A_263 = arith.constant 2 : i32
        %add3A_264 = arith.addi %mul3A_176, %add3A_263 : i32
        %mul3A_265 = arith.constant 15648 : i32
        %mul3A_266 = arith.muli %add3A, %mul3A_265 : i32
        %mul3A_267 = arith.constant 2608 : i32
        %mul3A_268 = arith.muli %add3A_264, %mul3A_267 : i32
        %add3A_269 = arith.addi %mul3A_266, %mul3A_268 : i32
        %min3A_270 = arith.constant 497392 : i32
        %min3A_271 = arith.minsi %add3A_269, %min3A_270 : i32
        %multiple_of3A_272 = tpu.assume_multiple %min3A_271, 8 : i32
        %add3A_273 = arith.constant 0 : i32
        %add3A_274 = arith.addi %add3A_273, %multiple_of3A_272 : i32
        %dma_start3A_275 = tpu.memref_slice %arg2[%add3A_274] : memref<1500000xf32, #tpu.memory_space<hbm>> -> memref<2608xf32, #tpu.memory_space<hbm>>
        %dma_start3A_276 = tpu.memref_slice %arg2[%add3A_274] : memref<1500000xf32, #tpu.memory_space<hbm>> -> memref<2608xf32, #tpu.memory_space<hbm>>
        tpu.enqueue_dma source(%dma_start3A_276 : memref<2608xf32, #tpu.memory_space<hbm>>) target(%arg11 : memref<2608xf32, #tpu.memory_space<vmem>>) target_semaphore(%arg21 : memref<!tpu.dma_semaphore, #tpu.memory_space<semaphore_mem>>)
        %add3A_277 = arith.constant 500000 : i32
        %add3A_278 = arith.addi %add3A_277, %multiple_of3A_272 : i32
        %dma_start3A_279 = tpu.memref_slice %arg2[%add3A_278] : memref<1500000xf32, #tpu.memory_space<hbm>> -> memref<2608xf32, #tpu.memory_space<hbm>>
        %dma_start3A_280 = tpu.memref_slice %arg2[%add3A_278] : memref<1500000xf32, #tpu.memory_space<hbm>> -> memref<2608xf32, #tpu.memory_space<hbm>>
        tpu.enqueue_dma source(%dma_start3A_280 : memref<2608xf32, #tpu.memory_space<hbm>>) target(%arg12 : memref<2608xf32, #tpu.memory_space<vmem>>) target_semaphore(%arg21 : memref<!tpu.dma_semaphore, #tpu.memory_space<semaphore_mem>>)
        %add3A_281 = arith.constant 1000000 : i32
        %add3A_282 = arith.addi %add3A_281, %multiple_of3A_272 : i32
        %dma_start3A_283 = tpu.memref_slice %arg2[%add3A_282] : memref<1500000xf32, #tpu.memory_space<hbm>> -> memref<2608xf32, #tpu.memory_space<hbm>>
        %dma_start3A_284 = tpu.memref_slice %arg2[%add3A_282] : memref<1500000xf32, #tpu.memory_space<hbm>> -> memref<2608xf32, #tpu.memory_space<hbm>>
        tpu.enqueue_dma source(%dma_start3A_284 : memref<2608xf32, #tpu.memory_space<hbm>>) target(%arg13 : memref<2608xf32, #tpu.memory_space<vmem>>) target_semaphore(%arg21 : memref<!tpu.dma_semaphore, #tpu.memory_space<semaphore_mem>>)
      } else {
      }
      %ge3A_236 = arith.constant 1 : i32
      %ge3A_237 = arith.cmpi sge, %scan3A_174, %ge3A_236 : i32
      %convert_element_type3A_238 = arith.extui %ge3A_237 : i1 to i32
      %cond3A_239 = arith.constant 0 : i32
      %cond3A_240 = arith.cmpi ne, %convert_element_type3A_238, %cond3A_239 : i32
      scf.if %cond3A_240 {
        %dma_wait3A_263 = arith.constant 0 : i32
        %dma_wait3A_264 = tpu.memref_slice %arg6[%dma_wait3A_263] : memref<500000xf32, #tpu.memory_space<hbm>> -> memref<2608xf32, #tpu.memory_space<hbm>>
        %dma_wait3A_265 = arith.constant 0 : i32
        %dma_wait3A_266 = tpu.memref_slice %arg6[%dma_wait3A_265] : memref<500000xf32, #tpu.memory_space<hbm>> -> memref<2608xf32, #tpu.memory_space<hbm>>
        tpu.wait_dma2 semaphore(%arg24 : memref<!tpu.dma_semaphore, #tpu.memory_space<semaphore_mem>>) src(%arg19 : memref<2608xf32, #tpu.memory_space<vmem>>) dst(%dma_wait3A_266 : memref<2608xf32, #tpu.memory_space<hbm>>)
        %dma_wait3A_267 = arith.constant 0 : i32
        %dma_wait3A_268 = tpu.memref_slice %arg7[%dma_wait3A_267] : memref<8000000xf32, #tpu.memory_space<hbm>> -> memref<41728xf32, #tpu.memory_space<hbm>>
        %dma_wait3A_269 = arith.constant 0 : i32
        %dma_wait3A_270 = tpu.memref_slice %arg7[%dma_wait3A_269] : memref<8000000xf32, #tpu.memory_space<hbm>> -> memref<41728xf32, #tpu.memory_space<hbm>>
        tpu.wait_dma2 semaphore(%arg24 : memref<!tpu.dma_semaphore, #tpu.memory_space<semaphore_mem>>) src(%arg20 : memref<41728xf32, #tpu.memory_space<vmem>>) dst(%dma_wait3A_270 : memref<41728xf32, #tpu.memory_space<hbm>>)
      } else {
      }
      %scan3A_241 = arith.constant 0 : i32
      %scan3A_242 = arith.constant 0 : i32
      %scan3A_243 = arith.constant 163 : i32
      %scan3A_244 = arith.addi %scan3A_242, %scan3A_243 : i32
      %scan3A_245 = arith.constant 1 : i32
      scf.for %scan3A_263 = %scan3A_242 to %scan3A_244 step %scan3A_245  : i32 {
        %mul3A_264 = arith.constant 16 : i32
        %mul3A_265 = arith.muli %scan3A_263, %mul3A_264 : i32
        %multiple_of3A_266 = tpu.assume_multiple %mul3A_265, 8 : i32
        %get3A_267 = arith.index_cast %multiple_of3A_266 : i32 to index
        %get3A_268 = tpu.vector_load %arg16[%get3A_267] {strides = array<i32>} : memref<2608xf32, #tpu.memory_space<vmem>>, vector<16xf32>,
        %get3A_269 = vector.shape_cast %get3A_268 : vector<16xf32> to vector<16xf32>
        %get3A_270 = arith.index_cast %multiple_of3A_266 : i32 to index
        %get3A_271 = tpu.vector_load %arg17[%get3A_270] {strides = array<i32>} : memref<2608xf32, #tpu.memory_space<vmem>>, vector<16xf32>,
        %get3A_272 = vector.shape_cast %get3A_271 : vector<16xf32> to vector<16xf32>
        %get3A_273 = arith.index_cast %multiple_of3A_266 : i32 to index
        %get3A_274 = tpu.vector_load %arg18[%get3A_273] {strides = array<i32>} : memref<2608xf32, #tpu.memory_space<vmem>>, vector<16xf32>,
        %get3A_275 = vector.shape_cast %get3A_274 : vector<16xf32> to vector<16xf32>
        %mul3A_276 = vector.broadcast %squeeze3A : f32 to vector<16xf32>
        %mul3A_277 = arith.mulf %get3A_269, %mul3A_276 : vector<16xf32>
        %mul3A_278 = vector.broadcast %squeeze3A_13 : f32 to vector<16xf32>
        %mul3A_279 = arith.mulf %get3A_272, %mul3A_278 : vector<16xf32>
        %add3A_280 = arith.addf %mul3A_277, %mul3A_279 : vector<16xf32>
        %mul3A_281 = vector.broadcast %squeeze3A_15 : f32 to vector<16xf32>
        %mul3A_282 = arith.mulf %get3A_275, %mul3A_281 : vector<16xf32>
        %add3A_283 = arith.addf %add3A_280, %mul3A_282 : vector<16xf32>
        %add3A_284 = vector.broadcast %squeeze3A_107 : f32 to vector<16xf32>
        %add3A_285 = arith.addf %add3A_283, %add3A_284 : vector<16xf32>
        %broadcast_in_dim3A = arith.constant 0 : i32
        %broadcast_in_dim3A_286 = vector.broadcast %broadcast_in_dim3A : i32 to vector<16xi32>
        %mul3A_287 = vector.broadcast %squeeze3A_17 : f32 to vector<16xf32>
        %mul3A_288 = arith.mulf %get3A_269, %mul3A_287 : vector<16xf32>
        %mul3A_289 = vector.broadcast %squeeze3A_19 : f32 to vector<16xf32>
        %mul3A_290 = arith.mulf %get3A_272, %mul3A_289 : vector<16xf32>
        %add3A_291 = arith.addf %mul3A_288, %mul3A_290 : vector<16xf32>
        %mul3A_292 = vector.broadcast %squeeze3A_21 : f32 to vector<16xf32>
        %mul3A_293 = arith.mulf %get3A_275, %mul3A_292 : vector<16xf32>
        %add3A_294 = arith.addf %add3A_291, %mul3A_293 : vector<16xf32>
        %add3A_295 = vector.broadcast %squeeze3A_109 : f32 to vector<16xf32>
        %add3A_296 = arith.addf %add3A_294, %add3A_295 : vector<16xf32>
        %lt3A_297 = arith.cmpf olt, %add3A_296, %add3A_285 : vector<16xf32>
        %jit3A = arith.constant 1 : i32
        %broadcast_in_dim3A_298 = vector.broadcast %jit3A : i32 to vector<16xi32>
        %select_n3A = arith.select %lt3A_297, %broadcast_in_dim3A_298, %broadcast_in_dim3A_286 : vector<16xi1>, vector<16xi32>
        %select_n3A_299 = arith.select %lt3A_297, %add3A_296, %add3A_285 : vector<16xi1>, vector<16xf32>
        %mul3A_300 = vector.broadcast %squeeze3A_23 : f32 to vector<16xf32>
        %mul3A_301 = arith.mulf %get3A_269, %mul3A_300 : vector<16xf32>
        %mul3A_302 = vector.broadcast %squeeze3A_25 : f32 to vector<16xf32>
        %mul3A_303 = arith.mulf %get3A_272, %mul3A_302 : vector<16xf32>
        %add3A_304 = arith.addf %mul3A_301, %mul3A_303 : vector<16xf32>
        %mul3A_305 = vector.broadcast %squeeze3A_27 : f32 to vector<16xf32>
        %mul3A_306 = arith.mulf %get3A_275, %mul3A_305 : vector<16xf32>
        %add3A_307 = arith.addf %add3A_304, %mul3A_306 : vector<16xf32>
        %add3A_308 = vector.broadcast %squeeze3A_111 : f32 to vector<16xf32>
        %add3A_309 = arith.addf %add3A_307, %add3A_308 : vector<16xf32>
        %lt3A_310 = arith.cmpf olt, %add3A_309, %select_n3A_299 : vector<16xf32>
        %jit3A_311 = arith.constant 2 : i32
        %broadcast_in_dim3A_312 = vector.broadcast %jit3A_311 : i32 to vector<16xi32>
        %select_n3A_313 = arith.select %lt3A_310, %broadcast_in_dim3A_312, %select_n3A : vector<16xi1>, vector<16xi32>
        %select_n3A_314 = arith.select %lt3A_310, %add3A_309, %select_n3A_299 : vector<16xi1>, vector<16xf32>
        %mul3A_315 = vector.broadcast %squeeze3A_29 : f32 to vector<16xf32>
        %mul3A_316 = arith.mulf %get3A_269, %mul3A_315 : vector<16xf32>
        %mul3A_317 = vector.broadcast %squeeze3A_31 : f32 to vector<16xf32>
        %mul3A_318 = arith.mulf %get3A_272, %mul3A_317 : vector<16xf32>
        %add3A_319 = arith.addf %mul3A_316, %mul3A_318 : vector<16xf32>
        %mul3A_320 = vector.broadcast %squeeze3A_33 : f32 to vector<16xf32>
        %mul3A_321 = arith.mulf %get3A_275, %mul3A_320 : vector<16xf32>
        %add3A_322 = arith.addf %add3A_319, %mul3A_321 : vector<16xf32>
        %add3A_323 = vector.broadcast %squeeze3A_113 : f32 to vector<16xf32>
        %add3A_324 = arith.addf %add3A_322, %add3A_323 : vector<16xf32>
        %lt3A_325 = arith.cmpf olt, %add3A_324, %select_n3A_314 : vector<16xf32>
        %jit3A_326 = arith.constant 3 : i32
        %broadcast_in_dim3A_327 = vector.broadcast %jit3A_326 : i32 to vector<16xi32>
        %select_n3A_328 = arith.select %lt3A_325, %broadcast_in_dim3A_327, %select_n3A_313 : vector<16xi1>, vector<16xi32>
        %select_n3A_329 = arith.select %lt3A_325, %add3A_324, %select_n3A_314 : vector<16xi1>, vector<16xf32>
        %mul3A_330 = vector.broadcast %squeeze3A_35 : f32 to vector<16xf32>
        %mul3A_331 = arith.mulf %get3A_269, %mul3A_330 : vector<16xf32>
        %mul3A_332 = vector.broadcast %squeeze3A_37 : f32 to vector<16xf32>
        %mul3A_333 = arith.mulf %get3A_272, %mul3A_332 : vector<16xf32>
        %add3A_334 = arith.addf %mul3A_331, %mul3A_333 : vector<16xf32>
        %mul3A_335 = vector.broadcast %squeeze3A_39 : f32 to vector<16xf32>
        %mul3A_336 = arith.mulf %get3A_275, %mul3A_335 : vector<16xf32>
        %add3A_337 = arith.addf %add3A_334, %mul3A_336 : vector<16xf32>
        %add3A_338 = vector.broadcast %squeeze3A_115 : f32 to vector<16xf32>
        %add3A_339 = arith.addf %add3A_337, %add3A_338 : vector<16xf32>
        %lt3A_340 = arith.cmpf olt, %add3A_339, %select_n3A_329 : vector<16xf32>
        %jit3A_341 = arith.constant 4 : i32
        %broadcast_in_dim3A_342 = vector.broadcast %jit3A_341 : i32 to vector<16xi32>
        %select_n3A_343 = arith.select %lt3A_340, %broadcast_in_dim3A_342, %select_n3A_328 : vector<16xi1>, vector<16xi32>
        %select_n3A_344 = arith.select %lt3A_340, %add3A_339, %select_n3A_329 : vector<16xi1>, vector<16xf32>
        %mul3A_345 = vector.broadcast %squeeze3A_41 : f32 to vector<16xf32>
        %mul3A_346 = arith.mulf %get3A_269, %mul3A_345 : vector<16xf32>
        %mul3A_347 = vector.broadcast %squeeze3A_43 : f32 to vector<16xf32>
        %mul3A_348 = arith.mulf %get3A_272, %mul3A_347 : vector<16xf32>
        %add3A_349 = arith.addf %mul3A_346, %mul3A_348 : vector<16xf32>
        %mul3A_350 = vector.broadcast %squeeze3A_45 : f32 to vector<16xf32>
        %mul3A_351 = arith.mulf %get3A_275, %mul3A_350 : vector<16xf32>
        %add3A_352 = arith.addf %add3A_349, %mul3A_351 : vector<16xf32>
        %add3A_353 = vector.broadcast %squeeze3A_117 : f32 to vector<16xf32>
        %add3A_354 = arith.addf %add3A_352, %add3A_353 : vector<16xf32>
        %lt3A_355 = arith.cmpf olt, %add3A_354, %select_n3A_344 : vector<16xf32>
        %jit3A_356 = arith.constant 5 : i32
        %broadcast_in_dim3A_357 = vector.broadcast %jit3A_356 : i32 to vector<16xi32>
        %select_n3A_358 = arith.select %lt3A_355, %broadcast_in_dim3A_357, %select_n3A_343 : vector<16xi1>, vector<16xi32>
        %select_n3A_359 = arith.select %lt3A_355, %add3A_354, %select_n3A_344 : vector<16xi1>, vector<16xf32>
        %mul3A_360 = vector.broadcast %squeeze3A_47 : f32 to vector<16xf32>
        %mul3A_361 = arith.mulf %get3A_269, %mul3A_360 : vector<16xf32>
        %mul3A_362 = vector.broadcast %squeeze3A_49 : f32 to vector<16xf32>
        %mul3A_363 = arith.mulf %get3A_272, %mul3A_362 : vector<16xf32>
        %add3A_364 = arith.addf %mul3A_361, %mul3A_363 : vector<16xf32>
        %mul3A_365 = vector.broadcast %squeeze3A_51 : f32 to vector<16xf32>
        %mul3A_366 = arith.mulf %get3A_275, %mul3A_365 : vector<16xf32>
        %add3A_367 = arith.addf %add3A_364, %mul3A_366 : vector<16xf32>
        %add3A_368 = vector.broadcast %squeeze3A_119 : f32 to vector<16xf32>
        %add3A_369 = arith.addf %add3A_367, %add3A_368 : vector<16xf32>
        %lt3A_370 = arith.cmpf olt, %add3A_369, %select_n3A_359 : vector<16xf32>
        %jit3A_371 = arith.constant 6 : i32
        %broadcast_in_dim3A_372 = vector.broadcast %jit3A_371 : i32 to vector<16xi32>
        %select_n3A_373 = arith.select %lt3A_370, %broadcast_in_dim3A_372, %select_n3A_358 : vector<16xi1>, vector<16xi32>
        %select_n3A_374 = arith.select %lt3A_370, %add3A_369, %select_n3A_359 : vector<16xi1>, vector<16xf32>
        %mul3A_375 = vector.broadcast %squeeze3A_53 : f32 to vector<16xf32>
        %mul3A_376 = arith.mulf %get3A_269, %mul3A_375 : vector<16xf32>
        %mul3A_377 = vector.broadcast %squeeze3A_55 : f32 to vector<16xf32>
        %mul3A_378 = arith.mulf %get3A_272, %mul3A_377 : vector<16xf32>
        %add3A_379 = arith.addf %mul3A_376, %mul3A_378 : vector<16xf32>
        %mul3A_380 = vector.broadcast %squeeze3A_57 : f32 to vector<16xf32>
        %mul3A_381 = arith.mulf %get3A_275, %mul3A_380 : vector<16xf32>
        %add3A_382 = arith.addf %add3A_379, %mul3A_381 : vector<16xf32>
        %add3A_383 = vector.broadcast %squeeze3A_121 : f32 to vector<16xf32>
        %add3A_384 = arith.addf %add3A_382, %add3A_383 : vector<16xf32>
        %lt3A_385 = arith.cmpf olt, %add3A_384, %select_n3A_374 : vector<16xf32>
        %jit3A_386 = arith.constant 7 : i32
        %broadcast_in_dim3A_387 = vector.broadcast %jit3A_386 : i32 to vector<16xi32>
        %select_n3A_388 = arith.select %lt3A_385, %broadcast_in_dim3A_387, %select_n3A_373 : vector<16xi1>, vector<16xi32>
        %select_n3A_389 = arith.select %lt3A_385, %add3A_384, %select_n3A_374 : vector<16xi1>, vector<16xf32>
        %mul3A_390 = vector.broadcast %squeeze3A_59 : f32 to vector<16xf32>
        %mul3A_391 = arith.mulf %get3A_269, %mul3A_390 : vector<16xf32>
        %mul3A_392 = vector.broadcast %squeeze3A_61 : f32 to vector<16xf32>
        %mul3A_393 = arith.mulf %get3A_272, %mul3A_392 : vector<16xf32>
        %add3A_394 = arith.addf %mul3A_391, %mul3A_393 : vector<16xf32>
        %mul3A_395 = vector.broadcast %squeeze3A_63 : f32 to vector<16xf32>
        %mul3A_396 = arith.mulf %get3A_275, %mul3A_395 : vector<16xf32>
        %add3A_397 = arith.addf %add3A_394, %mul3A_396 : vector<16xf32>
        %add3A_398 = vector.broadcast %squeeze3A_123 : f32 to vector<16xf32>
        %add3A_399 = arith.addf %add3A_397, %add3A_398 : vector<16xf32>
        %lt3A_400 = arith.cmpf olt, %add3A_399, %select_n3A_389 : vector<16xf32>
        %jit3A_401 = arith.constant 8 : i32
        %broadcast_in_dim3A_402 = vector.broadcast %jit3A_401 : i32 to vector<16xi32>
        %select_n3A_403 = arith.select %lt3A_400, %broadcast_in_dim3A_402, %select_n3A_388 : vector<16xi1>, vector<16xi32>
        %select_n3A_404 = arith.select %lt3A_400, %add3A_399, %select_n3A_389 : vector<16xi1>, vector<16xf32>
        %mul3A_405 = vector.broadcast %squeeze3A_65 : f32 to vector<16xf32>
        %mul3A_406 = arith.mulf %get3A_269, %mul3A_405 : vector<16xf32>
        %mul3A_407 = vector.broadcast %squeeze3A_67 : f32 to vector<16xf32>
        %mul3A_408 = arith.mulf %get3A_272, %mul3A_407 : vector<16xf32>
        %add3A_409 = arith.addf %mul3A_406, %mul3A_408 : vector<16xf32>
        %mul3A_410 = vector.broadcast %squeeze3A_69 : f32 to vector<16xf32>
        %mul3A_411 = arith.mulf %get3A_275, %mul3A_410 : vector<16xf32>
        %add3A_412 = arith.addf %add3A_409, %mul3A_411 : vector<16xf32>
        %add3A_413 = vector.broadcast %squeeze3A_125 : f32 to vector<16xf32>
        %add3A_414 = arith.addf %add3A_412, %add3A_413 : vector<16xf32>
        %lt3A_415 = arith.cmpf olt, %add3A_414, %select_n3A_404 : vector<16xf32>
        %jit3A_416 = arith.constant 9 : i32
        %broadcast_in_dim3A_417 = vector.broadcast %jit3A_416 : i32 to vector<16xi32>
        %select_n3A_418 = arith.select %lt3A_415, %broadcast_in_dim3A_417, %select_n3A_403 : vector<16xi1>, vector<16xi32>
        %select_n3A_419 = arith.select %lt3A_415, %add3A_414, %select_n3A_404 : vector<16xi1>, vector<16xf32>
        %mul3A_420 = vector.broadcast %squeeze3A_71 : f32 to vector<16xf32>
        %mul3A_421 = arith.mulf %get3A_269, %mul3A_420 : vector<16xf32>
        %mul3A_422 = vector.broadcast %squeeze3A_73 : f32 to vector<16xf32>
        %mul3A_423 = arith.mulf %get3A_272, %mul3A_422 : vector<16xf32>
        %add3A_424 = arith.addf %mul3A_421, %mul3A_423 : vector<16xf32>
        %mul3A_425 = vector.broadcast %squeeze3A_75 : f32 to vector<16xf32>
        %mul3A_426 = arith.mulf %get3A_275, %mul3A_425 : vector<16xf32>
        %add3A_427 = arith.addf %add3A_424, %mul3A_426 : vector<16xf32>
        %add3A_428 = vector.broadcast %squeeze3A_127 : f32 to vector<16xf32>
        %add3A_429 = arith.addf %add3A_427, %add3A_428 : vector<16xf32>
        %lt3A_430 = arith.cmpf olt, %add3A_429, %select_n3A_419 : vector<16xf32>
        %jit3A_431 = arith.constant 10 : i32
        %broadcast_in_dim3A_432 = vector.broadcast %jit3A_431 : i32 to vector<16xi32>
        %select_n3A_433 = arith.select %lt3A_430, %broadcast_in_dim3A_432, %select_n3A_418 : vector<16xi1>, vector<16xi32>
        %select_n3A_434 = arith.select %lt3A_430, %add3A_429, %select_n3A_419 : vector<16xi1>, vector<16xf32>
        %mul3A_435 = vector.broadcast %squeeze3A_77 : f32 to vector<16xf32>
        %mul3A_436 = arith.mulf %get3A_269, %mul3A_435 : vector<16xf32>
        %mul3A_437 = vector.broadcast %squeeze3A_79 : f32 to vector<16xf32>
        %mul3A_438 = arith.mulf %get3A_272, %mul3A_437 : vector<16xf32>
        %add3A_439 = arith.addf %mul3A_436, %mul3A_438 : vector<16xf32>
        %mul3A_440 = vector.broadcast %squeeze3A_81 : f32 to vector<16xf32>
        %mul3A_441 = arith.mulf %get3A_275, %mul3A_440 : vector<16xf32>
        %add3A_442 = arith.addf %add3A_439, %mul3A_441 : vector<16xf32>
        %add3A_443 = vector.broadcast %squeeze3A_129 : f32 to vector<16xf32>
        %add3A_444 = arith.addf %add3A_442, %add3A_443 : vector<16xf32>
        %lt3A_445 = arith.cmpf olt, %add3A_444, %select_n3A_434 : vector<16xf32>
        %jit3A_446 = arith.constant 11 : i32
        %broadcast_in_dim3A_447 = vector.broadcast %jit3A_446 : i32 to vector<16xi32>
        %select_n3A_448 = arith.select %lt3A_445, %broadcast_in_dim3A_447, %select_n3A_433 : vector<16xi1>, vector<16xi32>
        %select_n3A_449 = arith.select %lt3A_445, %add3A_444, %select_n3A_434 : vector<16xi1>, vector<16xf32>
        %mul3A_450 = vector.broadcast %squeeze3A_83 : f32 to vector<16xf32>
        %mul3A_451 = arith.mulf %get3A_269, %mul3A_450 : vector<16xf32>
        %mul3A_452 = vector.broadcast %squeeze3A_85 : f32 to vector<16xf32>
        %mul3A_453 = arith.mulf %get3A_272, %mul3A_452 : vector<16xf32>
        %add3A_454 = arith.addf %mul3A_451, %mul3A_453 : vector<16xf32>
        %mul3A_455 = vector.broadcast %squeeze3A_87 : f32 to vector<16xf32>
        %mul3A_456 = arith.mulf %get3A_275, %mul3A_455 : vector<16xf32>
        %add3A_457 = arith.addf %add3A_454, %mul3A_456 : vector<16xf32>
        %add3A_458 = vector.broadcast %squeeze3A_131 : f32 to vector<16xf32>
        %add3A_459 = arith.addf %add3A_457, %add3A_458 : vector<16xf32>
        %lt3A_460 = arith.cmpf olt, %add3A_459, %select_n3A_449 : vector<16xf32>
        %jit3A_461 = arith.constant 12 : i32
        %broadcast_in_dim3A_462 = vector.broadcast %jit3A_461 : i32 to vector<16xi32>
        %select_n3A_463 = arith.select %lt3A_460, %broadcast_in_dim3A_462, %select_n3A_448 : vector<16xi1>, vector<16xi32>
        %select_n3A_464 = arith.select %lt3A_460, %add3A_459, %select_n3A_449 : vector<16xi1>, vector<16xf32>
        %mul3A_465 = vector.broadcast %squeeze3A_89 : f32 to vector<16xf32>
        %mul3A_466 = arith.mulf %get3A_269, %mul3A_465 : vector<16xf32>
        %mul3A_467 = vector.broadcast %squeeze3A_91 : f32 to vector<16xf32>
        %mul3A_468 = arith.mulf %get3A_272, %mul3A_467 : vector<16xf32>
        %add3A_469 = arith.addf %mul3A_466, %mul3A_468 : vector<16xf32>
        %mul3A_470 = vector.broadcast %squeeze3A_93 : f32 to vector<16xf32>
        %mul3A_471 = arith.mulf %get3A_275, %mul3A_470 : vector<16xf32>
        %add3A_472 = arith.addf %add3A_469, %mul3A_471 : vector<16xf32>
        %add3A_473 = vector.broadcast %squeeze3A_133 : f32 to vector<16xf32>
        %add3A_474 = arith.addf %add3A_472, %add3A_473 : vector<16xf32>
        %lt3A_475 = arith.cmpf olt, %add3A_474, %select_n3A_464 : vector<16xf32>
        %jit3A_476 = arith.constant 13 : i32
        %broadcast_in_dim3A_477 = vector.broadcast %jit3A_476 : i32 to vector<16xi32>
        %select_n3A_478 = arith.select %lt3A_475, %broadcast_in_dim3A_477, %select_n3A_463 : vector<16xi1>, vector<16xi32>
        %select_n3A_479 = arith.select %lt3A_475, %add3A_474, %select_n3A_464 : vector<16xi1>, vector<16xf32>
        %mul3A_480 = vector.broadcast %squeeze3A_95 : f32 to vector<16xf32>
        %mul3A_481 = arith.mulf %get3A_269, %mul3A_480 : vector<16xf32>
        %mul3A_482 = vector.broadcast %squeeze3A_97 : f32 to vector<16xf32>
        %mul3A_483 = arith.mulf %get3A_272, %mul3A_482 : vector<16xf32>
        %add3A_484 = arith.addf %mul3A_481, %mul3A_483 : vector<16xf32>
        %mul3A_485 = vector.broadcast %squeeze3A_99 : f32 to vector<16xf32>
        %mul3A_486 = arith.mulf %get3A_275, %mul3A_485 : vector<16xf32>
        %add3A_487 = arith.addf %add3A_484, %mul3A_486 : vector<16xf32>
        %add3A_488 = vector.broadcast %squeeze3A_135 : f32 to vector<16xf32>
        %add3A_489 = arith.addf %add3A_487, %add3A_488 : vector<16xf32>
        %lt3A_490 = arith.cmpf olt, %add3A_489, %select_n3A_479 : vector<16xf32>
        %jit3A_491 = arith.constant 14 : i32
        %broadcast_in_dim3A_492 = vector.broadcast %jit3A_491 : i32 to vector<16xi32>
        %select_n3A_493 = arith.select %lt3A_490, %broadcast_in_dim3A_492, %select_n3A_478 : vector<16xi1>, vector<16xi32>
        %select_n3A_494 = arith.select %lt3A_490, %add3A_489, %select_n3A_479 : vector<16xi1>, vector<16xf32>
        %mul3A_495 = vector.broadcast %squeeze3A_101 : f32 to vector<16xf32>
        %mul3A_496 = arith.mulf %get3A_269, %mul3A_495 : vector<16xf32>
        %mul3A_497 = vector.broadcast %squeeze3A_103 : f32 to vector<16xf32>
        %mul3A_498 = arith.mulf %get3A_272, %mul3A_497 : vector<16xf32>
        %add3A_499 = arith.addf %mul3A_496, %mul3A_498 : vector<16xf32>
        %mul3A_500 = vector.broadcast %squeeze3A_105 : f32 to vector<16xf32>
        %mul3A_501 = arith.mulf %get3A_275, %mul3A_500 : vector<16xf32>
        %add3A_502 = arith.addf %add3A_499, %mul3A_501 : vector<16xf32>
        %add3A_503 = vector.broadcast %squeeze3A_137 : f32 to vector<16xf32>
        %add3A_504 = arith.addf %add3A_502, %add3A_503 : vector<16xf32>
        %lt3A_505 = arith.cmpf olt, %add3A_504, %select_n3A_494 : vector<16xf32>
        %jit3A_506 = arith.constant 15 : i32
        %broadcast_in_dim3A_507 = vector.broadcast %jit3A_506 : i32 to vector<16xi32>
        %select_n3A_508 = arith.select %lt3A_505, %broadcast_in_dim3A_507, %select_n3A_493 : vector<16xi1>, vector<16xi32>
        %select_n3A_509 = arith.select %lt3A_505, %add3A_504, %select_n3A_494 : vector<16xi1>, vector<16xf32>
        %swap3A = arith.index_cast %multiple_of3A_266 : i32 to index
        %swap3A_510 = tpu.vector_load %arg19[%swap3A] {strides = array<i32>} : memref<2608xf32, #tpu.memory_space<vmem>>, vector<16xf32>,
        %swap3A_511 = vector.shape_cast %swap3A_510 : vector<16xf32> to vector<16xf32>
        %swap3A_512 = vector.shape_cast %select_n3A_509 : vector<16xf32> to vector<16xf32>
        tpu.vector_store %arg19[%swap3A], %swap3A_512 {strides = array<i32>} : memref<2608xf32, #tpu.memory_space<vmem>>, vector<16xf32>,
        %mul3A_513 = arith.constant 48 : i32
        %mul3A_514 = vector.broadcast %mul3A_513 : i32 to vector<16xi32>
        %mul3A_515 = arith.muli %select_n3A_508, %mul3A_514 : vector<16xi32>
        %slice3A_516 = vector.extract_strided_slice %mul3A_515 {offsets = [0], sizes = [1], strides = [1]} : vector<16xi32> to vector<1xi32>
        %squeeze3A_517 = vector.extract %slice3A_516[0] : i32 from vector<1xi32>
        %multiple_of3A_518 = tpu.assume_multiple %squeeze3A_517, 16 : i32
        %get3A_519 = arith.index_cast %multiple_of3A_518 : i32 to index
        %get3A_520 = tpu.vector_load %arg10[%get3A_519] {strides = array<i32>} : memref<768xf32, #tpu.memory_space<vmem>>, vector<16xf32>,
        %get3A_521 = vector.shape_cast %get3A_520 : vector<16xf32> to vector<16xf32>
        %add3A_522 = arith.constant 16 : i32
        %add3A_523 = arith.addi %multiple_of3A_518, %add3A_522 : i32
        %get3A_524 = arith.index_cast %add3A_523 : i32 to index
        %get3A_525 = tpu.vector_load %arg10[%get3A_524] {strides = array<i32>} : memref<768xf32, #tpu.memory_space<vmem>>, vector<16xf32>,
        %get3A_526 = vector.shape_cast %get3A_525 : vector<16xf32> to vector<16xf32>
        %add3A_527 = arith.constant 32 : i32
        %add3A_528 = arith.addi %multiple_of3A_518, %add3A_527 : i32
        %get3A_529 = arith.index_cast %add3A_528 : i32 to index
        %get3A_530 = tpu.vector_load %arg10[%get3A_529] {strides = array<i32>} : memref<768xf32, #tpu.memory_space<vmem>>, vector<16xf32>,
        %get3A_531 = vector.shape_cast %get3A_530 : vector<16xf32> to vector<16xf32>
        %slice3A_532 = vector.extract_strided_slice %get3A_269 {offsets = [0], sizes = [1], strides = [1]} : vector<16xf32> to vector<1xf32>
        %squeeze3A_533 = vector.extract %slice3A_532[0] : f32 from vector<1xf32>
        %mul3A_534 = vector.broadcast %squeeze3A_533 : f32 to vector<16xf32>
        %mul3A_535 = arith.mulf %mul3A_534, %get3A_521 : vector<16xf32>
        %slice3A_536 = vector.extract_strided_slice %get3A_272 {offsets = [0], sizes = [1], strides = [1]} : vector<16xf32> to vector<1xf32>
        %squeeze3A_537 = vector.extract %slice3A_536[0] : f32 from vector<1xf32>
        %mul3A_538 = vector.broadcast %squeeze3A_537 : f32 to vector<16xf32>
        %mul3A_539 = arith.mulf %mul3A_538, %get3A_526 : vector<16xf32>
        %add3A_540 = arith.addf %mul3A_535, %mul3A_539 : vector<16xf32>
        %slice3A_541 = vector.extract_strided_slice %get3A_275 {offsets = [0], sizes = [1], strides = [1]} : vector<16xf32> to vector<1xf32>
        %squeeze3A_542 = vector.extract %slice3A_541[0] : f32 from vector<1xf32>
        %mul3A_543 = vector.broadcast %squeeze3A_542 : f32 to vector<16xf32>
        %mul3A_544 = arith.mulf %mul3A_543, %get3A_531 : vector<16xf32>
        %add3A_545 = arith.addf %add3A_540, %mul3A_544 : vector<16xf32>
        %add3A_546 = arith.constant 0 : i32
        %add3A_547 = arith.addi %multiple_of3A_266, %add3A_546 : i32
        %mul3A_548 = arith.constant 16 : i32
        %mul3A_549 = arith.muli %add3A_547, %mul3A_548 : i32
        %multiple_of3A_550 = tpu.assume_multiple %mul3A_549, 16 : i32
        %swap3A_551 = arith.index_cast %multiple_of3A_550 : i32 to index
        %swap3A_552 = tpu.vector_load %arg20[%swap3A_551] {strides = array<i32>} : memref<41728xf32, #tpu.memory_space<vmem>>, vector<16xf32>,
        %swap3A_553 = vector.shape_cast %swap3A_552 : vector<16xf32> to vector<16xf32>
        %swap3A_554 = vector.shape_cast %add3A_545 : vector<16xf32> to vector<16xf32>
        tpu.vector_store %arg20[%swap3A_551], %swap3A_554 {strides = array<i32>} : memref<41728xf32, #tpu.memory_space<vmem>>, vector<16xf32>,
        %slice3A_555 = vector.extract_strided_slice %mul3A_515 {offsets = [1], sizes = [1], strides = [1]} : vector<16xi32> to vector<1xi32>
        %squeeze3A_556 = vector.extract %slice3A_555[0] : i32 from vector<1xi32>
        %multiple_of3A_557 = tpu.assume_multiple %squeeze3A_556, 16 : i32
        %get3A_558 = arith.index_cast %multiple_of3A_557 : i32 to index
        %get3A_559 = tpu.vector_load %arg10[%get3A_558] {strides = array<i32>} : memref<768xf32, #tpu.memory_space<vmem>>, vector<16xf32>,
        %get3A_560 = vector.shape_cast %get3A_559 : vector<16xf32> to vector<16xf32>
        %add3A_561 = arith.constant 16 : i32
        %add3A_562 = arith.addi %multiple_of3A_557, %add3A_561 : i32
        %get3A_563 = arith.index_cast %add3A_562 : i32 to index
        %get3A_564 = tpu.vector_load %arg10[%get3A_563] {strides = array<i32>} : memref<768xf32, #tpu.memory_space<vmem>>, vector<16xf32>,
        %get3A_565 = vector.shape_cast %get3A_564 : vector<16xf32> to vector<16xf32>
        %add3A_566 = arith.constant 32 : i32
        %add3A_567 = arith.addi %multiple_of3A_557, %add3A_566 : i32
        %get3A_568 = arith.index_cast %add3A_567 : i32 to index
        %get3A_569 = tpu.vector_load %arg10[%get3A_568] {strides = array<i32>} : memref<768xf32, #tpu.memory_space<vmem>>, vector<16xf32>,
        %get3A_570 = vector.shape_cast %get3A_569 : vector<16xf32> to vector<16xf32>
        %slice3A_571 = vector.extract_strided_slice %get3A_269 {offsets = [1], sizes = [1], strides = [1]} : vector<16xf32> to vector<1xf32>
        %squeeze3A_572 = vector.extract %slice3A_571[0] : f32 from vector<1xf32>
        %mul3A_573 = vector.broadcast %squeeze3A_572 : f32 to vector<16xf32>
        %mul3A_574 = arith.mulf %mul3A_573, %get3A_560 : vector<16xf32>
        %slice3A_575 = vector.extract_strided_slice %get3A_272 {offsets = [1], sizes = [1], strides = [1]} : vector<16xf32> to vector<1xf32>
        %squeeze3A_576 = vector.extract %slice3A_575[0] : f32 from vector<1xf32>
        %mul3A_577 = vector.broadcast %squeeze3A_576 : f32 to vector<16xf32>
        %mul3A_578 = arith.mulf %mul3A_577, %get3A_565 : vector<16xf32>
        %add3A_579 = arith.addf %mul3A_574, %mul3A_578 : vector<16xf32>
        %slice3A_580 = vector.extract_strided_slice %get3A_275 {offsets = [1], sizes = [1], strides = [1]} : vector<16xf32> to vector<1xf32>
        %squeeze3A_581 = vector.extract %slice3A_580[0] : f32 from vector<1xf32>
        %mul3A_582 = vector.broadcast %squeeze3A_581 : f32 to vector<16xf32>
        %mul3A_583 = arith.mulf %mul3A_582, %get3A_570 : vector<16xf32>
        %add3A_584 = arith.addf %add3A_579, %mul3A_583 : vector<16xf32>
        %add3A_585 = arith.constant 1 : i32
        %add3A_586 = arith.addi %multiple_of3A_266, %add3A_585 : i32
        %mul3A_587 = arith.constant 16 : i32
        %mul3A_588 = arith.muli %add3A_586, %mul3A_587 : i32
        %multiple_of3A_589 = tpu.assume_multiple %mul3A_588, 16 : i32
        %swap3A_590 = arith.index_cast %multiple_of3A_589 : i32 to index
        %swap3A_591 = tpu.vector_load %arg20[%swap3A_590] {strides = array<i32>} : memref<41728xf32, #tpu.memory_space<vmem>>, vector<16xf32>,
        %swap3A_592 = vector.shape_cast %swap3A_591 : vector<16xf32> to vector<16xf32>
        %swap3A_593 = vector.shape_cast %add3A_584 : vector<16xf32> to vector<16xf32>
        tpu.vector_store %arg20[%swap3A_590], %swap3A_593 {strides = array<i32>} : memref<41728xf32, #tpu.memory_space<vmem>>, vector<16xf32>,
        %slice3A_594 = vector.extract_strided_slice %mul3A_515 {offsets = [2], sizes = [1], strides = [1]} : vector<16xi32> to vector<1xi32>
        %squeeze3A_595 = vector.extract %slice3A_594[0] : i32 from vector<1xi32>
        %multiple_of3A_596 = tpu.assume_multiple %squeeze3A_595, 16 : i32
        %get3A_597 = arith.index_cast %multiple_of3A_596 : i32 to index
        %get3A_598 = tpu.vector_load %arg10[%get3A_597] {strides = array<i32>} : memref<768xf32, #tpu.memory_space<vmem>>, vector<16xf32>,
        %get3A_599 = vector.shape_cast %get3A_598 : vector<16xf32> to vector<16xf32>
        %add3A_600 = arith.constant 16 : i32
        %add3A_601 = arith.addi %multiple_of3A_596, %add3A_600 : i32
        %get3A_602 = arith.index_cast %add3A_601 : i32 to index
        %get3A_603 = tpu.vector_load %arg10[%get3A_602] {strides = array<i32>} : memref<768xf32, #tpu.memory_space<vmem>>, vector<16xf32>,
        %get3A_604 = vector.shape_cast %get3A_603 : vector<16xf32> to vector<16xf32>
        %add3A_605 = arith.constant 32 : i32
        %add3A_606 = arith.addi %multiple_of3A_596, %add3A_605 : i32
        %get3A_607 = arith.index_cast %add3A_606 : i32 to index
        %get3A_608 = tpu.vector_load %arg10[%get3A_607] {strides = array<i32>} : memref<768xf32, #tpu.memory_space<vmem>>, vector<16xf32>,
        %get3A_609 = vector.shape_cast %get3A_608 : vector<16xf32> to vector<16xf32>
        %slice3A_610 = vector.extract_strided_slice %get3A_269 {offsets = [2], sizes = [1], strides = [1]} : vector<16xf32> to vector<1xf32>
        %squeeze3A_611 = vector.extract %slice3A_610[0] : f32 from vector<1xf32>
        %mul3A_612 = vector.broadcast %squeeze3A_611 : f32 to vector<16xf32>
        %mul3A_613 = arith.mulf %mul3A_612, %get3A_599 : vector<16xf32>
        %slice3A_614 = vector.extract_strided_slice %get3A_272 {offsets = [2], sizes = [1], strides = [1]} : vector<16xf32> to vector<1xf32>
        %squeeze3A_615 = vector.extract %slice3A_614[0] : f32 from vector<1xf32>
        %mul3A_616 = vector.broadcast %squeeze3A_615 : f32 to vector<16xf32>
        %mul3A_617 = arith.mulf %mul3A_616, %get3A_604 : vector<16xf32>
        %add3A_618 = arith.addf %mul3A_613, %mul3A_617 : vector<16xf32>
        %slice3A_619 = vector.extract_strided_slice %get3A_275 {offsets = [2], sizes = [1], strides = [1]} : vector<16xf32> to vector<1xf32>
        %squeeze3A_620 = vector.extract %slice3A_619[0] : f32 from vector<1xf32>
        %mul3A_621 = vector.broadcast %squeeze3A_620 : f32 to vector<16xf32>
        %mul3A_622 = arith.mulf %mul3A_621, %get3A_609 : vector<16xf32>
        %add3A_623 = arith.addf %add3A_618, %mul3A_622 : vector<16xf32>
        %add3A_624 = arith.constant 2 : i32
        %add3A_625 = arith.addi %multiple_of3A_266, %add3A_624 : i32
        %mul3A_626 = arith.constant 16 : i32
        %mul3A_627 = arith.muli %add3A_625, %mul3A_626 : i32
        %multiple_of3A_628 = tpu.assume_multiple %mul3A_627, 16 : i32
        %swap3A_629 = arith.index_cast %multiple_of3A_628 : i32 to index
        %swap3A_630 = tpu.vector_load %arg20[%swap3A_629] {strides = array<i32>} : memref<41728xf32, #tpu.memory_space<vmem>>, vector<16xf32>,
        %swap3A_631 = vector.shape_cast %swap3A_630 : vector<16xf32> to vector<16xf32>
        %swap3A_632 = vector.shape_cast %add3A_623 : vector<16xf32> to vector<16xf32>
        tpu.vector_store %arg20[%swap3A_629], %swap3A_632 {strides = array<i32>} : memref<41728xf32, #tpu.memory_space<vmem>>, vector<16xf32>,
        %slice3A_633 = vector.extract_strided_slice %mul3A_515 {offsets = [3], sizes = [1], strides = [1]} : vector<16xi32> to vector<1xi32>
        %squeeze3A_634 = vector.extract %slice3A_633[0] : i32 from vector<1xi32>
        %multiple_of3A_635 = tpu.assume_multiple %squeeze3A_634, 16 : i32
        %get3A_636 = arith.index_cast %multiple_of3A_635 : i32 to index
        %get3A_637 = tpu.vector_load %arg10[%get3A_636] {strides = array<i32>} : memref<768xf32, #tpu.memory_space<vmem>>, vector<16xf32>,
        %get3A_638 = vector.shape_cast %get3A_637 : vector<16xf32> to vector<16xf32>
        %add3A_639 = arith.constant 16 : i32
        %add3A_640 = arith.addi %multiple_of3A_635, %add3A_639 : i32
        %get3A_641 = arith.index_cast %add3A_640 : i32 to index
        %get3A_642 = tpu.vector_load %arg10[%get3A_641] {strides = array<i32>} : memref<768xf32, #tpu.memory_space<vmem>>, vector<16xf32>,
        %get3A_643 = vector.shape_cast %get3A_642 : vector<16xf32> to vector<16xf32>
        %add3A_644 = arith.constant 32 : i32
        %add3A_645 = arith.addi %multiple_of3A_635, %add3A_644 : i32
        %get3A_646 = arith.index_cast %add3A_645 : i32 to index
        %get3A_647 = tpu.vector_load %arg10[%get3A_646] {strides = array<i32>} : memref<768xf32, #tpu.memory_space<vmem>>, vector<16xf32>,
        %get3A_648 = vector.shape_cast %get3A_647 : vector<16xf32> to vector<16xf32>
        %slice3A_649 = vector.extract_strided_slice %get3A_269 {offsets = [3], sizes = [1], strides = [1]} : vector<16xf32> to vector<1xf32>
        %squeeze3A_650 = vector.extract %slice3A_649[0] : f32 from vector<1xf32>
        %mul3A_651 = vector.broadcast %squeeze3A_650 : f32 to vector<16xf32>
        %mul3A_652 = arith.mulf %mul3A_651, %get3A_638 : vector<16xf32>
        %slice3A_653 = vector.extract_strided_slice %get3A_272 {offsets = [3], sizes = [1], strides = [1]} : vector<16xf32> to vector<1xf32>
        %squeeze3A_654 = vector.extract %slice3A_653[0] : f32 from vector<1xf32>
        %mul3A_655 = vector.broadcast %squeeze3A_654 : f32 to vector<16xf32>
        %mul3A_656 = arith.mulf %mul3A_655, %get3A_643 : vector<16xf32>
        %add3A_657 = arith.addf %mul3A_652, %mul3A_656 : vector<16xf32>
        %slice3A_658 = vector.extract_strided_slice %get3A_275 {offsets = [3], sizes = [1], strides = [1]} : vector<16xf32> to vector<1xf32>
        %squeeze3A_659 = vector.extract %slice3A_658[0] : f32 from vector<1xf32>
        %mul3A_660 = vector.broadcast %squeeze3A_659 : f32 to vector<16xf32>
        %mul3A_661 = arith.mulf %mul3A_660, %get3A_648 : vector<16xf32>
        %add3A_662 = arith.addf %add3A_657, %mul3A_661 : vector<16xf32>
        %add3A_663 = arith.constant 3 : i32
        %add3A_664 = arith.addi %multiple_of3A_266, %add3A_663 : i32
        %mul3A_665 = arith.constant 16 : i32
        %mul3A_666 = arith.muli %add3A_664, %mul3A_665 : i32
        %multiple_of3A_667 = tpu.assume_multiple %mul3A_666, 16 : i32
        %swap3A_668 = arith.index_cast %multiple_of3A_667 : i32 to index
        %swap3A_669 = tpu.vector_load %arg20[%swap3A_668] {strides = array<i32>} : memref<41728xf32, #tpu.memory_space<vmem>>, vector<16xf32>,
        %swap3A_670 = vector.shape_cast %swap3A_669 : vector<16xf32> to vector<16xf32>
        %swap3A_671 = vector.shape_cast %add3A_662 : vector<16xf32> to vector<16xf32>
        tpu.vector_store %arg20[%swap3A_668], %swap3A_671 {strides = array<i32>} : memref<41728xf32, #tpu.memory_space<vmem>>, vector<16xf32>,
        %slice3A_672 = vector.extract_strided_slice %mul3A_515 {offsets = [4], sizes = [1], strides = [1]} : vector<16xi32> to vector<1xi32>
        %squeeze3A_673 = vector.extract %slice3A_672[0] : i32 from vector<1xi32>
        %multiple_of3A_674 = tpu.assume_multiple %squeeze3A_673, 16 : i32
        %get3A_675 = arith.index_cast %multiple_of3A_674 : i32 to index
        %get3A_676 = tpu.vector_load %arg10[%get3A_675] {strides = array<i32>} : memref<768xf32, #tpu.memory_space<vmem>>, vector<16xf32>,
        %get3A_677 = vector.shape_cast %get3A_676 : vector<16xf32> to vector<16xf32>
        %add3A_678 = arith.constant 16 : i32
        %add3A_679 = arith.addi %multiple_of3A_674, %add3A_678 : i32
        %get3A_680 = arith.index_cast %add3A_679 : i32 to index
        %get3A_681 = tpu.vector_load %arg10[%get3A_680] {strides = array<i32>} : memref<768xf32, #tpu.memory_space<vmem>>, vector<16xf32>,
        %get3A_682 = vector.shape_cast %get3A_681 : vector<16xf32> to vector<16xf32>
        %add3A_683 = arith.constant 32 : i32
        %add3A_684 = arith.addi %multiple_of3A_674, %add3A_683 : i32
        %get3A_685 = arith.index_cast %add3A_684 : i32 to index
        %get3A_686 = tpu.vector_load %arg10[%get3A_685] {strides = array<i32>} : memref<768xf32, #tpu.memory_space<vmem>>, vector<16xf32>,
        %get3A_687 = vector.shape_cast %get3A_686 : vector<16xf32> to vector<16xf32>
        %slice3A_688 = vector.extract_strided_slice %get3A_269 {offsets = [4], sizes = [1], strides = [1]} : vector<16xf32> to vector<1xf32>
        %squeeze3A_689 = vector.extract %slice3A_688[0] : f32 from vector<1xf32>
        %mul3A_690 = vector.broadcast %squeeze3A_689 : f32 to vector<16xf32>
        %mul3A_691 = arith.mulf %mul3A_690, %get3A_677 : vector<16xf32>
        %slice3A_692 = vector.extract_strided_slice %get3A_272 {offsets = [4], sizes = [1], strides = [1]} : vector<16xf32> to vector<1xf32>
        %squeeze3A_693 = vector.extract %slice3A_692[0] : f32 from vector<1xf32>
        %mul3A_694 = vector.broadcast %squeeze3A_693 : f32 to vector<16xf32>
        %mul3A_695 = arith.mulf %mul3A_694, %get3A_682 : vector<16xf32>
        %add3A_696 = arith.addf %mul3A_691, %mul3A_695 : vector<16xf32>
        %slice3A_697 = vector.extract_strided_slice %get3A_275 {offsets = [4], sizes = [1], strides = [1]} : vector<16xf32> to vector<1xf32>
        %squeeze3A_698 = vector.extract %slice3A_697[0] : f32 from vector<1xf32>
        %mul3A_699 = vector.broadcast %squeeze3A_698 : f32 to vector<16xf32>
        %mul3A_700 = arith.mulf %mul3A_699, %get3A_687 : vector<16xf32>
        %add3A_701 = arith.addf %add3A_696, %mul3A_700 : vector<16xf32>
        %add3A_702 = arith.constant 4 : i32
        %add3A_703 = arith.addi %multiple_of3A_266, %add3A_702 : i32
        %mul3A_704 = arith.constant 16 : i32
        %mul3A_705 = arith.muli %add3A_703, %mul3A_704 : i32
        %multiple_of3A_706 = tpu.assume_multiple %mul3A_705, 16 : i32
        %swap3A_707 = arith.index_cast %multiple_of3A_706 : i32 to index
        %swap3A_708 = tpu.vector_load %arg20[%swap3A_707] {strides = array<i32>} : memref<41728xf32, #tpu.memory_space<vmem>>, vector<16xf32>,
        %swap3A_709 = vector.shape_cast %swap3A_708 : vector<16xf32> to vector<16xf32>
        %swap3A_710 = vector.shape_cast %add3A_701 : vector<16xf32> to vector<16xf32>
        tpu.vector_store %arg20[%swap3A_707], %swap3A_710 {strides = array<i32>} : memref<41728xf32, #tpu.memory_space<vmem>>, vector<16xf32>,
        %slice3A_711 = vector.extract_strided_slice %mul3A_515 {offsets = [5], sizes = [1], strides = [1]} : vector<16xi32> to vector<1xi32>
        %squeeze3A_712 = vector.extract %slice3A_711[0] : i32 from vector<1xi32>
        %multiple_of3A_713 = tpu.assume_multiple %squeeze3A_712, 16 : i32
        %get3A_714 = arith.index_cast %multiple_of3A_713 : i32 to index
        %get3A_715 = tpu.vector_load %arg10[%get3A_714] {strides = array<i32>} : memref<768xf32, #tpu.memory_space<vmem>>, vector<16xf32>,
        %get3A_716 = vector.shape_cast %get3A_715 : vector<16xf32> to vector<16xf32>
        %add3A_717 = arith.constant 16 : i32
        %add3A_718 = arith.addi %multiple_of3A_713, %add3A_717 : i32
        %get3A_719 = arith.index_cast %add3A_718 : i32 to index
        %get3A_720 = tpu.vector_load %arg10[%get3A_719] {strides = array<i32>} : memref<768xf32, #tpu.memory_space<vmem>>, vector<16xf32>,
        %get3A_721 = vector.shape_cast %get3A_720 : vector<16xf32> to vector<16xf32>
        %add3A_722 = arith.constant 32 : i32
        %add3A_723 = arith.addi %multiple_of3A_713, %add3A_722 : i32
        %get3A_724 = arith.index_cast %add3A_723 : i32 to index
        %get3A_725 = tpu.vector_load %arg10[%get3A_724] {strides = array<i32>} : memref<768xf32, #tpu.memory_space<vmem>>, vector<16xf32>,
        %get3A_726 = vector.shape_cast %get3A_725 : vector<16xf32> to vector<16xf32>
        %slice3A_727 = vector.extract_strided_slice %get3A_269 {offsets = [5], sizes = [1], strides = [1]} : vector<16xf32> to vector<1xf32>
        %squeeze3A_728 = vector.extract %slice3A_727[0] : f32 from vector<1xf32>
        %mul3A_729 = vector.broadcast %squeeze3A_728 : f32 to vector<16xf32>
        %mul3A_730 = arith.mulf %mul3A_729, %get3A_716 : vector<16xf32>
        %slice3A_731 = vector.extract_strided_slice %get3A_272 {offsets = [5], sizes = [1], strides = [1]} : vector<16xf32> to vector<1xf32>
        %squeeze3A_732 = vector.extract %slice3A_731[0] : f32 from vector<1xf32>
        %mul3A_733 = vector.broadcast %squeeze3A_732 : f32 to vector<16xf32>
        %mul3A_734 = arith.mulf %mul3A_733, %get3A_721 : vector<16xf32>
        %add3A_735 = arith.addf %mul3A_730, %mul3A_734 : vector<16xf32>
        %slice3A_736 = vector.extract_strided_slice %get3A_275 {offsets = [5], sizes = [1], strides = [1]} : vector<16xf32> to vector<1xf32>
        %squeeze3A_737 = vector.extract %slice3A_736[0] : f32 from vector<1xf32>
        %mul3A_738 = vector.broadcast %squeeze3A_737 : f32 to vector<16xf32>
        %mul3A_739 = arith.mulf %mul3A_738, %get3A_726 : vector<16xf32>
        %add3A_740 = arith.addf %add3A_735, %mul3A_739 : vector<16xf32>
        %add3A_741 = arith.constant 5 : i32
        %add3A_742 = arith.addi %multiple_of3A_266, %add3A_741 : i32
        %mul3A_743 = arith.constant 16 : i32
        %mul3A_744 = arith.muli %add3A_742, %mul3A_743 : i32
        %multiple_of3A_745 = tpu.assume_multiple %mul3A_744, 16 : i32
        %swap3A_746 = arith.index_cast %multiple_of3A_745 : i32 to index
        %swap3A_747 = tpu.vector_load %arg20[%swap3A_746] {strides = array<i32>} : memref<41728xf32, #tpu.memory_space<vmem>>, vector<16xf32>,
        %swap3A_748 = vector.shape_cast %swap3A_747 : vector<16xf32> to vector<16xf32>
        %swap3A_749 = vector.shape_cast %add3A_740 : vector<16xf32> to vector<16xf32>
        tpu.vector_store %arg20[%swap3A_746], %swap3A_749 {strides = array<i32>} : memref<41728xf32, #tpu.memory_space<vmem>>, vector<16xf32>,
        %slice3A_750 = vector.extract_strided_slice %mul3A_515 {offsets = [6], sizes = [1], strides = [1]} : vector<16xi32> to vector<1xi32>
        %squeeze3A_751 = vector.extract %slice3A_750[0] : i32 from vector<1xi32>
        %multiple_of3A_752 = tpu.assume_multiple %squeeze3A_751, 16 : i32
        %get3A_753 = arith.index_cast %multiple_of3A_752 : i32 to index
        %get3A_754 = tpu.vector_load %arg10[%get3A_753] {strides = array<i32>} : memref<768xf32, #tpu.memory_space<vmem>>, vector<16xf32>,
        %get3A_755 = vector.shape_cast %get3A_754 : vector<16xf32> to vector<16xf32>
        %add3A_756 = arith.constant 16 : i32
        %add3A_757 = arith.addi %multiple_of3A_752, %add3A_756 : i32
        %get3A_758 = arith.index_cast %add3A_757 : i32 to index
        %get3A_759 = tpu.vector_load %arg10[%get3A_758] {strides = array<i32>} : memref<768xf32, #tpu.memory_space<vmem>>, vector<16xf32>,
        %get3A_760 = vector.shape_cast %get3A_759 : vector<16xf32> to vector<16xf32>
        %add3A_761 = arith.constant 32 : i32
        %add3A_762 = arith.addi %multiple_of3A_752, %add3A_761 : i32
        %get3A_763 = arith.index_cast %add3A_762 : i32 to index
        %get3A_764 = tpu.vector_load %arg10[%get3A_763] {strides = array<i32>} : memref<768xf32, #tpu.memory_space<vmem>>, vector<16xf32>,
        %get3A_765 = vector.shape_cast %get3A_764 : vector<16xf32> to vector<16xf32>
        %slice3A_766 = vector.extract_strided_slice %get3A_269 {offsets = [6], sizes = [1], strides = [1]} : vector<16xf32> to vector<1xf32>
        %squeeze3A_767 = vector.extract %slice3A_766[0] : f32 from vector<1xf32>
        %mul3A_768 = vector.broadcast %squeeze3A_767 : f32 to vector<16xf32>
        %mul3A_769 = arith.mulf %mul3A_768, %get3A_755 : vector<16xf32>
        %slice3A_770 = vector.extract_strided_slice %get3A_272 {offsets = [6], sizes = [1], strides = [1]} : vector<16xf32> to vector<1xf32>
        %squeeze3A_771 = vector.extract %slice3A_770[0] : f32 from vector<1xf32>
        %mul3A_772 = vector.broadcast %squeeze3A_771 : f32 to vector<16xf32>
        %mul3A_773 = arith.mulf %mul3A_772, %get3A_760 : vector<16xf32>
        %add3A_774 = arith.addf %mul3A_769, %mul3A_773 : vector<16xf32>
        %slice3A_775 = vector.extract_strided_slice %get3A_275 {offsets = [6], sizes = [1], strides = [1]} : vector<16xf32> to vector<1xf32>
        %squeeze3A_776 = vector.extract %slice3A_775[0] : f32 from vector<1xf32>
        %mul3A_777 = vector.broadcast %squeeze3A_776 : f32 to vector<16xf32>
        %mul3A_778 = arith.mulf %mul3A_777, %get3A_765 : vector<16xf32>
        %add3A_779 = arith.addf %add3A_774, %mul3A_778 : vector<16xf32>
        %add3A_780 = arith.constant 6 : i32
        %add3A_781 = arith.addi %multiple_of3A_266, %add3A_780 : i32
        %mul3A_782 = arith.constant 16 : i32
        %mul3A_783 = arith.muli %add3A_781, %mul3A_782 : i32
        %multiple_of3A_784 = tpu.assume_multiple %mul3A_783, 16 : i32
        %swap3A_785 = arith.index_cast %multiple_of3A_784 : i32 to index
        %swap3A_786 = tpu.vector_load %arg20[%swap3A_785] {strides = array<i32>} : memref<41728xf32, #tpu.memory_space<vmem>>, vector<16xf32>,
        %swap3A_787 = vector.shape_cast %swap3A_786 : vector<16xf32> to vector<16xf32>
        %swap3A_788 = vector.shape_cast %add3A_779 : vector<16xf32> to vector<16xf32>
        tpu.vector_store %arg20[%swap3A_785], %swap3A_788 {strides = array<i32>} : memref<41728xf32, #tpu.memory_space<vmem>>, vector<16xf32>,
        %slice3A_789 = vector.extract_strided_slice %mul3A_515 {offsets = [7], sizes = [1], strides = [1]} : vector<16xi32> to vector<1xi32>
        %squeeze3A_790 = vector.extract %slice3A_789[0] : i32 from vector<1xi32>
        %multiple_of3A_791 = tpu.assume_multiple %squeeze3A_790, 16 : i32
        %get3A_792 = arith.index_cast %multiple_of3A_791 : i32 to index
        %get3A_793 = tpu.vector_load %arg10[%get3A_792] {strides = array<i32>} : memref<768xf32, #tpu.memory_space<vmem>>, vector<16xf32>,
        %get3A_794 = vector.shape_cast %get3A_793 : vector<16xf32> to vector<16xf32>
        %add3A_795 = arith.constant 16 : i32
        %add3A_796 = arith.addi %multiple_of3A_791, %add3A_795 : i32
        %get3A_797 = arith.index_cast %add3A_796 : i32 to index
        %get3A_798 = tpu.vector_load %arg10[%get3A_797] {strides = array<i32>} : memref<768xf32, #tpu.memory_space<vmem>>, vector<16xf32>,
        %get3A_799 = vector.shape_cast %get3A_798 : vector<16xf32> to vector<16xf32>
        %add3A_800 = arith.constant 32 : i32
        %add3A_801 = arith.addi %multiple_of3A_791, %add3A_800 : i32
        %get3A_802 = arith.index_cast %add3A_801 : i32 to index
        %get3A_803 = tpu.vector_load %arg10[%get3A_802] {strides = array<i32>} : memref<768xf32, #tpu.memory_space<vmem>>, vector<16xf32>,
        %get3A_804 = vector.shape_cast %get3A_803 : vector<16xf32> to vector<16xf32>
        %slice3A_805 = vector.extract_strided_slice %get3A_269 {offsets = [7], sizes = [1], strides = [1]} : vector<16xf32> to vector<1xf32>
        %squeeze3A_806 = vector.extract %slice3A_805[0] : f32 from vector<1xf32>
        %mul3A_807 = vector.broadcast %squeeze3A_806 : f32 to vector<16xf32>
        %mul3A_808 = arith.mulf %mul3A_807, %get3A_794 : vector<16xf32>
        %slice3A_809 = vector.extract_strided_slice %get3A_272 {offsets = [7], sizes = [1], strides = [1]} : vector<16xf32> to vector<1xf32>
        %squeeze3A_810 = vector.extract %slice3A_809[0] : f32 from vector<1xf32>
        %mul3A_811 = vector.broadcast %squeeze3A_810 : f32 to vector<16xf32>
        %mul3A_812 = arith.mulf %mul3A_811, %get3A_799 : vector<16xf32>
        %add3A_813 = arith.addf %mul3A_808, %mul3A_812 : vector<16xf32>
        %slice3A_814 = vector.extract_strided_slice %get3A_275 {offsets = [7], sizes = [1], strides = [1]} : vector<16xf32> to vector<1xf32>
        %squeeze3A_815 = vector.extract %slice3A_814[0] : f32 from vector<1xf32>
        %mul3A_816 = vector.broadcast %squeeze3A_815 : f32 to vector<16xf32>
        %mul3A_817 = arith.mulf %mul3A_816, %get3A_804 : vector<16xf32>
        %add3A_818 = arith.addf %add3A_813, %mul3A_817 : vector<16xf32>
        %add3A_819 = arith.constant 7 : i32
        %add3A_820 = arith.addi %multiple_of3A_266, %add3A_819 : i32
        %mul3A_821 = arith.constant 16 : i32
        %mul3A_822 = arith.muli %add3A_820, %mul3A_821 : i32
        %multiple_of3A_823 = tpu.assume_multiple %mul3A_822, 16 : i32
        %swap3A_824 = arith.index_cast %multiple_of3A_823 : i32 to index
        %swap3A_825 = tpu.vector_load %arg20[%swap3A_824] {strides = array<i32>} : memref<41728xf32, #tpu.memory_space<vmem>>, vector<16xf32>,
        %swap3A_826 = vector.shape_cast %swap3A_825 : vector<16xf32> to vector<16xf32>
        %swap3A_827 = vector.shape_cast %add3A_818 : vector<16xf32> to vector<16xf32>
        tpu.vector_store %arg20[%swap3A_824], %swap3A_827 {strides = array<i32>} : memref<41728xf32, #tpu.memory_space<vmem>>, vector<16xf32>,
        %slice3A_828 = vector.extract_strided_slice %mul3A_515 {offsets = [8], sizes = [1], strides = [1]} : vector<16xi32> to vector<1xi32>
        %squeeze3A_829 = vector.extract %slice3A_828[0] : i32 from vector<1xi32>
        %multiple_of3A_830 = tpu.assume_multiple %squeeze3A_829, 16 : i32
        %get3A_831 = arith.index_cast %multiple_of3A_830 : i32 to index
        %get3A_832 = tpu.vector_load %arg10[%get3A_831] {strides = array<i32>} : memref<768xf32, #tpu.memory_space<vmem>>, vector<16xf32>,
        %get3A_833 = vector.shape_cast %get3A_832 : vector<16xf32> to vector<16xf32>
        %add3A_834 = arith.constant 16 : i32
        %add3A_835 = arith.addi %multiple_of3A_830, %add3A_834 : i32
        %get3A_836 = arith.index_cast %add3A_835 : i32 to index
        %get3A_837 = tpu.vector_load %arg10[%get3A_836] {strides = array<i32>} : memref<768xf32, #tpu.memory_space<vmem>>, vector<16xf32>,
        %get3A_838 = vector.shape_cast %get3A_837 : vector<16xf32> to vector<16xf32>
        %add3A_839 = arith.constant 32 : i32
        %add3A_840 = arith.addi %multiple_of3A_830, %add3A_839 : i32
        %get3A_841 = arith.index_cast %add3A_840 : i32 to index
        %get3A_842 = tpu.vector_load %arg10[%get3A_841] {strides = array<i32>} : memref<768xf32, #tpu.memory_space<vmem>>, vector<16xf32>,
        %get3A_843 = vector.shape_cast %get3A_842 : vector<16xf32> to vector<16xf32>
        %slice3A_844 = vector.extract_strided_slice %get3A_269 {offsets = [8], sizes = [1], strides = [1]} : vector<16xf32> to vector<1xf32>
        %squeeze3A_845 = vector.extract %slice3A_844[0] : f32 from vector<1xf32>
        %mul3A_846 = vector.broadcast %squeeze3A_845 : f32 to vector<16xf32>
        %mul3A_847 = arith.mulf %mul3A_846, %get3A_833 : vector<16xf32>
        %slice3A_848 = vector.extract_strided_slice %get3A_272 {offsets = [8], sizes = [1], strides = [1]} : vector<16xf32> to vector<1xf32>
        %squeeze3A_849 = vector.extract %slice3A_848[0] : f32 from vector<1xf32>
        %mul3A_850 = vector.broadcast %squeeze3A_849 : f32 to vector<16xf32>
        %mul3A_851 = arith.mulf %mul3A_850, %get3A_838 : vector<16xf32>
        %add3A_852 = arith.addf %mul3A_847, %mul3A_851 : vector<16xf32>
        %slice3A_853 = vector.extract_strided_slice %get3A_275 {offsets = [8], sizes = [1], strides = [1]} : vector<16xf32> to vector<1xf32>
        %squeeze3A_854 = vector.extract %slice3A_853[0] : f32 from vector<1xf32>
        %mul3A_855 = vector.broadcast %squeeze3A_854 : f32 to vector<16xf32>
        %mul3A_856 = arith.mulf %mul3A_855, %get3A_843 : vector<16xf32>
        %add3A_857 = arith.addf %add3A_852, %mul3A_856 : vector<16xf32>
        %add3A_858 = arith.constant 8 : i32
        %add3A_859 = arith.addi %multiple_of3A_266, %add3A_858 : i32
        %mul3A_860 = arith.constant 16 : i32
        %mul3A_861 = arith.muli %add3A_859, %mul3A_860 : i32
        %multiple_of3A_862 = tpu.assume_multiple %mul3A_861, 16 : i32
        %swap3A_863 = arith.index_cast %multiple_of3A_862 : i32 to index
        %swap3A_864 = tpu.vector_load %arg20[%swap3A_863] {strides = array<i32>} : memref<41728xf32, #tpu.memory_space<vmem>>, vector<16xf32>,
        %swap3A_865 = vector.shape_cast %swap3A_864 : vector<16xf32> to vector<16xf32>
        %swap3A_866 = vector.shape_cast %add3A_857 : vector<16xf32> to vector<16xf32>
        tpu.vector_store %arg20[%swap3A_863], %swap3A_866 {strides = array<i32>} : memref<41728xf32, #tpu.memory_space<vmem>>, vector<16xf32>,
        %slice3A_867 = vector.extract_strided_slice %mul3A_515 {offsets = [9], sizes = [1], strides = [1]} : vector<16xi32> to vector<1xi32>
        %squeeze3A_868 = vector.extract %slice3A_867[0] : i32 from vector<1xi32>
        %multiple_of3A_869 = tpu.assume_multiple %squeeze3A_868, 16 : i32
        %get3A_870 = arith.index_cast %multiple_of3A_869 : i32 to index
        %get3A_871 = tpu.vector_load %arg10[%get3A_870] {strides = array<i32>} : memref<768xf32, #tpu.memory_space<vmem>>, vector<16xf32>,
        %get3A_872 = vector.shape_cast %get3A_871 : vector<16xf32> to vector<16xf32>
        %add3A_873 = arith.constant 16 : i32
        %add3A_874 = arith.addi %multiple_of3A_869, %add3A_873 : i32
        %get3A_875 = arith.index_cast %add3A_874 : i32 to index
        %get3A_876 = tpu.vector_load %arg10[%get3A_875] {strides = array<i32>} : memref<768xf32, #tpu.memory_space<vmem>>, vector<16xf32>,
        %get3A_877 = vector.shape_cast %get3A_876 : vector<16xf32> to vector<16xf32>
        %add3A_878 = arith.constant 32 : i32
        %add3A_879 = arith.addi %multiple_of3A_869, %add3A_878 : i32
        %get3A_880 = arith.index_cast %add3A_879 : i32 to index
        %get3A_881 = tpu.vector_load %arg10[%get3A_880] {strides = array<i32>} : memref<768xf32, #tpu.memory_space<vmem>>, vector<16xf32>,
        %get3A_882 = vector.shape_cast %get3A_881 : vector<16xf32> to vector<16xf32>
        %slice3A_883 = vector.extract_strided_slice %get3A_269 {offsets = [9], sizes = [1], strides = [1]} : vector<16xf32> to vector<1xf32>
        %squeeze3A_884 = vector.extract %slice3A_883[0] : f32 from vector<1xf32>
        %mul3A_885 = vector.broadcast %squeeze3A_884 : f32 to vector<16xf32>
        %mul3A_886 = arith.mulf %mul3A_885, %get3A_872 : vector<16xf32>
        %slice3A_887 = vector.extract_strided_slice %get3A_272 {offsets = [9], sizes = [1], strides = [1]} : vector<16xf32> to vector<1xf32>
        %squeeze3A_888 = vector.extract %slice3A_887[0] : f32 from vector<1xf32>
        %mul3A_889 = vector.broadcast %squeeze3A_888 : f32 to vector<16xf32>
        %mul3A_890 = arith.mulf %mul3A_889, %get3A_877 : vector<16xf32>
        %add3A_891 = arith.addf %mul3A_886, %mul3A_890 : vector<16xf32>
        %slice3A_892 = vector.extract_strided_slice %get3A_275 {offsets = [9], sizes = [1], strides = [1]} : vector<16xf32> to vector<1xf32>
        %squeeze3A_893 = vector.extract %slice3A_892[0] : f32 from vector<1xf32>
        %mul3A_894 = vector.broadcast %squeeze3A_893 : f32 to vector<16xf32>
        %mul3A_895 = arith.mulf %mul3A_894, %get3A_882 : vector<16xf32>
        %add3A_896 = arith.addf %add3A_891, %mul3A_895 : vector<16xf32>
        %add3A_897 = arith.constant 9 : i32
        %add3A_898 = arith.addi %multiple_of3A_266, %add3A_897 : i32
        %mul3A_899 = arith.constant 16 : i32
        %mul3A_900 = arith.muli %add3A_898, %mul3A_899 : i32
        %multiple_of3A_901 = tpu.assume_multiple %mul3A_900, 16 : i32
        %swap3A_902 = arith.index_cast %multiple_of3A_901 : i32 to index
        %swap3A_903 = tpu.vector_load %arg20[%swap3A_902] {strides = array<i32>} : memref<41728xf32, #tpu.memory_space<vmem>>, vector<16xf32>,
        %swap3A_904 = vector.shape_cast %swap3A_903 : vector<16xf32> to vector<16xf32>
        %swap3A_905 = vector.shape_cast %add3A_896 : vector<16xf32> to vector<16xf32>
        tpu.vector_store %arg20[%swap3A_902], %swap3A_905 {strides = array<i32>} : memref<41728xf32, #tpu.memory_space<vmem>>, vector<16xf32>,
        %slice3A_906 = vector.extract_strided_slice %mul3A_515 {offsets = [10], sizes = [1], strides = [1]} : vector<16xi32> to vector<1xi32>
        %squeeze3A_907 = vector.extract %slice3A_906[0] : i32 from vector<1xi32>
        %multiple_of3A_908 = tpu.assume_multiple %squeeze3A_907, 16 : i32
        %get3A_909 = arith.index_cast %multiple_of3A_908 : i32 to index
        %get3A_910 = tpu.vector_load %arg10[%get3A_909] {strides = array<i32>} : memref<768xf32, #tpu.memory_space<vmem>>, vector<16xf32>,
        %get3A_911 = vector.shape_cast %get3A_910 : vector<16xf32> to vector<16xf32>
        %add3A_912 = arith.constant 16 : i32
        %add3A_913 = arith.addi %multiple_of3A_908, %add3A_912 : i32
        %get3A_914 = arith.index_cast %add3A_913 : i32 to index
        %get3A_915 = tpu.vector_load %arg10[%get3A_914] {strides = array<i32>} : memref<768xf32, #tpu.memory_space<vmem>>, vector<16xf32>,
        %get3A_916 = vector.shape_cast %get3A_915 : vector<16xf32> to vector<16xf32>
        %add3A_917 = arith.constant 32 : i32
        %add3A_918 = arith.addi %multiple_of3A_908, %add3A_917 : i32
        %get3A_919 = arith.index_cast %add3A_918 : i32 to index
        %get3A_920 = tpu.vector_load %arg10[%get3A_919] {strides = array<i32>} : memref<768xf32, #tpu.memory_space<vmem>>, vector<16xf32>,
        %get3A_921 = vector.shape_cast %get3A_920 : vector<16xf32> to vector<16xf32>
        %slice3A_922 = vector.extract_strided_slice %get3A_269 {offsets = [10], sizes = [1], strides = [1]} : vector<16xf32> to vector<1xf32>
        %squeeze3A_923 = vector.extract %slice3A_922[0] : f32 from vector<1xf32>
        %mul3A_924 = vector.broadcast %squeeze3A_923 : f32 to vector<16xf32>
        %mul3A_925 = arith.mulf %mul3A_924, %get3A_911 : vector<16xf32>
        %slice3A_926 = vector.extract_strided_slice %get3A_272 {offsets = [10], sizes = [1], strides = [1]} : vector<16xf32> to vector<1xf32>
        %squeeze3A_927 = vector.extract %slice3A_926[0] : f32 from vector<1xf32>
        %mul3A_928 = vector.broadcast %squeeze3A_927 : f32 to vector<16xf32>
        %mul3A_929 = arith.mulf %mul3A_928, %get3A_916 : vector<16xf32>
        %add3A_930 = arith.addf %mul3A_925, %mul3A_929 : vector<16xf32>
        %slice3A_931 = vector.extract_strided_slice %get3A_275 {offsets = [10], sizes = [1], strides = [1]} : vector<16xf32> to vector<1xf32>
        %squeeze3A_932 = vector.extract %slice3A_931[0] : f32 from vector<1xf32>
        %mul3A_933 = vector.broadcast %squeeze3A_932 : f32 to vector<16xf32>
        %mul3A_934 = arith.mulf %mul3A_933, %get3A_921 : vector<16xf32>
        %add3A_935 = arith.addf %add3A_930, %mul3A_934 : vector<16xf32>
        %add3A_936 = arith.constant 10 : i32
        %add3A_937 = arith.addi %multiple_of3A_266, %add3A_936 : i32
        %mul3A_938 = arith.constant 16 : i32
        %mul3A_939 = arith.muli %add3A_937, %mul3A_938 : i32
        %multiple_of3A_940 = tpu.assume_multiple %mul3A_939, 16 : i32
        %swap3A_941 = arith.index_cast %multiple_of3A_940 : i32 to index
        %swap3A_942 = tpu.vector_load %arg20[%swap3A_941] {strides = array<i32>} : memref<41728xf32, #tpu.memory_space<vmem>>, vector<16xf32>,
        %swap3A_943 = vector.shape_cast %swap3A_942 : vector<16xf32> to vector<16xf32>
        %swap3A_944 = vector.shape_cast %add3A_935 : vector<16xf32> to vector<16xf32>
        tpu.vector_store %arg20[%swap3A_941], %swap3A_944 {strides = array<i32>} : memref<41728xf32, #tpu.memory_space<vmem>>, vector<16xf32>,
        %slice3A_945 = vector.extract_strided_slice %mul3A_515 {offsets = [11], sizes = [1], strides = [1]} : vector<16xi32> to vector<1xi32>
        %squeeze3A_946 = vector.extract %slice3A_945[0] : i32 from vector<1xi32>
        %multiple_of3A_947 = tpu.assume_multiple %squeeze3A_946, 16 : i32
        %get3A_948 = arith.index_cast %multiple_of3A_947 : i32 to index
        %get3A_949 = tpu.vector_load %arg10[%get3A_948] {strides = array<i32>} : memref<768xf32, #tpu.memory_space<vmem>>, vector<16xf32>,
        %get3A_950 = vector.shape_cast %get3A_949 : vector<16xf32> to vector<16xf32>
        %add3A_951 = arith.constant 16 : i32
        %add3A_952 = arith.addi %multiple_of3A_947, %add3A_951 : i32
        %get3A_953 = arith.index_cast %add3A_952 : i32 to index
        %get3A_954 = tpu.vector_load %arg10[%get3A_953] {strides = array<i32>} : memref<768xf32, #tpu.memory_space<vmem>>, vector<16xf32>,
        %get3A_955 = vector.shape_cast %get3A_954 : vector<16xf32> to vector<16xf32>
        %add3A_956 = arith.constant 32 : i32
        %add3A_957 = arith.addi %multiple_of3A_947, %add3A_956 : i32
        %get3A_958 = arith.index_cast %add3A_957 : i32 to index
        %get3A_959 = tpu.vector_load %arg10[%get3A_958] {strides = array<i32>} : memref<768xf32, #tpu.memory_space<vmem>>, vector<16xf32>,
        %get3A_960 = vector.shape_cast %get3A_959 : vector<16xf32> to vector<16xf32>
        %slice3A_961 = vector.extract_strided_slice %get3A_269 {offsets = [11], sizes = [1], strides = [1]} : vector<16xf32> to vector<1xf32>
        %squeeze3A_962 = vector.extract %slice3A_961[0] : f32 from vector<1xf32>
        %mul3A_963 = vector.broadcast %squeeze3A_962 : f32 to vector<16xf32>
        %mul3A_964 = arith.mulf %mul3A_963, %get3A_950 : vector<16xf32>
        %slice3A_965 = vector.extract_strided_slice %get3A_272 {offsets = [11], sizes = [1], strides = [1]} : vector<16xf32> to vector<1xf32>
        %squeeze3A_966 = vector.extract %slice3A_965[0] : f32 from vector<1xf32>
        %mul3A_967 = vector.broadcast %squeeze3A_966 : f32 to vector<16xf32>
        %mul3A_968 = arith.mulf %mul3A_967, %get3A_955 : vector<16xf32>
        %add3A_969 = arith.addf %mul3A_964, %mul3A_968 : vector<16xf32>
        %slice3A_970 = vector.extract_strided_slice %get3A_275 {offsets = [11], sizes = [1], strides = [1]} : vector<16xf32> to vector<1xf32>
        %squeeze3A_971 = vector.extract %slice3A_970[0] : f32 from vector<1xf32>
        %mul3A_972 = vector.broadcast %squeeze3A_971 : f32 to vector<16xf32>
        %mul3A_973 = arith.mulf %mul3A_972, %get3A_960 : vector<16xf32>
        %add3A_974 = arith.addf %add3A_969, %mul3A_973 : vector<16xf32>
        %add3A_975 = arith.constant 11 : i32
        %add3A_976 = arith.addi %multiple_of3A_266, %add3A_975 : i32
        %mul3A_977 = arith.constant 16 : i32
        %mul3A_978 = arith.muli %add3A_976, %mul3A_977 : i32
        %multiple_of3A_979 = tpu.assume_multiple %mul3A_978, 16 : i32
        %swap3A_980 = arith.index_cast %multiple_of3A_979 : i32 to index
        %swap3A_981 = tpu.vector_load %arg20[%swap3A_980] {strides = array<i32>} : memref<41728xf32, #tpu.memory_space<vmem>>, vector<16xf32>,
        %swap3A_982 = vector.shape_cast %swap3A_981 : vector<16xf32> to vector<16xf32>
        %swap3A_983 = vector.shape_cast %add3A_974 : vector<16xf32> to vector<16xf32>
        tpu.vector_store %arg20[%swap3A_980], %swap3A_983 {strides = array<i32>} : memref<41728xf32, #tpu.memory_space<vmem>>, vector<16xf32>,
        %slice3A_984 = vector.extract_strided_slice %mul3A_515 {offsets = [12], sizes = [1], strides = [1]} : vector<16xi32> to vector<1xi32>
        %squeeze3A_985 = vector.extract %slice3A_984[0] : i32 from vector<1xi32>
        %multiple_of3A_986 = tpu.assume_multiple %squeeze3A_985, 16 : i32
        %get3A_987 = arith.index_cast %multiple_of3A_986 : i32 to index
        %get3A_988 = tpu.vector_load %arg10[%get3A_987] {strides = array<i32>} : memref<768xf32, #tpu.memory_space<vmem>>, vector<16xf32>,
        %get3A_989 = vector.shape_cast %get3A_988 : vector<16xf32> to vector<16xf32>
        %add3A_990 = arith.constant 16 : i32
        %add3A_991 = arith.addi %multiple_of3A_986, %add3A_990 : i32
        %get3A_992 = arith.index_cast %add3A_991 : i32 to index
        %get3A_993 = tpu.vector_load %arg10[%get3A_992] {strides = array<i32>} : memref<768xf32, #tpu.memory_space<vmem>>, vector<16xf32>,
        %get3A_994 = vector.shape_cast %get3A_993 : vector<16xf32> to vector<16xf32>
        %add3A_995 = arith.constant 32 : i32
        %add3A_996 = arith.addi %multiple_of3A_986, %add3A_995 : i32
        %get3A_997 = arith.index_cast %add3A_996 : i32 to index
        %get3A_998 = tpu.vector_load %arg10[%get3A_997] {strides = array<i32>} : memref<768xf32, #tpu.memory_space<vmem>>, vector<16xf32>,
        %get3A_999 = vector.shape_cast %get3A_998 : vector<16xf32> to vector<16xf32>
        %slice3A_1000 = vector.extract_strided_slice %get3A_269 {offsets = [12], sizes = [1], strides = [1]} : vector<16xf32> to vector<1xf32>
        %squeeze3A_1001 = vector.extract %slice3A_1000[0] : f32 from vector<1xf32>
        %mul3A_1002 = vector.broadcast %squeeze3A_1001 : f32 to vector<16xf32>
        %mul3A_1003 = arith.mulf %mul3A_1002, %get3A_989 : vector<16xf32>
        %slice3A_1004 = vector.extract_strided_slice %get3A_272 {offsets = [12], sizes = [1], strides = [1]} : vector<16xf32> to vector<1xf32>
        %squeeze3A_1005 = vector.extract %slice3A_1004[0] : f32 from vector<1xf32>
        %mul3A_1006 = vector.broadcast %squeeze3A_1005 : f32 to vector<16xf32>
        %mul3A_1007 = arith.mulf %mul3A_1006, %get3A_994 : vector<16xf32>
        %add3A_1008 = arith.addf %mul3A_1003, %mul3A_1007 : vector<16xf32>
        %slice3A_1009 = vector.extract_strided_slice %get3A_275 {offsets = [12], sizes = [1], strides = [1]} : vector<16xf32> to vector<1xf32>
        %squeeze3A_1010 = vector.extract %slice3A_1009[0] : f32 from vector<1xf32>
        %mul3A_1011 = vector.broadcast %squeeze3A_1010 : f32 to vector<16xf32>
        %mul3A_1012 = arith.mulf %mul3A_1011, %get3A_999 : vector<16xf32>
        %add3A_1013 = arith.addf %add3A_1008, %mul3A_1012 : vector<16xf32>
        %add3A_1014 = arith.constant 12 : i32
        %add3A_1015 = arith.addi %multiple_of3A_266, %add3A_1014 : i32
        %mul3A_1016 = arith.constant 16 : i32
        %mul3A_1017 = arith.muli %add3A_1015, %mul3A_1016 : i32
        %multiple_of3A_1018 = tpu.assume_multiple %mul3A_1017, 16 : i32
        %swap3A_1019 = arith.index_cast %multiple_of3A_1018 : i32 to index
        %swap3A_1020 = tpu.vector_load %arg20[%swap3A_1019] {strides = array<i32>} : memref<41728xf32, #tpu.memory_space<vmem>>, vector<16xf32>,
        %swap3A_1021 = vector.shape_cast %swap3A_1020 : vector<16xf32> to vector<16xf32>
        %swap3A_1022 = vector.shape_cast %add3A_1013 : vector<16xf32> to vector<16xf32>
        tpu.vector_store %arg20[%swap3A_1019], %swap3A_1022 {strides = array<i32>} : memref<41728xf32, #tpu.memory_space<vmem>>, vector<16xf32>,
        %slice3A_1023 = vector.extract_strided_slice %mul3A_515 {offsets = [13], sizes = [1], strides = [1]} : vector<16xi32> to vector<1xi32>
        %squeeze3A_1024 = vector.extract %slice3A_1023[0] : i32 from vector<1xi32>
        %multiple_of3A_1025 = tpu.assume_multiple %squeeze3A_1024, 16 : i32
        %get3A_1026 = arith.index_cast %multiple_of3A_1025 : i32 to index
        %get3A_1027 = tpu.vector_load %arg10[%get3A_1026] {strides = array<i32>} : memref<768xf32, #tpu.memory_space<vmem>>, vector<16xf32>,
        %get3A_1028 = vector.shape_cast %get3A_1027 : vector<16xf32> to vector<16xf32>
        %add3A_1029 = arith.constant 16 : i32
        %add3A_1030 = arith.addi %multiple_of3A_1025, %add3A_1029 : i32
        %get3A_1031 = arith.index_cast %add3A_1030 : i32 to index
        %get3A_1032 = tpu.vector_load %arg10[%get3A_1031] {strides = array<i32>} : memref<768xf32, #tpu.memory_space<vmem>>, vector<16xf32>,
        %get3A_1033 = vector.shape_cast %get3A_1032 : vector<16xf32> to vector<16xf32>
        %add3A_1034 = arith.constant 32 : i32
        %add3A_1035 = arith.addi %multiple_of3A_1025, %add3A_1034 : i32
        %get3A_1036 = arith.index_cast %add3A_1035 : i32 to index
        %get3A_1037 = tpu.vector_load %arg10[%get3A_1036] {strides = array<i32>} : memref<768xf32, #tpu.memory_space<vmem>>, vector<16xf32>,
        %get3A_1038 = vector.shape_cast %get3A_1037 : vector<16xf32> to vector<16xf32>
        %slice3A_1039 = vector.extract_strided_slice %get3A_269 {offsets = [13], sizes = [1], strides = [1]} : vector<16xf32> to vector<1xf32>
        %squeeze3A_1040 = vector.extract %slice3A_1039[0] : f32 from vector<1xf32>
        %mul3A_1041 = vector.broadcast %squeeze3A_1040 : f32 to vector<16xf32>
        %mul3A_1042 = arith.mulf %mul3A_1041, %get3A_1028 : vector<16xf32>
        %slice3A_1043 = vector.extract_strided_slice %get3A_272 {offsets = [13], sizes = [1], strides = [1]} : vector<16xf32> to vector<1xf32>
        %squeeze3A_1044 = vector.extract %slice3A_1043[0] : f32 from vector<1xf32>
        %mul3A_1045 = vector.broadcast %squeeze3A_1044 : f32 to vector<16xf32>
        %mul3A_1046 = arith.mulf %mul3A_1045, %get3A_1033 : vector<16xf32>
        %add3A_1047 = arith.addf %mul3A_1042, %mul3A_1046 : vector<16xf32>
        %slice3A_1048 = vector.extract_strided_slice %get3A_275 {offsets = [13], sizes = [1], strides = [1]} : vector<16xf32> to vector<1xf32>
        %squeeze3A_1049 = vector.extract %slice3A_1048[0] : f32 from vector<1xf32>
        %mul3A_1050 = vector.broadcast %squeeze3A_1049 : f32 to vector<16xf32>
        %mul3A_1051 = arith.mulf %mul3A_1050, %get3A_1038 : vector<16xf32>
        %add3A_1052 = arith.addf %add3A_1047, %mul3A_1051 : vector<16xf32>
        %add3A_1053 = arith.constant 13 : i32
        %add3A_1054 = arith.addi %multiple_of3A_266, %add3A_1053 : i32
        %mul3A_1055 = arith.constant 16 : i32
        %mul3A_1056 = arith.muli %add3A_1054, %mul3A_1055 : i32
        %multiple_of3A_1057 = tpu.assume_multiple %mul3A_1056, 16 : i32
        %swap3A_1058 = arith.index_cast %multiple_of3A_1057 : i32 to index
        %swap3A_1059 = tpu.vector_load %arg20[%swap3A_1058] {strides = array<i32>} : memref<41728xf32, #tpu.memory_space<vmem>>, vector<16xf32>,
        %swap3A_1060 = vector.shape_cast %swap3A_1059 : vector<16xf32> to vector<16xf32>
        %swap3A_1061 = vector.shape_cast %add3A_1052 : vector<16xf32> to vector<16xf32>
        tpu.vector_store %arg20[%swap3A_1058], %swap3A_1061 {strides = array<i32>} : memref<41728xf32, #tpu.memory_space<vmem>>, vector<16xf32>,
        %slice3A_1062 = vector.extract_strided_slice %mul3A_515 {offsets = [14], sizes = [1], strides = [1]} : vector<16xi32> to vector<1xi32>
        %squeeze3A_1063 = vector.extract %slice3A_1062[0] : i32 from vector<1xi32>
        %multiple_of3A_1064 = tpu.assume_multiple %squeeze3A_1063, 16 : i32
        %get3A_1065 = arith.index_cast %multiple_of3A_1064 : i32 to index
        %get3A_1066 = tpu.vector_load %arg10[%get3A_1065] {strides = array<i32>} : memref<768xf32, #tpu.memory_space<vmem>>, vector<16xf32>,
        %get3A_1067 = vector.shape_cast %get3A_1066 : vector<16xf32> to vector<16xf32>
        %add3A_1068 = arith.constant 16 : i32
        %add3A_1069 = arith.addi %multiple_of3A_1064, %add3A_1068 : i32
        %get3A_1070 = arith.index_cast %add3A_1069 : i32 to index
        %get3A_1071 = tpu.vector_load %arg10[%get3A_1070] {strides = array<i32>} : memref<768xf32, #tpu.memory_space<vmem>>, vector<16xf32>,
        %get3A_1072 = vector.shape_cast %get3A_1071 : vector<16xf32> to vector<16xf32>
        %add3A_1073 = arith.constant 32 : i32
        %add3A_1074 = arith.addi %multiple_of3A_1064, %add3A_1073 : i32
        %get3A_1075 = arith.index_cast %add3A_1074 : i32 to index
        %get3A_1076 = tpu.vector_load %arg10[%get3A_1075] {strides = array<i32>} : memref<768xf32, #tpu.memory_space<vmem>>, vector<16xf32>,
        %get3A_1077 = vector.shape_cast %get3A_1076 : vector<16xf32> to vector<16xf32>
        %slice3A_1078 = vector.extract_strided_slice %get3A_269 {offsets = [14], sizes = [1], strides = [1]} : vector<16xf32> to vector<1xf32>
        %squeeze3A_1079 = vector.extract %slice3A_1078[0] : f32 from vector<1xf32>
        %mul3A_1080 = vector.broadcast %squeeze3A_1079 : f32 to vector<16xf32>
        %mul3A_1081 = arith.mulf %mul3A_1080, %get3A_1067 : vector<16xf32>
        %slice3A_1082 = vector.extract_strided_slice %get3A_272 {offsets = [14], sizes = [1], strides = [1]} : vector<16xf32> to vector<1xf32>
        %squeeze3A_1083 = vector.extract %slice3A_1082[0] : f32 from vector<1xf32>
        %mul3A_1084 = vector.broadcast %squeeze3A_1083 : f32 to vector<16xf32>
        %mul3A_1085 = arith.mulf %mul3A_1084, %get3A_1072 : vector<16xf32>
        %add3A_1086 = arith.addf %mul3A_1081, %mul3A_1085 : vector<16xf32>
        %slice3A_1087 = vector.extract_strided_slice %get3A_275 {offsets = [14], sizes = [1], strides = [1]} : vector<16xf32> to vector<1xf32>
        %squeeze3A_1088 = vector.extract %slice3A_1087[0] : f32 from vector<1xf32>
        %mul3A_1089 = vector.broadcast %squeeze3A_1088 : f32 to vector<16xf32>
        %mul3A_1090 = arith.mulf %mul3A_1089, %get3A_1077 : vector<16xf32>
        %add3A_1091 = arith.addf %add3A_1086, %mul3A_1090 : vector<16xf32>
        %add3A_1092 = arith.constant 14 : i32
        %add3A_1093 = arith.addi %multiple_of3A_266, %add3A_1092 : i32
        %mul3A_1094 = arith.constant 16 : i32
        %mul3A_1095 = arith.muli %add3A_1093, %mul3A_1094 : i32
        %multiple_of3A_1096 = tpu.assume_multiple %mul3A_1095, 16 : i32
        %swap3A_1097 = arith.index_cast %multiple_of3A_1096 : i32 to index
        %swap3A_1098 = tpu.vector_load %arg20[%swap3A_1097] {strides = array<i32>} : memref<41728xf32, #tpu.memory_space<vmem>>, vector<16xf32>,
        %swap3A_1099 = vector.shape_cast %swap3A_1098 : vector<16xf32> to vector<16xf32>
        %swap3A_1100 = vector.shape_cast %add3A_1091 : vector<16xf32> to vector<16xf32>
        tpu.vector_store %arg20[%swap3A_1097], %swap3A_1100 {strides = array<i32>} : memref<41728xf32, #tpu.memory_space<vmem>>, vector<16xf32>,
        %slice3A_1101 = vector.extract_strided_slice %mul3A_515 {offsets = [15], sizes = [1], strides = [1]} : vector<16xi32> to vector<1xi32>
        %squeeze3A_1102 = vector.extract %slice3A_1101[0] : i32 from vector<1xi32>
        %multiple_of3A_1103 = tpu.assume_multiple %squeeze3A_1102, 16 : i32
        %get3A_1104 = arith.index_cast %multiple_of3A_1103 : i32 to index
        %get3A_1105 = tpu.vector_load %arg10[%get3A_1104] {strides = array<i32>} : memref<768xf32, #tpu.memory_space<vmem>>, vector<16xf32>,
        %get3A_1106 = vector.shape_cast %get3A_1105 : vector<16xf32> to vector<16xf32>
        %add3A_1107 = arith.constant 16 : i32
        %add3A_1108 = arith.addi %multiple_of3A_1103, %add3A_1107 : i32
        %get3A_1109 = arith.index_cast %add3A_1108 : i32 to index
        %get3A_1110 = tpu.vector_load %arg10[%get3A_1109] {strides = array<i32>} : memref<768xf32, #tpu.memory_space<vmem>>, vector<16xf32>,
        %get3A_1111 = vector.shape_cast %get3A_1110 : vector<16xf32> to vector<16xf32>
        %add3A_1112 = arith.constant 32 : i32
        %add3A_1113 = arith.addi %multiple_of3A_1103, %add3A_1112 : i32
        %get3A_1114 = arith.index_cast %add3A_1113 : i32 to index
        %get3A_1115 = tpu.vector_load %arg10[%get3A_1114] {strides = array<i32>} : memref<768xf32, #tpu.memory_space<vmem>>, vector<16xf32>,
        %get3A_1116 = vector.shape_cast %get3A_1115 : vector<16xf32> to vector<16xf32>
        %slice3A_1117 = vector.extract_strided_slice %get3A_269 {offsets = [15], sizes = [1], strides = [1]} : vector<16xf32> to vector<1xf32>
        %squeeze3A_1118 = vector.extract %slice3A_1117[0] : f32 from vector<1xf32>
        %mul3A_1119 = vector.broadcast %squeeze3A_1118 : f32 to vector<16xf32>
        %mul3A_1120 = arith.mulf %mul3A_1119, %get3A_1106 : vector<16xf32>
        %slice3A_1121 = vector.extract_strided_slice %get3A_272 {offsets = [15], sizes = [1], strides = [1]} : vector<16xf32> to vector<1xf32>
        %squeeze3A_1122 = vector.extract %slice3A_1121[0] : f32 from vector<1xf32>
        %mul3A_1123 = vector.broadcast %squeeze3A_1122 : f32 to vector<16xf32>
        %mul3A_1124 = arith.mulf %mul3A_1123, %get3A_1111 : vector<16xf32>
        %add3A_1125 = arith.addf %mul3A_1120, %mul3A_1124 : vector<16xf32>
        %slice3A_1126 = vector.extract_strided_slice %get3A_275 {offsets = [15], sizes = [1], strides = [1]} : vector<16xf32> to vector<1xf32>
        %squeeze3A_1127 = vector.extract %slice3A_1126[0] : f32 from vector<1xf32>
        %mul3A_1128 = vector.broadcast %squeeze3A_1127 : f32 to vector<16xf32>
        %mul3A_1129 = arith.mulf %mul3A_1128, %get3A_1116 : vector<16xf32>
        %add3A_1130 = arith.addf %add3A_1125, %mul3A_1129 : vector<16xf32>
        %add3A_1131 = arith.constant 15 : i32
        %add3A_1132 = arith.addi %multiple_of3A_266, %add3A_1131 : i32
        %mul3A_1133 = arith.constant 16 : i32
        %mul3A_1134 = arith.muli %add3A_1132, %mul3A_1133 : i32
        %multiple_of3A_1135 = tpu.assume_multiple %mul3A_1134, 16 : i32
        %swap3A_1136 = arith.index_cast %multiple_of3A_1135 : i32 to index
        %swap3A_1137 = tpu.vector_load %arg20[%swap3A_1136] {strides = array<i32>} : memref<41728xf32, #tpu.memory_space<vmem>>, vector<16xf32>,
        %swap3A_1138 = vector.shape_cast %swap3A_1137 : vector<16xf32> to vector<16xf32>
        %swap3A_1139 = vector.shape_cast %add3A_1130 : vector<16xf32> to vector<16xf32>
        tpu.vector_store %arg20[%swap3A_1136], %swap3A_1139 {strides = array<i32>} : memref<41728xf32, #tpu.memory_space<vmem>>, vector<16xf32>,
      }
      %scan3A_246 = arith.constant 163 : i32
      %add3A_247 = arith.constant 1 : i32
      %add3A_248 = arith.addi %mul3A_176, %add3A_247 : i32
      %mul3A_249 = arith.constant 15648 : i32
      %mul3A_250 = arith.muli %add3A, %mul3A_249 : i32
      %mul3A_251 = arith.constant 2608 : i32
      %mul3A_252 = arith.muli %add3A_248, %mul3A_251 : i32
      %add3A_253 = arith.addi %mul3A_250, %mul3A_252 : i32
      %min3A_254 = arith.constant 497392 : i32
      %min3A_255 = arith.minsi %add3A_253, %min3A_254 : i32
      %multiple_of3A_256 = tpu.assume_multiple %min3A_255, 8 : i32
      %dma_start3A_257 = tpu.memref_slice %arg6[%multiple_of3A_256] : memref<500000xf32, #tpu.memory_space<hbm>> -> memref<2608xf32, #tpu.memory_space<hbm>>
      %dma_start3A_258 = tpu.memref_slice %arg6[%multiple_of3A_256] : memref<500000xf32, #tpu.memory_space<hbm>> -> memref<2608xf32, #tpu.memory_space<hbm>>
      tpu.enqueue_dma source(%arg19 : memref<2608xf32, #tpu.memory_space<vmem>>) target(%dma_start3A_258 : memref<2608xf32, #tpu.memory_space<hbm>>) target_semaphore(%arg24 : memref<!tpu.dma_semaphore, #tpu.memory_space<semaphore_mem>>)
      %mul3A_259 = arith.constant 16 : i32
      %mul3A_260 = arith.muli %multiple_of3A_256, %mul3A_259 : i32
      %dma_start3A_261 = tpu.memref_slice %arg7[%mul3A_260] : memref<8000000xf32, #tpu.memory_space<hbm>> -> memref<41728xf32, #tpu.memory_space<hbm>>
      %dma_start3A_262 = tpu.memref_slice %arg7[%mul3A_260] : memref<8000000xf32, #tpu.memory_space<hbm>> -> memref<41728xf32, #tpu.memory_space<hbm>>
      tpu.enqueue_dma source(%arg20 : memref<41728xf32, #tpu.memory_space<vmem>>) target(%dma_start3A_262 : memref<41728xf32, #tpu.memory_space<hbm>>) target_semaphore(%arg24 : memref<!tpu.dma_semaphore, #tpu.memory_space<semaphore_mem>>)
    }
    %scan3A_158 = arith.constant 3 : i32
    %dma_wait3A = arith.constant 0 : i32
    %dma_wait3A_159 = tpu.memref_slice %arg6[%dma_wait3A] : memref<500000xf32, #tpu.memory_space<hbm>> -> memref<2608xf32, #tpu.memory_space<hbm>>
    %dma_wait3A_160 = arith.constant 0 : i32
    %dma_wait3A_161 = tpu.memref_slice %arg6[%dma_wait3A_160] : memref<500000xf32, #tpu.memory_space<hbm>> -> memref<2608xf32, #tpu.memory_space<hbm>>
    tpu.wait_dma2 semaphore(%arg23 : memref<!tpu.dma_semaphore, #tpu.memory_space<semaphore_mem>>) src(%arg14 : memref<2608xf32, #tpu.memory_space<vmem>>) dst(%dma_wait3A_161 : memref<2608xf32, #tpu.memory_space<hbm>>)
    %dma_wait3A_162 = arith.constant 0 : i32
    %dma_wait3A_163 = tpu.memref_slice %arg7[%dma_wait3A_162] : memref<8000000xf32, #tpu.memory_space<hbm>> -> memref<41728xf32, #tpu.memory_space<hbm>>
    %dma_wait3A_164 = arith.constant 0 : i32
    %dma_wait3A_165 = tpu.memref_slice %arg7[%dma_wait3A_164] : memref<8000000xf32, #tpu.memory_space<hbm>> -> memref<41728xf32, #tpu.memory_space<hbm>>
    tpu.wait_dma2 semaphore(%arg23 : memref<!tpu.dma_semaphore, #tpu.memory_space<semaphore_mem>>) src(%arg15 : memref<41728xf32, #tpu.memory_space<vmem>>) dst(%dma_wait3A_165 : memref<41728xf32, #tpu.memory_space<hbm>>)
    %dma_wait3A_166 = arith.constant 0 : i32
    %dma_wait3A_167 = tpu.memref_slice %arg6[%dma_wait3A_166] : memref<500000xf32, #tpu.memory_space<hbm>> -> memref<2608xf32, #tpu.memory_space<hbm>>
    %dma_wait3A_168 = arith.constant 0 : i32
    %dma_wait3A_169 = tpu.memref_slice %arg6[%dma_wait3A_168] : memref<500000xf32, #tpu.memory_space<hbm>> -> memref<2608xf32, #tpu.memory_space<hbm>>
    tpu.wait_dma2 semaphore(%arg24 : memref<!tpu.dma_semaphore, #tpu.memory_space<semaphore_mem>>) src(%arg19 : memref<2608xf32, #tpu.memory_space<vmem>>) dst(%dma_wait3A_169 : memref<2608xf32, #tpu.memory_space<hbm>>)
    %dma_wait3A_170 = arith.constant 0 : i32
    %dma_wait3A_171 = tpu.memref_slice %arg7[%dma_wait3A_170] : memref<8000000xf32, #tpu.memory_space<hbm>> -> memref<41728xf32, #tpu.memory_space<hbm>>
    %dma_wait3A_172 = arith.constant 0 : i32
    %dma_wait3A_173 = tpu.memref_slice %arg7[%dma_wait3A_172] : memref<8000000xf32, #tpu.memory_space<hbm>> -> memref<41728xf32, #tpu.memory_space<hbm>>
    tpu.wait_dma2 semaphore(%arg24 : memref<!tpu.dma_semaphore, #tpu.memory_space<semaphore_mem>>) src(%arg20 : memref<41728xf32, #tpu.memory_space<vmem>>) dst(%dma_wait3A_173 : memref<41728xf32, #tpu.memory_space<hbm>>)
    return
  }
}

</mosaic_0001>

<sc_bundles>
// kernel: kernel.3.cloned.1.call-start
scs
__scs_entry_jumppad:
0x0: {  	(pc) =	sbr.rel $0x88, $3  }
0x1: {  	(tag) =	ssettag $0x0;
	lr =	simm.s32 $0x1  }
0x2: {  	[smem:$0x3F9D] =	sst lr;
	_ =	strace $0xD0000000  }
0x3: {  	_ = 	snop  }
0x4: {  	_ = 	snop  }
0x5: {  	_ = 	snop  }
0x6: {  	_ = 	snop  }
0x7: {  	_ = 	snop  }
__scs_overlays_trampoline_lowered:
0x8: {  	[smem:$0x3FAC] =	sst s0  }
0x9: {  	[smem:$0x3FAD] =	sst s1  }
0xa: {  	[smem:$0x3FAE] =	sst s2  }
0xb: {  	[smem:$0x3FAF] =	sst s3  }
0xc: {  	[smem:$0x3FB0] =	sst s4  }
0xd: {  	[smem:$0x3FB1] =	sst s5  }
0xe: {  	[smem:$0x3FB2] =	sst s6  }
0xf: {  	[smem:$0x3FB3] =	sst s7  }
0x10: {  	[smem:$0x3FB4] =	sst s8  }
0x11: {  	[smem:$0x3FB5] =	sst s9;
	s0 =	simm.s32 @!p0 $0x0  }
0x12: {  	s1 =	sld [smem:$0x3F9B];
	s0 =	simm.s32 @p0 $0x1  }
0x13: {  	[smem:$0x3FB6] =	sst s0;
	s0 =	simm.s32 @!p1 $0x0  }
0x14: {  	s2 =	sld [smem:$0x3F9A];
	s0 =	simm.s32 @p1 $0x1  }
0x15: {  	[smem:$0x3FB7] =	sst s0;
	s0 =	simm.s32 @!p2 $0x0  }
0x16: {  	s3 =	sld [smem:$0x3FDB];
	s0 =	simm.s32 @p2 $0x1  }
0x17: {  	s4 =	simm.s32 $0x1BF5;
	[smem:$0x3FB9] =	sst s0  }
0x18: {  	s0 =	sld [smem:$0x3F9C];
	_ =	swait.ge [sflag:s4], $0x0  }
0x19: {  	s7 =	sld [smem:$0x3F9D]  }
0x1a: {  	s8 =	sadd.s32 $0xFFFFE003, lr  }
0x1b: {  	s9 =	sadd.s32 $0xFFFFFEF7, lr;
	s5 =	simm.s32 $0xFFFFFFFF;
	p2 =	slt.u32 s8, $0xFFFFF086  }
0x1c: {  	p1 =	slt.u32 s9, $0xF7A;
	s5 =	simm.s32 @!p2 $0x0  }
0x1d: {  	s5 =	simm.s32 @p1 $0x1;
	p0 =	seq.s32 s7, s2  }
0x1e: {  	s7 =	smul.u32 @!p0 $0xF7A, s2;
	p2 =	seq.s32 @!p0 s5, $0x0  }
0x1f: {  	s9 =	smul.u32 $0xF7A, s1;
	s8 =	simm.s32 @!p0 $0x1BF5;
	p2 =	por !p2, p0  }
0x20: {  	[sflag:s8] =	ssyncset.s32 @!p0 $0xFFFFF086;
	s6 =	sadd.s32 @!p0 s3, s7;
	s7 =	simm.s32 @!p0 $0x108  }
0x21: {  	s3 =	sadd.s32 s3, s9;
	s6 =	sadd.s32 @!p0 $0x88, s6;
	s7 =	simm.s32 @p2 $0x1082  }
0x22: {  	[simem:s7], [sflag:s8] =	dma.local @!p0 [hbm:s6], $0xF7A  }
0x23: {  	s9 =	sor.u32 $0xD0000000, s2;
	s6 =	simm.s32 $0x108;
	_ =	swait.ge @!p0 [sflag:s8], $0x0  }
0x24: {  	s3 =	sadd.s32 $0x88, s3;
	s6 =	simm.s32 @!p1 $0x1082;
	[sflag:s4] =	ssyncset.s32 $0xFFFFF086  }
0x25: {  	[simem:s6], [sflag:s4] =	dma.local [hbm:s3], $0xF7A  }
0x26: {  	[smem:$0x3F9D] =	sst s1;
	(tag) =	ssettag s2;
	_ =	strace s9  }
0x27: {  	s1 =	sld [smem:$0x3FAD]  }
0x28: {  	s2 =	sld [smem:$0x3FAE]  }
0x29: {  	s4 =	sld [smem:$0x3FB0]  }
0x2a: {  	p0 =	seq.s32 s5, $0x0;
	s5 =	sld [smem:$0x3FB1]  }
0x2b: {  	s6 =	sld [smem:$0x3FB2]  }
0x2c: {  	s7 =	sld [smem:$0x3FB3]  }
0x2d: {  	s3 =	simm.s32 $0x108;
	s8 =	sld [smem:$0x3FB4]  }
0x2e: {  	s3 =	simm.s32 @!p0 $0x1082;
	s9 =	sld [smem:$0x3FB5]  }
0x2f: {  	lr =	sadd.s32 s0, s3;
	s0 =	sld [smem:$0x3FAC]  }
0x30: {  	s3 =	sld [smem:$0x3FAF]  }
0x31: {  	[smem:$0x3FB8] =	sst s10  }
0x32: {  	s10 =	sld [smem:$0x3FB6];
	_ =	sdelay $0x3  }
0x33: {  	p0 =	seq.s32 s10, $0x1;
	s10 =	sld [smem:$0x3FB8];
	_ =	sdelay $0x3  }
0x34: {  	[smem:$0x3FB8] =	sst s10  }
0x35: {  	s10 =	sld [smem:$0x3FB7];
	_ =	sdelay $0x3  }
0x36: {  	p1 =	seq.s32 s10, $0x1;
	s10 =	sld [smem:$0x3FB8];
	_ =	sdelay $0x3  }
0x37: {  	[smem:$0x3FB8] =	sst s10  }
0x38: {  	s10 =	sld [smem:$0x3FB9]  }
0x39: {  	_ = 	snop;
	(pc) =	sbr.ind lr, $3  }
0x3a: {  	_ = 	snop  }
0x3b: {  	_ = 	snop  }
0x3c: {  	p2 =	seq.s32 s10, $0x1;
	s10 =	sld [smem:$0x3FB8]  }
0x3d: {  	_ =	shalt  }
0x3e: {  	_ =	shalt  }
0x3f: {  	_ =	shalt  }
0x40: {  	_ =	shalt  }
0x41: {  	_ =	shalt  }
0x42: {  	_ =	shalt  }
0x43: {  	_ =	shalt  }
0x44: {  	_ =	shalt  }
0x45: {  	_ =	shalt  }
0x46: {  	_ =	shalt  }
0x47: {  	_ =	shalt  }
0x48: {  	_ =	shalt  }
0x49: {  	_ =	shalt  }
0x4a: {  	_ =	shalt  }
0x4b: {  	_ =	shalt  }
0x4c: {  	_ =	shalt  }
0x4d: {  	_ =	shalt  }
0x4e: {  	_ =	shalt  }
0x4f: {  	_ =	shalt  }
0x50: {  	_ =	shalt  }
0x51: {  	_ =	shalt  }
0x52: {  	_ =	shalt  }
0x53: {  	_ =	shalt  }
0x54: {  	_ =	shalt  }
0x55: {  	_ =	shalt  }
0x56: {  	_ =	shalt  }
0x57: {  	_ =	shalt  }
0x58: {  	_ =	shalt  }
0x59: {  	_ =	shalt  }
0x5a: {  	_ =	shalt  }
0x5b: {  	_ =	shalt  }
0x5c: {  	_ =	shalt  }
0x5d: {  	_ =	shalt  }
0x5e: {  	_ =	shalt  }
0x5f: {  	_ =	shalt  }
0x60: {  	_ =	shalt  }
0x61: {  	_ =	shalt  }
0x62: {  	_ =	shalt  }
0x63: {  	_ =	shalt  }
0x64: {  	_ =	shalt  }
0x65: {  	_ =	shalt  }
0x66: {  	_ =	shalt  }
0x67: {  	_ =	shalt  }
0x68: {  	_ =	shalt  }
0x69: {  	_ =	shalt  }
0x6a: {  	_ =	shalt  }
0x6b: {  	_ =	shalt  }
0x6c: {  	_ =	shalt  }
0x6d: {  	_ =	shalt  }
0x6e: {  	_ =	shalt  }
0x6f: {  	_ =	shalt  }
0x70: {  	_ =	shalt  }
0x71: {  	_ =	shalt  }
0x72: {  	_ =	shalt  }
0x73: {  	_ =	shalt  }
0x74: {  	_ =	shalt  }
0x75: {  	_ =	shalt  }
0x76: {  	_ =	shalt  }
0x77: {  	_ =	shalt  }
0x78: {  	_ =	shalt  }
0x79: {  	_ =	shalt  }
0x7a: {  	_ =	shalt  }
0x7b: {  	_ =	shalt  }
0x7c: {  	_ =	shalt  }
0x7d: {  	_ =	shalt  }
0x7e: {  	_ =	shalt  }
0x7f: {  	_ =	shalt  }
0x80: {  	_ =	shalt  }
0x81: {  	_ =	shalt  }
0x82: {  	_ =	shalt  }
0x83: {  	_ =	shalt  }
0x84: {  	_ =	shalt  }
0x85: {  	_ =	shalt  }
0x86: {  	_ =	shalt  }
0x87: {  	_ =	shalt  }
.Lfunc_end0:
.L_simem_size_0:
called_computation_lowered:
.L_overlay_start_0:
0x88: {  	s2 =	sld [smem:$0x3FD9]  }
0x89: {  	s3 =	sld [smem:$0x3FFE];
	_ =	sdelay $0x1  }
0x8a: {  	s1 =	srdreg.scid  }
0x8b: {  	s0 =	sand.u32 $0x1, s1  }
0x8c: {  	s14 =	sshll.u32 s0, $0xA;
	s2 =	sadd.s32 s3, s2  }
0x8d: {  	s2 =	sadd.s32 s2, s14  }
0x8e: {  	[smem:$0x3FC4] =	sst s2  }
0x8f: {  	_ = 	snop  }
0x90: {  	s2 =	sld [smem:$0x3FD0];
	_ =	sdelay $0x2  }
0x91: {  	s4 =	simm.s32 $0xA;
	s5 =	simm.s32 $0x10;
	s15 =	sld [smem:$0x3FC7]  }
0x92: {  	[smem:s5], [sflag:s4] =	dma.local [hbm:s2], $0x1  }
0x93: {  	_ =	swait.eq [sflag:s4], $0x1  }
0x94: {  	[sflag:s4] =	ssyncset.done $0x0  }
0x95: {  	s16 =	sld [smem:$0x10];
	[sflag:s4] =	ssyncadd.s32 $0xFFFFFFFF  }
0x96: {  	s17 =	sld [smem:$0x11];
	(tm) =	ssettm $0x1  }
0x97: {  	s18 =	sld [smem:$0x3FFB];
	_ =	sdelay $0x3  }
0x98: {  	_ =	strace s18  }
0x99: {  	s5 =	sld [smem:$0x3FFC];
	_ =	sdelay $0x3  }
0x9a: {  	_ =	strace s5  }
0x9b: {  	s5 =	sld [smem:$0x3FFD];
	_ =	sdelay $0x3  }
0x9c: {  	_ =	strace s5  }
0x9d: {  	_ =	strace $0x8FFFFFFF  }
0x9e: {  	s19 =	sld [smem:$0x3FDB];
	_ =	sdelay $0x1  }
0x9f: {  	s6 =	simm.s32 $_scs_section_size  }
0xa0: {  	s7 =	simm.s32 $_size__tile_overlayer_lowered;
	s8 =	simm.s32 $_tile_overlayer_lowered  }
0xa1: {  	s22 =	simm.s32 $0x1BFF;
	s21 =	sshll.u32 s8, $0x1;
	s5 =	sadd.s32 s6, s19  }
0xa2: {  	s9 =	simm.s32 $0x0;
	s20 =	sshll.u32 s7, $0x1;
	s7 =	sadd.s32 s21, s5  }
0xa3: {  	[timem:s9], [sflag:s22] =	dma.local [hbm:s7], s20  }
0xa4: {  	_ =	swait.ge [sflag:s22], s20  }
0xa5: {  	s6 =	ssub.s32 $0x0, s20;
	[sflag:s22] =	ssyncset.done $0x0  }
0xa6: {  	[sflag:s22] =	ssyncadd.s32 s6;
	_ =	sdelay $0x1  }
0xa7: {  	s23 =	simm.s32 $0x1B8B  }
0xa8: {  	_ =	swait.ge [sflag:s23], $0x1  }
0xa9: {  	[sflag:s23] =	ssyncset.done $0x0  }
0xaa: {  	s25 =	simm.s32 $0x1B8E;
	s24 =	sld [smem:$0x3FFE];
	[sflag:s23] =	ssyncadd.s32 $0xFFFFFFFF  }
0xab: {  	s26 =	simm.s32 $execute0_lowered;
	[smem:$0x3FD2] =	sst s25  }
0xac: {  	s7 =	sshll.u32 s26, $0x1;
	_ =	strace $0x80000046;
	[dreg:$0x1] =	wrdreg $0xFFFFFFFF  }
0xad: {  	s28 =	simm.s32 $_size_execute0_lowered;
	s5 =	sadd.s32 s5, s7;
	[dreg:$0x0] =	wrdreg $0x0  }
0xae: {  	s7 =	sshll.u32 s28, $0x1;
	[dreg:$0x2] =	wrdreg s5  }
0xaf: {  	[dreg:$0x3] =	wrdreg s7  }
0xb0: {  	[dreg:$0x4] =	wrdreg $0xC0  }
0xb1: {  	_ =	task [dreg:s9], $0x5FFFF  }
0xb2: {  	[dreg:$0x1] =	wrdreg $0xFFFFFFFF  }
0xb3: {  	[dreg:$0x0] =	wrdreg $0x60  }
0xb4: {  	[dreg:$0x2] =	wrdreg s24  }
0xb5: {  	[dreg:$0x3] =	wrdreg s15  }
0xb6: {  	[dreg:$0x4] =	wrdreg s16  }
0xb7: {  	[dreg:$0x5] =	wrdreg s17  }
0xb8: {  	[dreg:$0x6] =	wrdreg $0x9  }
0xb9: {  	_ =	task.clear_ibuf [dreg:s9], $0x7FFFF;
	_ =	strace $0x90000046  }
0xba: {  	s29 =	simm.s32 $0x9;
	_ =	strace $0x80000048  }
0xbb: {  	_ =	swait.ge [sflag:s29], $0x1  }
0xbc: {  	[sflag:s29] =	ssyncadd.s32 $0xFFFFFFFF  }
0xbd: {  	_ =	strace $0x90000048  }
0xbe: {  	_ =	sfence  }
0xbf: {  	s30 =	sld [smem:$0x0];
	_ =	sdelay $0x2  }
0xc0: {  	s31 =	sshll.u32 s1, $0xD;
	s1 =	sshrl.u32 s1, $0x2  }
0xc1: {  	s3 =	sand.u32 $0x4000, s31;
	s1 =	sadd.s32 s1, s30  }
0xc2: {  	s0 =	sor.u32 s3, s0;
	s1 =	sshll.u32 s1, $0x11  }
0xc3: {  	s0 =	sor.u32 s1, s0  }
0xc4: {  	s0 =	sadd.s32 $0x8F2B, s0  }
0xc5: {  	[sflag:s0] =	ssyncadd.remote.s32 $0x1  }
0xc6: {  	_ =	sfence.sel $0xFFFF  }
0xc7: {  	[dreg:$0x0] =	wrdreg $0xFFFFFFFF;
	(pc) =	sbr.abs _section_cstart, $3  }
0xc8: {  	[dreg:$0x1] =	wrdreg $0xFFFFFFFF  }
0xc9: {  	_ =	task.clear_ibuf [dreg:s9], $0x2FFFF;
	_ =	strace $0x9FFFFFFF  }
0xca: {  	(tm) =	ssettm $0x7FFFFFFF  }
0xcb: {  	_ =	shalt  }
tec
execute0_lowered:
.L_overlay_start_1:
0x0: {  	(tag) =	ssettag $0x1  }
0x1: {  	s0 =	rddreg [dreg:$0x0]  }
0x2: {  	s3 =	rddreg [dreg:$0x2]  }
0x3: {  	s1 =	srdreg.scid;
	s2 =	stileid.u32  }
0x4: {  	s4 =	rddreg [dreg:$0x3];
	s5 =	simm.s32 $0x0;
	s16 =	simm.s32 $0x5  }
0x5: {  	s22 =	simm.s32 $0x1;
	s23 =	simm.s32 $0xD100;
	s28 =	simm.s32 $0x2E00  }
0x6: {  	s29 =	simm.s32 $0x2;
	s30 =	simm.s32 $0xF080;
	s31 =	simm.s32 $0xFB00  }
0x7: {  	s1 =	sand.u32 $0x1, s1;
	s2 =	sshll.u32 s2, $0x1;
	[smem:$0x7FF] =	sst s5  }
0x8: {  	s7 =	sadd.s32 $0xC00, s0;
	s24 =	sadd.s32 $0x800, s0;
	s0 =	sadd.s32 $0xA00, s0  }
0x9: {  	s2 =	sor.u32 s1, s2;
	_ =	strace $0x80000047;
	[dreg:$0x5] =	wrdreg s24  }
0xa: {  	s1 =	ssub.s32 $0x2, s1;
	[dreg:$0x6] =	wrdreg s0;
	s24 =	simm.s32 $0xDB80  }
0xb: {  	s6 =	smul.u32 $0x3D20, s2;
	s26 =	sshrl.u32 s1, $0x1;
	s2 =	simm.s32 $0x3  }
0xc: {  	s0 =	ssub.s32 s1, s26;
	s26 =	simm.s32 $0x2380;
	s1 =	simm.s32 $0x0  }
0xd: {  	s25 =	sshrl.u32 s6, $0x3;
	s13 =	sadd.s32 $0xA30, s6;
	s14 =	sadd.s32 $0x1460, s6  }
0xe: {  	s15 =	smax.u32 s0, $0x1;
	s0 =	simm.s32 $0x4;
	s10 =	sadd.s32 s7, s25  }
0xf: {  	s25 =	simm.s32 $0xE600;
	s11 =	sadd.s32 $0xF424, s10;
	s12 =	sadd.s32 $0x1E848, s10  }
.LBB2_1:
0x10: {  	s8 =	rddreg [dreg:$0x5]  }
0x11: {  	[tilespmem:s5], [sflag:$0x5] =	stream.linear.gather [hbm4b:s8+s5], $0x80, $0x38;
	[tilespmem:$0x19E00] =	vst v63  }
0x12: {  	_ =	swait.ge [sflag:s16], $0x80  }
0x13: {  	[sflag:s16] =	ssyncset.done $0x0  }
0x14: {  	[sflag:s16] =	ssyncadd.s32 $0xFFFFFF80  }
0x15: {  	s9 =	simm.s32 $0x80;
	s21 =	rddreg [dreg:$0x1]  }
0x16: {  	[tilespmem:s9], [sflag:$0x5] =	stream.linear.gather [hbm4b:s21+s5], $0x80, $0x38;
	[tilespmem:$0x19E00] =	vst v63  }
0x17: {  	_ =	swait.ge [sflag:s16], $0x80  }
0x18: {  	[sflag:s16] =	ssyncset.done $0x0  }
0x19: {  	s18 =	simm.s32 $0x100;
	s17 =	rddreg [dreg:$0x6];
	[sflag:s16] =	ssyncadd.s32 $0xFFFFFF80  }
0x1a: {  	[tilespmem:s18], [sflag:$0x5] =	stream.linear.gather [hbm4b:s17+s5], $0x300, $0x38;
	[tilespmem:$0x19E00] =	vst v63  }
0x1b: {  	_ =	swait.ge [sflag:s16], $0x300  }
0x1c: {  	[sflag:s16] =	ssyncset.done $0x0  }
0x1d: {  	[sflag:s16] =	ssyncadd.s32 $0xFFFFFD00  }
0x1e: {  	v3 =	vld [tilespmem:$0x80];
	_ =	sdelay $0x1  }
0x1f: {  	v0 =	vld [tilespmem:$0x0];
	_ =	sdelay $0x1  }
0x20: {  	v1 =	vld [tilespmem:$0x10]  }
0x21: {  	v11 =	vbroadcast v3, $0x1  }
0x22: {  	v2 =	vld [tilespmem:$0x20]  }
0x23: {  	[tilespmem:$0x1FC70] =	vst v11;
	v11 =	vbroadcast v0, $0x2;
	_ =	sdelay $0x1  }
0x24: {  	[tilespmem:$0x1FC80] =	vst v11;
	v11 =	vbroadcast v1, $0x2;
	_ =	sdelay $0x1  }
0x25: {  	[tilespmem:$0x1FC90] =	vst v11;
	v11 =	vbroadcast v2, $0x2;
	_ =	sdelay $0x1  }
0x26: {  	[tilespmem:$0x1FCA0] =	vst v11;
	v11 =	vbroadcast v3, $0x2;
	_ =	sdelay $0x1  }
0x27: {  	[tilespmem:$0x1FCB0] =	vst v11;
	v11 =	vbroadcast v0, $0x3;
	_ =	sdelay $0x1  }
0x28: {  	[tilespmem:$0x1FCC0] =	vst v11;
	v11 =	vbroadcast v1, $0x3;
	_ =	sdelay $0x1  }
0x29: {  	[tilespmem:$0x1FCD0] =	vst v11;
	v11 =	vbroadcast v2, $0x3;
	_ =	sdelay $0x1  }
0x2a: {  	[tilespmem:$0x1FCE0] =	vst v11;
	v11 =	vbroadcast v3, $0x3;
	_ =	sdelay $0x1  }
0x2b: {  	[tilespmem:$0x1FCF0] =	vst v11;
	v11 =	vbroadcast v0, $0x4;
	_ =	sdelay $0x1  }
0x2c: {  	[tilespmem:$0x1FD00] =	vst v11;
	v11 =	vbroadcast v1, $0x4;
	_ =	sdelay $0x1  }
0x2d: {  	[tilespmem:$0x1FD10] =	vst v11;
	v11 =	vbroadcast v2, $0x4;
	_ =	sdelay $0x1  }
0x2e: {  	[tilespmem:$0x1FD20] =	vst v11;
	v11 =	vbroadcast v3, $0x4;
	_ =	sdelay $0x1  }
0x2f: {  	[tilespmem:$0x1FD30] =	vst v11;
	v11 =	vbroadcast v0, $0x5;
	_ =	sdelay $0x1  }
0x30: {  	[tilespmem:$0x1FD40] =	vst v11;
	v11 =	vbroadcast v1, $0x5;
	_ =	sdelay $0x1  }
0x31: {  	[tilespmem:$0x1FD50] =	vst v11;
	v11 =	vbroadcast v2, $0x5;
	_ =	sdelay $0x1  }
0x32: {  	[tilespmem:$0x1FD60] =	vst v11;
	v11 =	vbroadcast v3, $0x5;
	_ =	sdelay $0x1  }
0x33: {  	[tilespmem:$0x1FD70] =	vst v11;
	v11 =	vbroadcast v0, $0x6;
	_ =	sdelay $0x1  }
0x34: {  	[tilespmem:$0x1FD80] =	vst v11;
	v11 =	vbroadcast v1, $0x6;
	_ =	sdelay $0x1  }
0x35: {  	[tilespmem:$0x1FD90] =	vst v11;
	v11 =	vbroadcast v2, $0x6;
	_ =	sdelay $0x1  }
0x36: {  	[tilespmem:$0x1FDA0] =	vst v11;
	v11 =	vbroadcast v3, $0x6;
	_ =	sdelay $0x1  }
0x37: {  	[tilespmem:$0x1FDB0] =	vst v11;
	v11 =	vbroadcast v0, $0x7;
	_ =	sdelay $0x1  }
0x38: {  	[tilespmem:$0x1FDC0] =	vst v11;
	v11 =	vbroadcast v1, $0x7;
	_ =	sdelay $0x1  }
0x39: {  	[tilespmem:$0x1FDD0] =	vst v11;
	v11 =	vbroadcast v2, $0x7;
	_ =	sdelay $0x1  }
0x3a: {  	[tilespmem:$0x1FDE0] =	vst v11;
	v11 =	vbroadcast v3, $0x7;
	_ =	sdelay $0x1  }
0x3b: {  	[tilespmem:$0x1FDF0] =	vst v11;
	v11 =	vbroadcast v0, $0x8;
	_ =	sdelay $0x1  }
0x3c: {  	[tilespmem:$0x1FE00] =	vst v11;
	v11 =	vbroadcast v1, $0x8;
	_ =	sdelay $0x1  }
0x3d: {  	[tilespmem:$0x1FE10] =	vst v11;
	v11 =	vbroadcast v2, $0x8;
	_ =	sdelay $0x1  }
0x3e: {  	[tilespmem:$0x1FE20] =	vst v11;
	v11 =	vbroadcast v3, $0x8;
	_ =	sdelay $0x1  }
0x3f: {  	[tilespmem:$0x1FE30] =	vst v11;
	v11 =	vbroadcast v0, $0x9;
	_ =	sdelay $0x1  }
0x40: {  	[tilespmem:$0x1FE40] =	vst v11;
	v11 =	vbroadcast v1, $0x9;
	_ =	sdelay $0x1  }
0x41: {  	[tilespmem:$0x1FE50] =	vst v11;
	v11 =	vbroadcast v2, $0x9;
	_ =	sdelay $0x1  }
0x42: {  	[tilespmem:$0x1FE60] =	vst v11;
	v11 =	vbroadcast v3, $0x9;
	_ =	sdelay $0x1  }
0x43: {  	[tilespmem:$0x1FE70] =	vst v11;
	v11 =	vbroadcast v0, $0xA;
	_ =	sdelay $0x1  }
0x44: {  	[tilespmem:$0x1FE80] =	vst v11;
	v11 =	vbroadcast v1, $0xA;
	_ =	sdelay $0x1  }
0x45: {  	[tilespmem:$0x1FE90] =	vst v11;
	v11 =	vbroadcast v2, $0xA;
	_ =	sdelay $0x1  }
0x46: {  	[tilespmem:$0x1FEA0] =	vst v11;
	v11 =	vbroadcast v3, $0xA;
	_ =	sdelay $0x1  }
0x47: {  	[tilespmem:$0x1FEB0] =	vst v11;
	v11 =	vbroadcast v0, $0xB;
	_ =	sdelay $0x1  }
0x48: {  	[tilespmem:$0x1FEC0] =	vst v11;
	v11 =	vbroadcast v1, $0xB;
	_ =	sdelay $0x1  }
0x49: {  	[tilespmem:$0x1FED0] =	vst v11;
	v11 =	vbroadcast v2, $0xB;
	_ =	sdelay $0x1  }
0x4a: {  	[tilespmem:$0x1FEE0] =	vst v11;
	v11 =	vbroadcast v3, $0xB;
	_ =	sdelay $0x1  }
0x4b: {  	[tilespmem:$0x1FEF0] =	vst v11;
	v11 =	vbroadcast v0, $0xC;
	_ =	sdelay $0x1  }
0x4c: {  	[tilespmem:$0x1FF00] =	vst v11;
	v11 =	vbroadcast v1, $0xC;
	_ =	sdelay $0x1  }
0x4d: {  	[tilespmem:$0x1FF10] =	vst v11;
	v11 =	vbroadcast v2, $0xC;
	_ =	sdelay $0x1  }
0x4e: {  	[tilespmem:$0x1FF20] =	vst v11;
	v11 =	vbroadcast v3, $0xC;
	_ =	sdelay $0x1  }
0x4f: {  	[tilespmem:$0x1FF30] =	vst v11;
	v11 =	vbroadcast v0, $0xD;
	_ =	sdelay $0x1  }
0x50: {  	s19 =	simm.s32 $0x400;
	[tilespmem:$0x1FF40] =	vst v11;
	v11 =	vbroadcast v1, $0xD  }
0x51: {  	[tilespmem:s19], [sflag:$0x1] =	stream.linear.gather [hbm4b:s10+s5], $0xA30, $0x38;
	[tilespmem:$0x19E00] =	vst v63  }
0x52: {  	s20 =	simm.s32 $0xE80;
	[tilespmem:$0x1FF50] =	vst v11;
	v11 =	vbroadcast v2, $0xD  }
0x53: {  	[tilespmem:s20], [sflag:$0x1] =	stream.linear.gather [hbm4b:s11+s5], $0xA30, $0x38;
	[tilespmem:$0x19E00] =	vst v63  }
0x54: {  	s21 =	simm.s32 $0x1900;
	[tilespmem:$0x1FF60] =	vst v11;
	v11 =	vbroadcast v3, $0xD  }
0x55: {  	[tilespmem:s21], [sflag:$0x1] =	stream.linear.gather [hbm4b:s12+s5], $0xA30, $0x38;
	v61 =	vbroadcast v1, $0xF;
	[tilespmem:$0x19E00] =	vst v63  }
0x56: {  	[tilespmem:$0x1FF70] =	vst v11;
	v11 =	vbroadcast v0, $0xE  }
0x57: {  	v62 =	vbroadcast v2, $0xF;
	[tilespmem:$0x1FFD0] =	vst v61  }
0x58: {  	[tilespmem:$0x1FF80] =	vst v11;
	v11 =	vbroadcast v1, $0xE  }
0x59: {  	v63 =	vbroadcast v3, $0xF;
	[tilespmem:$0x1FFE0] =	vst v62  }
0x5a: {  	v4 =	vbroadcast v0, $0x0;
	[tilespmem:$0x1FF90] =	vst v11;
	v11 =	vbroadcast v2, $0xE  }
0x5b: {  	v6 =	vbroadcast v0, $0x1;
	[tilespmem:$0x1FFF0] =	vst v63;
	v0 =	vbroadcast v0, $0xF  }
0x5c: {  	v5 =	vbroadcast v1, $0x0;
	[tilespmem:$0x1FFA0] =	vst v11;
	v11 =	vbroadcast v3, $0xE  }
0x5d: {  	v8 =	vbroadcast v2, $0x0;
	v10 =	vbroadcast v3, $0x0;
	[tilespmem:$0x1FFC0] =	vst v0  }
0x5e: {  	s17 =	simm.s32 $0x0;
	v7 =	vbroadcast v1, $0x1;
	v9 =	vbroadcast v2, $0x1;
	[tilespmem:$0x1FFB0] =	vst v11  }
.LBB2_2:
0x5f: {  	_ =	swait.ge [sflag:s22], $0xA30  }
0x60: {  	[sflag:s22] =	ssyncset.done $0x0  }
0x61: {  	s20 =	smul.u32 $0x1460, s17;
	[sflag:s22] =	ssyncadd.s32 $0xFFFFF5D0  }
0x62: {  	_ =	swait.ge [sflag:s22], $0xA30  }
0x63: {  	s18 =	sadd.s32 s20, s13;
	[sflag:s22] =	ssyncset.done $0x0  }
0x64: {  	p0 =	slt.s32 s18, $0x796F0;
	[sflag:s22] =	ssyncadd.s32 $0xFFFFF5D0  }
0x65: {  	s18 =	simm.s32 @!p0 $0x796F0;
	_ =	swait.ge [sflag:s22], $0xA30  }
0x66: {  	s19 =	sshrl.u32 s18, $0x3;
	[sflag:s22] =	ssyncset.done $0x0  }
0x67: {  	s8 =	sadd.s32 s7, s19;
	[sflag:s22] =	ssyncadd.s32 $0xFFFFF5D0  }
0x68: {  	[tilespmem:s23], [sflag:$0x2] =	stream.linear.gather [hbm4b:s8+s5], $0xA30, $0x38;
	[tilespmem:$0x19E00] =	vst v63  }
0x69: {  	s9 =	sadd.s32 $0xF424, s8  }
0x6a: {  	[tilespmem:s24], [sflag:$0x2] =	stream.linear.gather [hbm4b:s9+s5], $0xA30, $0x38;
	[tilespmem:$0x19E00] =	vst v63  }
0x6b: {  	p0 =	seq.s32 s17, $0x0;
	s8 =	sadd.s32 $0x1E848, s8  }
0x6c: {  	[tilespmem:s25], [sflag:$0x2] =	stream.linear.gather [hbm4b:s8+s5], $0xA30, $0x38;
	[tilespmem:$0x19E00] =	vst v63  }
0x6d: {  	s8 =	simm.s32 @!p0 $0x3  }
0x6e: {  	_ =	swait.ge @!p0 [sflag:s8], $0xA30  }
0x6f: {  	[sflag:s8] =	ssyncset.done @!p0 $0x0  }
0x70: {  	[sflag:s8] =	ssyncadd.s32 @!p0 $0xFFFFF5D0  }
0x71: {  	_ =	swait.ge @!p0 [sflag:s8], $0xA300  }
0x72: {  	v28 =	vld [tilespmem:$0x1FD10]  }
0x73: {  	v29 =	vld [tilespmem:$0x1FD20]  }
0x74: {  	v30 =	vld [tilespmem:$0x1FD30]  }
0x75: {  	v31 =	vld [tilespmem:$0x1FD40]  }
0x76: {  	v32 =	vld [tilespmem:$0x1FD50]  }
0x77: {  	v33 =	vld [tilespmem:$0x1FD60]  }
0x78: {  	v34 =	vld [tilespmem:$0x1FD70]  }
0x79: {  	v35 =	vld [tilespmem:$0x1FD80]  }
0x7a: {  	v36 =	vld [tilespmem:$0x1FD90]  }
0x7b: {  	v37 =	vld [tilespmem:$0x1FDA0]  }
0x7c: {  	v38 =	vld [tilespmem:$0x1FDB0]  }
0x7d: {  	v39 =	vld [tilespmem:$0x1FDC0]  }
0x7e: {  	v40 =	vld [tilespmem:$0x1FDD0]  }
0x7f: {  	v41 =	vld [tilespmem:$0x1FDE0]  }
0x80: {  	v42 =	vld [tilespmem:$0x1FDF0]  }
0x81: {  	v43 =	vld [tilespmem:$0x1FE00]  }
0x82: {  	v44 =	vld [tilespmem:$0x1FE10]  }
0x83: {  	v45 =	vld [tilespmem:$0x1FE20]  }
0x84: {  	v46 =	vld [tilespmem:$0x1FE30]  }
0x85: {  	v47 =	vld [tilespmem:$0x1FE40]  }
0x86: {  	v48 =	vld [tilespmem:$0x1FE50]  }
0x87: {  	v49 =	vld [tilespmem:$0x1FE60]  }
0x88: {  	v50 =	vld [tilespmem:$0x1FE70]  }
0x89: {  	v51 =	vld [tilespmem:$0x1FE80]  }
0x8a: {  	v52 =	vld [tilespmem:$0x1FE90]  }
0x8b: {  	v53 =	vld [tilespmem:$0x1FEA0]  }
0x8c: {  	v54 =	vld [tilespmem:$0x1FEB0]  }
0x8d: {  	v55 =	vld [tilespmem:$0x1FEC0]  }
0x8e: {  	v56 =	vld [tilespmem:$0x1FED0]  }
0x8f: {  	v57 =	vld [tilespmem:$0x1FEE0]  }
0x90: {  	v58 =	vld [tilespmem:$0x1FEF0]  }
0x91: {  	v59 =	vld [tilespmem:$0x1FF00]  }
0x92: {  	v60 =	vld [tilespmem:$0x1FF10]  }
0x93: {  	v61 =	vld [tilespmem:$0x1FF20]  }
0x94: {  	v62 =	vld [tilespmem:$0x1FF30]  }
0x95: {  	v63 =	vld [tilespmem:$0x1FF40]  }
0x96: {  	v0 =	vld [tilespmem:$0x1FF50]  }
0x97: {  	v18 =	vld [tilespmem:$0x1FF60]  }
0x98: {  	v19 =	vld [tilespmem:$0x1FF70]  }
0x99: {  	v20 =	vld [tilespmem:$0x1FF80]  }
0x9a: {  	v21 =	vld [tilespmem:$0x1FF90]  }
0x9b: {  	v22 =	vld [tilespmem:$0x1FFA0]  }
0x9c: {  	v23 =	vld [tilespmem:$0x1FFB0]  }
0x9d: {  	v24 =	vld [tilespmem:$0x1FFC0]  }
0x9e: {  	v25 =	vld [tilespmem:$0x1FFD0]  }
0x9f: {  	[sflag:s8] =	ssyncset.done @!p0 $0x0;
	v26 =	vld [tilespmem:$0x1FFE0]  }
0xa0: {  	s21 =	simm.s32 $0x0;
	v27 =	vld [tilespmem:$0x1FFF0];
	[sflag:s8] =	ssyncadd.s32 @!p0 $0xFFFF5D00;
	s8 =	simm.s32 $0x2E80  }
.LBB2_3:
0xa1: {  	s9 =	sshra.s32 s21, $0x2  }
0xa2: {  	v2 =	vld [tilespmem:s9+$0x400]  }
0xa3: {  	v3 =	vld [tilespmem:s9+$0xE80];
	_ =	sdelay $0x2  }
0xa4: {  	v1 =	vld [tilespmem:s9+$0x1900];
	_ =	sdelay $0x1  }
0xa5: {  	v15 =	vmovc v6;
	v16 =	vmov v7;
	v6 =	vmul.f32 v2, v6;
	v7 =	vmul.f32 v3, v7  }
0xa6: {  	v11 =	vmovc v4;
	v12 =	vmov v5;
	v4 =	vmul.f32 v2, v4;
	v5 =	vmul.f32 v3, v5  }
0xa7: {  	v13 =	vmov v8;
	v6 =	vadd.f32 v7, v6;
	v7 =	vld [tilespmem:$0x1FC80]  }
0xa8: {  	v17 =	vmovc v9;
	v4 =	vadd.f32 v5, v4;
	v5 =	vmul.f32 v1, v8;
	v8 =	vmul.f32 v1, v9;
	v9 =	vld [tilespmem:$0x1FC90];
	_ =	sdelay $0x4  }
0xa9: {  	v7 =	vmul.f32 v2, v7;
	v9 =	vmul.f32 v3, v9  }
0xaa: {  	v4 =	vadd.f32 v5, v4;
	v5 =	vadd.f32 v8, v6;
	v8 =	vld [tilespmem:$0x1FCC0]  }
0xab: {  	v6 =	vadd.f32 v9, v7;
	v7 =	vld [tilespmem:$0x1FCA0]  }
0xac: {  	v9 =	vld [tilespmem:$0x1FCD0];
	_ =	sdelay $0x3  }
0xad: {  	v8 =	vmul.f32 v2, v8  }
0xae: {  	v7 =	vmul.f32 v1, v7;
	v9 =	vmul.f32 v3, v9  }
0xaf: {  	v14 =	vld [tilespmem:$0x1FC70]  }
0xb0: {  	v6 =	vadd.f32 v7, v6;
	v7 =	vadd.f32 v9, v8;
	v8 =	vld [tilespmem:$0x1FCE0]  }
0xb1: {  	v9 =	vld [tilespmem:$0x1FCB0];
	_ =	sdelay $0x2  }
0xb2: {  	v4 =	vadd.f32 v4, v10;
	v5 =	vadd.f32 v5, v14;
	_ =	sdelay $0x1  }
0xb3: {  	vm0 =	vlt.f32 v5, v4;
	v8 =	vmul.f32 v1, v8;
	v6 =	vadd.f32 v6, v9  }
0xb4: {  	v4 =	vsel vm0, v5, v4  }
0xb5: {  	v5 =	vadd.f32 v8, v7;
	vm1 =	vlt.f32 v6, v4;
	v7 =	vld [tilespmem:$0x1FD00]  }
0xb6: {  	v4 =	vsel vm1, v6, v4;
	v6 =	vld [tilespmem:$0x1FCF0];
	_ =	sdelay $0x3  }
0xb7: {  	v8 =	vmul.f32 v3, v28;
	v7 =	vmul.f32 v2, v7  }
0xb8: {  	v9 =	vmul.f32 v3, v32;
	v5 =	vadd.f32 v5, v6  }
0xb9: {  	v6 =	vmul.f32 v1, v29;
	v7 =	vadd.f32 v8, v7;
	v8 =	vmul.f32 v2, v31  }
0xba: {  	vm2 =	vlt.f32 v5, v4  }
0xbb: {  	v6 =	vadd.f32 v6, v7;
	v7 =	vadd.f32 v9, v8;
	v8 =	vmul.f32 v1, v33  }
0xbc: {  	v4 =	vsel vm2, v5, v4;
	v5 =	vmul.f32 v2, v35;
	v9 =	vmul.f32 v3, v36  }
0xbd: {  	v14 =	vmovc v10;
	v10 =	vmul.f32 v3, v40;
	v6 =	vadd.f32 v6, v30;
	v7 =	vadd.f32 v8, v7  }
0xbe: {  	v8 =	vmul.f32 v1, v37;
	v5 =	vadd.f32 v9, v5;
	v9 =	vmul.f32 v2, v39  }
0xbf: {  	vm3 =	vlt.f32 v6, v4;
	v7 =	vadd.f32 v7, v34  }
0xc0: {  	v5 =	vadd.f32 v8, v5;
	v8 =	vadd.f32 v10, v9;
	v9 =	vmul.f32 v1, v41  }
0xc1: {  	v10 =	vmul.f32 v3, v44;
	v4 =	vsel vm3, v6, v4;
	v6 =	vmul.f32 v2, v43  }
0xc2: {  	vm4 =	vlt.f32 v7, v4;
	v5 =	vadd.f32 v5, v38;
	v8 =	vadd.f32 v9, v8  }
0xc3: {  	v4 =	vsel vm4, v7, v4;
	v6 =	vadd.f32 v10, v6;
	v7 =	vmul.f32 v1, v45  }
0xc4: {  	vm5 =	vlt.f32 v5, v4;
	v8 =	vadd.f32 v8, v42  }
0xc5: {  	v4 =	vsel vm5, v5, v4;
	v5 =	vadd.f32 v7, v6  }
0xc6: {  	v6 =	vmul.f32 v2, v47;
	v7 =	vmul.f32 v3, v48;
	vm6 =	vlt.f32 v8, v4  }
0xc7: {  	v9 =	vmul.f32 v3, v52;
	v4 =	vsel vm6, v8, v4;
	v5 =	vadd.f32 v5, v46  }
0xc8: {  	v8 =	vmul.f32 v1, v49;
	v6 =	vadd.f32 v7, v6;
	v7 =	vmul.f32 v2, v51  }
0xc9: {  	vm7 =	vlt.f32 v5, v4  }
0xca: {  	v6 =	vadd.f32 v8, v6;
	v7 =	vadd.f32 v9, v7;
	v8 =	vmul.f32 v1, v53  }
0xcb: {  	v9 =	vmul.f32 v3, v56;
	v4 =	vsel vm7, v5, v4;
	v5 =	vmul.f32 v2, v55  }
0xcc: {  	v10 =	vmul.f32 v3, v60;
	v6 =	vadd.f32 v6, v50;
	v7 =	vadd.f32 v8, v7  }
0xcd: {  	v8 =	vmul.f32 v1, v57;
	v5 =	vadd.f32 v9, v5;
	v9 =	vmul.f32 v2, v59  }
0xce: {  	vm8 =	vlt.f32 v6, v4;
	v7 =	vadd.f32 v7, v54  }
0xcf: {  	v5 =	vadd.f32 v8, v5;
	v8 =	vadd.f32 v10, v9;
	v9 =	vmul.f32 v1, v61  }
0xd0: {  	v4 =	vsel vm8, v6, v4  }
0xd1: {  	vm9 =	vlt.f32 v7, v4;
	v5 =	vadd.f32 v5, v58;
	v6 =	vadd.f32 v9, v8  }
0xd2: {  	v4 =	vsel vm9, v7, v4;
	v7 =	vmul.f32 v3, v0;
	v8 =	vimm.s32 $0x0  }
0xd3: {  	v8 =	vsel vm0, $0x30, v8;
	vm10 =	vlt.f32 v5, v4;
	v6 =	vadd.f32 v6, v62  }
0xd4: {  	v8 =	vsel vm1, $0x60, v8;
	v4 =	vsel vm10, v5, v4;
	v5 =	vmul.f32 v2, v63  }
0xd5: {  	v10 =	vmul.f32 v3, v21;
	v9 =	vmul.f32 v2, v20;
	v8 =	vsel vm2, $0x90, v8  }
0xd6: {  	vm11 =	vlt.f32 v6, v4;
	v5 =	vadd.f32 v7, v5;
	v7 =	vmul.f32 v1, v18  }
0xd7: {  	v4 =	vsel vm11, v6, v4;
	v6 =	vsel vm3, $0xC0, v8;
	v8 =	vmul.f32 v1, v22  }
0xd8: {  	v6 =	vsel vm4, $0xF0, v6;
	v5 =	vadd.f32 v7, v5;
	v7 =	vadd.f32 v10, v9  }
0xd9: {  	v9 =	vmul.f32 v2, v24;
	v10 =	vmul.f32 v3, v25;
	v6 =	vsel vm5, $0x120, v6  }
0xda: {  	v6 =	vsel vm6, $0x150, v6;
	v7 =	vadd.f32 v8, v7;
	v5 =	vadd.f32 v5, v19  }
0xdb: {  	v8 =	vadd.f32 v10, v9;
	v9 =	vmul.f32 v1, v26;
	v6 =	vsel vm7, $0x180, v6  }
0xdc: {  	v6 =	vsel vm8, $0x1B0, v6;
	vm13 =	vlt.f32 v5, v4  }
0xdd: {  	v7 =	vadd.f32 v7, v23;
	v8 =	vadd.f32 v9, v8;
	v6 =	vsel vm9, $0x1E0, v6  }
0xde: {  	v4 =	vsel vm13, v5, v4;
	v5 =	vsel vm10, $0x210, v6  }
0xdf: {  	vm14 =	vlt.f32 v7, v4;
	v6 =	vadd.f32 v8, v27;
	v5 =	vsel vm11, $0x240, v5  }
0xe0: {  	v7 =	vsel vm14, v7, v4;
	v4 =	vsel vm13, $0x270, v5  }
0xe1: {  	vm15 =	vlt.f32 v6, v7;
	v4 =	vsel vm14, $0x2A0, v4  }
0xe2: {  	v4 =	vsel vm15, $0x2D0, v4  }
0xe3: {  	(v2sf) =	vpush v4, $0x0;
	_ =	sdelay $0xc  }
0xe4: {  	(v2sf) =	vpush v4, $0x1  }
0xe5: {  	v5 =	vsel vm15, v6, v7  }
0xe6: {  	[tilespmem:s9+$0x2380] =	vst v5;
	s9 =	spop (v2sf)  }
0xe7: {  	v5 =	vld [tilespmem:s9+$0x100]  }
0xe8: {  	v6 =	vld [tilespmem:s9+$0x110];
	_ =	sdelay $0x1  }
0xe9: {  	v8 =	vbroadcast v2, $0x0;
	v7 =	vld [tilespmem:s9+$0x120]  }
0xea: {  	v9 =	vbroadcast v3, $0x0  }
0xeb: {  	v5 =	vmul.f32 v5, v8  }
0xec: {  	v6 =	vmul.f32 v6, v9;
	v8 =	vbroadcast v1, $0x0;
	_ =	sdelay $0x1  }
0xed: {  	v5 =	vadd.f32 v6, v5;
	v6 =	vmul.f32 v7, v8;
	_ =	sdelay $0x1  }
0xee: {  	(v2sf) =	vpush v4, $0x2;
	v5 =	vadd.f32 v6, v5;
	_ =	sdelay $0x1  }
0xef: {  	s9 =	spop (v2sf);
	[tilespmem:s8+$0xFFFFFF80] =	vst v5  }
0xf0: {  	v5 =	vld [tilespmem:s9+$0x100]  }
0xf1: {  	v6 =	vld [tilespmem:s9+$0x110];
	_ =	sdelay $0x1  }
0xf2: {  	v8 =	vbroadcast v2, $0x1;
	v7 =	vld [tilespmem:s9+$0x120]  }
0xf3: {  	v9 =	vbroadcast v3, $0x1  }
0xf4: {  	v5 =	vmul.f32 v5, v8  }
0xf5: {  	v6 =	vmul.f32 v6, v9;
	v8 =	vbroadcast v1, $0x1;
	_ =	sdelay $0x1  }
0xf6: {  	v5 =	vadd.f32 v6, v5;
	v6 =	vmul.f32 v7, v8;
	_ =	sdelay $0x1  }
0xf7: {  	(v2sf) =	vpush v4, $0x3;
	v5 =	vadd.f32 v6, v5;
	_ =	sdelay $0x1  }
0xf8: {  	s9 =	spop (v2sf);
	[tilespmem:s8+$0xFFFFFF90] =	vst v5  }
0xf9: {  	v5 =	vld [tilespmem:s9+$0x100]  }
0xfa: {  	v6 =	vld [tilespmem:s9+$0x110];
	_ =	sdelay $0x1  }
0xfb: {  	v8 =	vbroadcast v2, $0x2;
	v7 =	vld [tilespmem:s9+$0x120]  }
0xfc: {  	v9 =	vbroadcast v3, $0x2  }
0xfd: {  	v5 =	vmul.f32 v5, v8  }
0xfe: {  	v6 =	vmul.f32 v6, v9;
	v8 =	vbroadcast v1, $0x2;
	_ =	sdelay $0x1  }
0xff: {  	v5 =	vadd.f32 v6, v5;
	v6 =	vmul.f32 v7, v8;
	_ =	sdelay $0x1  }
0x100: {  	(v2sf) =	vpush v4, $0x4;
	v5 =	vadd.f32 v6, v5;
	_ =	sdelay $0x1  }
0x101: {  	s9 =	spop (v2sf);
	[tilespmem:s8+$0xFFFFFFA0] =	vst v5  }
0x102: {  	v5 =	vld [tilespmem:s9+$0x100]  }
0x103: {  	v6 =	vld [tilespmem:s9+$0x110];
	_ =	sdelay $0x1  }
0x104: {  	v8 =	vbroadcast v2, $0x3;
	v7 =	vld [tilespmem:s9+$0x120]  }
0x105: {  	v9 =	vbroadcast v3, $0x3  }
0x106: {  	v5 =	vmul.f32 v5, v8  }
0x107: {  	v6 =	vmul.f32 v6, v9;
	v8 =	vbroadcast v1, $0x3;
	_ =	sdelay $0x1  }
0x108: {  	v5 =	vadd.f32 v6, v5;
	v6 =	vmul.f32 v7, v8;
	_ =	sdelay $0x1  }
0x109: {  	(v2sf) =	vpush v4, $0x5;
	v5 =	vadd.f32 v6, v5;
	_ =	sdelay $0x1  }
0x10a: {  	s9 =	spop (v2sf);
	[tilespmem:s8+$0xFFFFFFB0] =	vst v5  }
0x10b: {  	v5 =	vld [tilespmem:s9+$0x100]  }
0x10c: {  	v6 =	vld [tilespmem:s9+$0x110];
	_ =	sdelay $0x1  }
0x10d: {  	v8 =	vbroadcast v2, $0x4;
	v7 =	vld [tilespmem:s9+$0x120]  }
0x10e: {  	v9 =	vbroadcast v3, $0x4  }
0x10f: {  	v5 =	vmul.f32 v5, v8  }
0x110: {  	v6 =	vmul.f32 v6, v9;
	v8 =	vbroadcast v1, $0x4;
	_ =	sdelay $0x1  }
0x111: {  	v5 =	vadd.f32 v6, v5;
	v6 =	vmul.f32 v7, v8;
	_ =	sdelay $0x1  }
0x112: {  	(v2sf) =	vpush v4, $0x6;
	v5 =	vadd.f32 v6, v5;
	_ =	sdelay $0x1  }
0x113: {  	s9 =	spop (v2sf);
	[tilespmem:s8+$0xFFFFFFC0] =	vst v5  }
0x114: {  	v5 =	vld [tilespmem:s9+$0x100]  }
0x115: {  	v6 =	vld [tilespmem:s9+$0x110];
	_ =	sdelay $0x1  }
0x116: {  	v8 =	vbroadcast v2, $0x5;
	v7 =	vld [tilespmem:s9+$0x120]  }
0x117: {  	v9 =	vbroadcast v3, $0x5  }
0x118: {  	v5 =	vmul.f32 v5, v8  }
0x119: {  	v6 =	vmul.f32 v6, v9;
	v8 =	vbroadcast v1, $0x5;
	_ =	sdelay $0x1  }
0x11a: {  	v5 =	vadd.f32 v6, v5;
	v6 =	vmul.f32 v7, v8;
	_ =	sdelay $0x1  }
0x11b: {  	(v2sf) =	vpush v4, $0x7;
	v5 =	vadd.f32 v6, v5;
	_ =	sdelay $0x1  }
0x11c: {  	s9 =	spop (v2sf);
	[tilespmem:s8+$0xFFFFFFD0] =	vst v5  }
0x11d: {  	v5 =	vld [tilespmem:s9+$0x100]  }
0x11e: {  	v6 =	vld [tilespmem:s9+$0x110];
	_ =	sdelay $0x1  }
0x11f: {  	v8 =	vbroadcast v2, $0x6;
	v7 =	vld [tilespmem:s9+$0x120]  }
0x120: {  	v9 =	vbroadcast v3, $0x6  }
0x121: {  	v5 =	vmul.f32 v5, v8  }
0x122: {  	v6 =	vmul.f32 v6, v9;
	v8 =	vbroadcast v1, $0x6;
	_ =	sdelay $0x1  }
0x123: {  	v5 =	vadd.f32 v6, v5;
	v6 =	vmul.f32 v7, v8;
	_ =	sdelay $0x1  }
0x124: {  	(v2sf) =	vpush v4, $0x8;
	v5 =	vadd.f32 v6, v5;
	_ =	sdelay $0x1  }
0x125: {  	s9 =	spop (v2sf);
	[tilespmem:s8+$0xFFFFFFE0] =	vst v5  }
0x126: {  	v5 =	vld [tilespmem:s9+$0x100]  }
0x127: {  	v6 =	vld [tilespmem:s9+$0x110];
	_ =	sdelay $0x1  }
0x128: {  	v8 =	vbroadcast v2, $0x7;
	v7 =	vld [tilespmem:s9+$0x120]  }
0x129: {  	v9 =	vbroadcast v3, $0x7  }
0x12a: {  	v5 =	vmul.f32 v5, v8  }
0x12b: {  	v6 =	vmul.f32 v6, v9;
	v8 =	vbroadcast v1, $0x7;
	_ =	sdelay $0x1  }
0x12c: {  	v5 =	vadd.f32 v6, v5;
	v6 =	vmul.f32 v7, v8;
	_ =	sdelay $0x1  }
0x12d: {  	(v2sf) =	vpush v4, $0x9;
	v5 =	vadd.f32 v6, v5;
	_ =	sdelay $0x1  }
0x12e: {  	s9 =	spop (v2sf);
	[tilespmem:s8+$0xFFFFFFF0] =	vst v5  }
0x12f: {  	v5 =	vld [tilespmem:s9+$0x100]  }
0x130: {  	v6 =	vld [tilespmem:s9+$0x110];
	_ =	sdelay $0x1  }
0x131: {  	v8 =	vbroadcast v2, $0x8;
	v7 =	vld [tilespmem:s9+$0x120]  }
0x132: {  	v9 =	vbroadcast v3, $0x8  }
0x133: {  	v5 =	vmul.f32 v5, v8  }
0x134: {  	v6 =	vmul.f32 v6, v9;
	v8 =	vbroadcast v1, $0x8;
	_ =	sdelay $0x1  }
0x135: {  	v5 =	vadd.f32 v6, v5;
	v6 =	vmul.f32 v7, v8;
	_ =	sdelay $0x1  }
0x136: {  	(v2sf) =	vpush v4, $0xA;
	v5 =	vadd.f32 v6, v5;
	_ =	sdelay $0x1  }
0x137: {  	s9 =	spop (v2sf);
	[tilespmem:s8+$0x0] =	vst v5  }
0x138: {  	v5 =	vld [tilespmem:s9+$0x100]  }
0x139: {  	v6 =	vld [tilespmem:s9+$0x110];
	_ =	sdelay $0x1  }
0x13a: {  	v8 =	vbroadcast v2, $0x9;
	v7 =	vld [tilespmem:s9+$0x120]  }
0x13b: {  	v9 =	vbroadcast v3, $0x9  }
0x13c: {  	v5 =	vmul.f32 v5, v8  }
0x13d: {  	v6 =	vmul.f32 v6, v9;
	v8 =	vbroadcast v1, $0x9;
	_ =	sdelay $0x1  }
0x13e: {  	v5 =	vadd.f32 v6, v5;
	v6 =	vmul.f32 v7, v8;
	_ =	sdelay $0x1  }
0x13f: {  	(v2sf) =	vpush v4, $0xB;
	v5 =	vadd.f32 v6, v5;
	_ =	sdelay $0x1  }
0x140: {  	s9 =	spop (v2sf);
	[tilespmem:s8+$0x10] =	vst v5  }
0x141: {  	v5 =	vld [tilespmem:s9+$0x100]  }
0x142: {  	v6 =	vld [tilespmem:s9+$0x110];
	_ =	sdelay $0x1  }
0x143: {  	v8 =	vbroadcast v2, $0xA;
	v7 =	vld [tilespmem:s9+$0x120]  }
0x144: {  	v9 =	vbroadcast v3, $0xA  }
0x145: {  	v5 =	vmul.f32 v5, v8  }
0x146: {  	v6 =	vmul.f32 v6, v9;
	v8 =	vbroadcast v1, $0xA;
	_ =	sdelay $0x1  }
0x147: {  	v5 =	vadd.f32 v6, v5;
	v6 =	vmul.f32 v7, v8;
	_ =	sdelay $0x1  }
0x148: {  	(v2sf) =	vpush v4, $0xC;
	v5 =	vadd.f32 v6, v5;
	_ =	sdelay $0x1  }
0x149: {  	s9 =	spop (v2sf);
	[tilespmem:s8+$0x20] =	vst v5  }
0x14a: {  	v5 =	vld [tilespmem:s9+$0x100]  }
0x14b: {  	v6 =	vld [tilespmem:s9+$0x110];
	_ =	sdelay $0x1  }
0x14c: {  	v8 =	vbroadcast v2, $0xB;
	v7 =	vld [tilespmem:s9+$0x120]  }
0x14d: {  	v9 =	vbroadcast v3, $0xB  }
0x14e: {  	v5 =	vmul.f32 v5, v8  }
0x14f: {  	v6 =	vmul.f32 v6, v9;
	v8 =	vbroadcast v1, $0xB;
	_ =	sdelay $0x1  }
0x150: {  	v5 =	vadd.f32 v6, v5;
	v6 =	vmul.f32 v7, v8;
	_ =	sdelay $0x1  }
0x151: {  	(v2sf) =	vpush v4, $0xD;
	v5 =	vadd.f32 v6, v5;
	_ =	sdelay $0x1  }
0x152: {  	s9 =	spop (v2sf);
	[tilespmem:s8+$0x30] =	vst v5  }
0x153: {  	v5 =	vld [tilespmem:s9+$0x100]  }
0x154: {  	v6 =	vld [tilespmem:s9+$0x110];
	_ =	sdelay $0x1  }
0x155: {  	v8 =	vbroadcast v2, $0xC;
	v7 =	vld [tilespmem:s9+$0x120]  }
0x156: {  	v9 =	vbroadcast v3, $0xC  }
0x157: {  	v5 =	vmul.f32 v5, v8  }
0x158: {  	v6 =	vmul.f32 v6, v9;
	v8 =	vbroadcast v1, $0xC;
	_ =	sdelay $0x1  }
0x159: {  	v5 =	vadd.f32 v6, v5;
	v6 =	vmul.f32 v7, v8;
	_ =	sdelay $0x1  }
0x15a: {  	(v2sf) =	vpush v4, $0xE;
	v5 =	vadd.f32 v6, v5;
	_ =	sdelay $0x1  }
0x15b: {  	s9 =	spop (v2sf);
	[tilespmem:s8+$0x40] =	vst v5  }
0x15c: {  	v5 =	vld [tilespmem:s9+$0x100]  }
0x15d: {  	v6 =	vld [tilespmem:s9+$0x110];
	_ =	sdelay $0x1  }
0x15e: {  	v8 =	vbroadcast v2, $0xD;
	v7 =	vld [tilespmem:s9+$0x120]  }
0x15f: {  	v9 =	vbroadcast v3, $0xD  }
0x160: {  	v5 =	vmul.f32 v5, v8  }
0x161: {  	v6 =	vmul.f32 v6, v9;
	v8 =	vbroadcast v1, $0xD;
	_ =	sdelay $0x1  }
0x162: {  	v5 =	vadd.f32 v6, v5;
	v6 =	vmul.f32 v7, v8;
	_ =	sdelay $0x1  }
0x163: {  	(v2sf) =	vpush v4, $0xF;
	v5 =	vadd.f32 v6, v5;
	_ =	sdelay $0x1  }
0x164: {  	s9 =	spop (v2sf);
	[tilespmem:s8+$0x50] =	vst v5  }
0x165: {  	v4 =	vld [tilespmem:s9+$0x100]  }
0x166: {  	v5 =	vld [tilespmem:s9+$0x110];
	_ =	sdelay $0x1  }
0x167: {  	v7 =	vbroadcast v2, $0xE;
	v6 =	vld [tilespmem:s9+$0x120]  }
0x168: {  	v8 =	vbroadcast v3, $0xE  }
0x169: {  	v4 =	vmul.f32 v4, v7  }
0x16a: {  	v5 =	vmul.f32 v5, v8;
	v7 =	vbroadcast v1, $0xE;
	_ =	sdelay $0x1  }
0x16b: {  	v4 =	vadd.f32 v5, v4;
	v5 =	vmul.f32 v6, v7;
	_ =	sdelay $0x1  }
0x16c: {  	v4 =	vadd.f32 v5, v4;
	_ =	sdelay $0x1  }
0x16d: {  	s9 =	spop (v2sf);
	[tilespmem:s8+$0x60] =	vst v4  }
0x16e: {  	v4 =	vld [tilespmem:s9+$0x100]  }
0x16f: {  	v5 =	vld [tilespmem:s9+$0x110];
	_ =	sdelay $0x1  }
0x170: {  	v6 =	vld [tilespmem:s9+$0x120]  }
0x171: {  	v2 =	vbroadcast v2, $0xF;
	v3 =	vbroadcast v3, $0xF  }
0x172: {  	v1 =	vbroadcast v1, $0xF  }
0x173: {  	v2 =	vmul.f32 v4, v2;
	v3 =	vmul.f32 v5, v3  }
0x174: {  	p0 =	sne.s32 s21, $0x2880  }
.Ltmp0:
0x175: {  	v1 =	vmul.f32 v6, v1;
	v2 =	vadd.f32 v3, v2;
	(pc) =	sbr.rel @p0 .LBB2_3-.Ltmp0, $4  }
0x176: {  	_ = 	snop  }
0x177: {  	v1 =	vadd.f32 v1, v2  }
0x178: {  	v10 =	vmov v14;
	v9 =	vmov v17  }
0x179: {  	s21 =	sadd.s32 $0x40, s21;
	v8 =	vmovc v13;
	v7 =	vmovc v16;
	v4 =	vmov v11;
	v5 =	vmov v12;
	v6 =	vmov v15;
	[tilespmem:s8+$0x70] =	vst v1;
	s8 =	sadd.s32 $0x100, s8  }
0x17a: {  	s8 =	sadd.s32 s6, s20  }
0x17b: {  	s9 =	sshrl.u32 s8, $0x3  }
0x17c: {  	s8 =	sshll.u32 s8, $0x1;
	s9 =	sadd.s32 s3, s9  }
0x17d: {  	[hbm4b:s9+s5] =	stream.linear.scatter [tilespmem:s26], [sflag:$0x3], $0xA30, $0x38;
	[tilespmem:$0x19E00] =	vst v63  }
0x17e: {  	s8 =	sadd.s32 s4, s8  }
0x17f: {  	[hbm4b:s8+s5] =	stream.linear.scatter [tilespmem:s28], [sflag:$0x3], $0xA300, $0x38;
	[tilespmem:$0x19E00] =	vst v63  }
0x180: {  	_ =	swait.ge [sflag:s29], $0xA30  }
0x181: {  	[sflag:s29] =	ssyncset.done $0x0  }
0x182: {  	p0 =	seq.s32 s17, $0x2;
	[sflag:s29] =	ssyncadd.s32 $0xFFFFF5D0  }
0x183: {  	s8 =	sadd.s32 @!p0 s20, s14;
	_ =	swait.ge [sflag:s29], $0xA30  }
0x184: {  	p1 =	slt.s32 @!p0 s8, $0x796F0;
	[sflag:s29] =	ssyncset.done $0x0  }
0x185: {  	p1 =	por !p1, p0;
	[sflag:s29] =	ssyncadd.s32 $0xFFFFF5D0  }
0x186: {  	s8 =	simm.s32 @p1 $0x796F0;
	_ =	swait.ge [sflag:s29], $0xA30  }
0x187: {  	s9 =	simm.s32 @!p0 $0x0;
	s8 =	sshrl.u32 @!p0 s8, $0x3;
	[sflag:s29] =	ssyncset.done $0x0  }
0x188: {  	s20 =	simm.s32 @!p0 $0x400;
	s8 =	sadd.s32 @!p0 s7, s8;
	[sflag:s29] =	ssyncadd.s32 $0xFFFFF5D0  }
0x189: {  	[tilespmem:s20], [sflag:$0x1] =	stream.linear.gather @!p0 [hbm4b:s8+s9], $0xA30, $0x38;
	[tilespmem:$0x19E00] =	vst v63  }
0x18a: {  	s21 =	simm.s32 @!p0 $0xE80;
	s20 =	sadd.s32 @!p0 $0xF424, s8  }
0x18b: {  	[tilespmem:s21], [sflag:$0x1] =	stream.linear.gather @!p0 [hbm4b:s20+s9], $0xA30, $0x38;
	[tilespmem:$0x19E00] =	vst v63  }
0x18c: {  	p1 =	seq.s32 @!p0 s17, $0x0;
	s8 =	sadd.s32 @!p0 $0x1E848, s8;
	s20 =	simm.s32 @!p0 $0x1900  }
0x18d: {  	[tilespmem:s20], [sflag:$0x1] =	stream.linear.gather @!p0 [hbm4b:s8+s9], $0xA30, $0x38;
	[tilespmem:$0x19E00] =	vst v63  }
0x18e: {  	p0 =	por p0, !p1  }
0x18f: {  	_ =	swait.ge @p0 [sflag:s0], $0xA30  }
0x190: {  	[sflag:s0] =	ssyncset.done @p0 $0x0  }
0x191: {  	[sflag:s0] =	ssyncadd.s32 @p0 $0xFFFFF5D0  }
0x192: {  	_ =	swait.ge @p0 [sflag:s0], $0xA300  }
0x193: {  	v28 =	vld [tilespmem:$0x1FD10]  }
0x194: {  	v29 =	vld [tilespmem:$0x1FD20]  }
0x195: {  	v30 =	vld [tilespmem:$0x1FD30]  }
0x196: {  	v31 =	vld [tilespmem:$0x1FD40]  }
0x197: {  	v32 =	vld [tilespmem:$0x1FD50]  }
0x198: {  	v33 =	vld [tilespmem:$0x1FD60]  }
0x199: {  	v34 =	vld [tilespmem:$0x1FD70]  }
0x19a: {  	v35 =	vld [tilespmem:$0x1FD80]  }
0x19b: {  	v36 =	vld [tilespmem:$0x1FD90]  }
0x19c: {  	v37 =	vld [tilespmem:$0x1FDA0]  }
0x19d: {  	v38 =	vld [tilespmem:$0x1FDB0]  }
0x19e: {  	v39 =	vld [tilespmem:$0x1FDC0]  }
0x19f: {  	v40 =	vld [tilespmem:$0x1FDD0]  }
0x1a0: {  	v41 =	vld [tilespmem:$0x1FDE0]  }
0x1a1: {  	v42 =	vld [tilespmem:$0x1FDF0]  }
0x1a2: {  	v43 =	vld [tilespmem:$0x1FE00]  }
0x1a3: {  	v44 =	vld [tilespmem:$0x1FE10]  }
0x1a4: {  	v45 =	vld [tilespmem:$0x1FE20]  }
0x1a5: {  	v46 =	vld [tilespmem:$0x1FE30]  }
0x1a6: {  	v47 =	vld [tilespmem:$0x1FE40]  }
0x1a7: {  	v48 =	vld [tilespmem:$0x1FE50]  }
0x1a8: {  	v49 =	vld [tilespmem:$0x1FE60]  }
0x1a9: {  	v50 =	vld [tilespmem:$0x1FE70]  }
0x1aa: {  	v51 =	vld [tilespmem:$0x1FE80]  }
0x1ab: {  	v52 =	vld [tilespmem:$0x1FE90]  }
0x1ac: {  	v53 =	vld [tilespmem:$0x1FEA0]  }
0x1ad: {  	v54 =	vld [tilespmem:$0x1FEB0]  }
0x1ae: {  	v55 =	vld [tilespmem:$0x1FEC0]  }
0x1af: {  	v56 =	vld [tilespmem:$0x1FED0]  }
0x1b0: {  	v57 =	vld [tilespmem:$0x1FEE0]  }
0x1b1: {  	v58 =	vld [tilespmem:$0x1FEF0]  }
0x1b2: {  	v59 =	vld [tilespmem:$0x1FF00]  }
0x1b3: {  	v60 =	vld [tilespmem:$0x1FF10]  }
0x1b4: {  	v61 =	vld [tilespmem:$0x1FF20]  }
0x1b5: {  	v62 =	vld [tilespmem:$0x1FF30]  }
0x1b6: {  	v63 =	vld [tilespmem:$0x1FF40]  }
0x1b7: {  	v0 =	vld [tilespmem:$0x1FF50]  }
0x1b8: {  	v18 =	vld [tilespmem:$0x1FF60]  }
0x1b9: {  	v19 =	vld [tilespmem:$0x1FF70]  }
0x1ba: {  	v20 =	vld [tilespmem:$0x1FF80]  }
0x1bb: {  	v21 =	vld [tilespmem:$0x1FF90]  }
0x1bc: {  	v22 =	vld [tilespmem:$0x1FFA0]  }
0x1bd: {  	v23 =	vld [tilespmem:$0x1FFB0]  }
0x1be: {  	v24 =	vld [tilespmem:$0x1FFC0]  }
0x1bf: {  	v25 =	vld [tilespmem:$0x1FFD0]  }
0x1c0: {  	[sflag:s0] =	ssyncset.done @p0 $0x0;
	v26 =	vld [tilespmem:$0x1FFE0]  }
0x1c1: {  	s20 =	simm.s32 $0x0;
	s8 =	simm.s32 $0xFB80;
	v27 =	vld [tilespmem:$0x1FFF0];
	[sflag:s0] =	ssyncadd.s32 @p0 $0xFFFF5D00  }
.LBB2_5:
0x1c2: {  	s9 =	sshra.s32 s20, $0x2  }
0x1c3: {  	v2 =	vld [tilespmem:s9+$0xD100]  }
0x1c4: {  	v3 =	vld [tilespmem:s9+$0xDB80];
	_ =	sdelay $0x2  }
0x1c5: {  	v1 =	vld [tilespmem:s9+$0xE600];
	_ =	sdelay $0x1  }
0x1c6: {  	v6 =	vmul.f32 v2, v15;
	v7 =	vmul.f32 v3, v16  }
0x1c7: {  	v4 =	vmul.f32 v2, v11;
	v5 =	vmul.f32 v3, v12  }
0x1c8: {  	v6 =	vadd.f32 v7, v6;
	v7 =	vld [tilespmem:$0x1FC80]  }
0x1c9: {  	v4 =	vadd.f32 v5, v4;
	v5 =	vmul.f32 v1, v8;
	v8 =	vmul.f32 v1, v9;
	v9 =	vld [tilespmem:$0x1FC90];
	_ =	sdelay $0x4  }
0x1ca: {  	v7 =	vmul.f32 v2, v7;
	v9 =	vmul.f32 v3, v9  }
0x1cb: {  	v4 =	vadd.f32 v5, v4;
	v5 =	vadd.f32 v8, v6;
	v8 =	vld [tilespmem:$0x1FCC0]  }
0x1cc: {  	v6 =	vadd.f32 v9, v7;
	v7 =	vld [tilespmem:$0x1FCA0]  }
0x1cd: {  	v9 =	vld [tilespmem:$0x1FCD0];
	_ =	sdelay $0x3  }
0x1ce: {  	v8 =	vmul.f32 v2, v8  }
0x1cf: {  	v7 =	vmul.f32 v1, v7;
	v9 =	vmul.f32 v3, v9  }
0x1d0: {  	v4 =	vadd.f32 v4, v10;
	v10 =	vld [tilespmem:$0x1FC70]  }
0x1d1: {  	v6 =	vadd.f32 v7, v6;
	v7 =	vadd.f32 v9, v8;
	v8 =	vld [tilespmem:$0x1FCE0]  }
0x1d2: {  	v9 =	vld [tilespmem:$0x1FCB0];
	_ =	sdelay $0x2  }
0x1d3: {  	v5 =	vadd.f32 v5, v10;
	_ =	sdelay $0x1  }
0x1d4: {  	vm0 =	vlt.f32 v5, v4;
	v8 =	vmul.f32 v1, v8;
	v6 =	vadd.f32 v6, v9  }
0x1d5: {  	v4 =	vsel vm0, v5, v4  }
0x1d6: {  	v5 =	vadd.f32 v8, v7;
	vm1 =	vlt.f32 v6, v4;
	v7 =	vld [tilespmem:$0x1FD00]  }
0x1d7: {  	v4 =	vsel vm1, v6, v4;
	v6 =	vld [tilespmem:$0x1FCF0];
	_ =	sdelay $0x3  }
0x1d8: {  	v8 =	vmul.f32 v3, v28;
	v7 =	vmul.f32 v2, v7  }
0x1d9: {  	v9 =	vmul.f32 v3, v32;
	v5 =	vadd.f32 v5, v6  }
0x1da: {  	v6 =	vmul.f32 v1, v29;
	v7 =	vadd.f32 v8, v7;
	v8 =	vmul.f32 v2, v31  }
0x1db: {  	vm2 =	vlt.f32 v5, v4  }
0x1dc: {  	v6 =	vadd.f32 v6, v7;
	v7 =	vadd.f32 v9, v8;
	v8 =	vmul.f32 v1, v33  }
0x1dd: {  	v4 =	vsel vm2, v5, v4;
	v5 =	vmul.f32 v2, v35;
	v9 =	vmul.f32 v3, v36  }
0x1de: {  	v10 =	vmul.f32 v3, v40;
	v6 =	vadd.f32 v6, v30;
	v7 =	vadd.f32 v8, v7  }
0x1df: {  	v8 =	vmul.f32 v1, v37;
	v5 =	vadd.f32 v9, v5;
	v9 =	vmul.f32 v2, v39  }
0x1e0: {  	vm3 =	vlt.f32 v6, v4;
	v7 =	vadd.f32 v7, v34  }
0x1e1: {  	v5 =	vadd.f32 v8, v5;
	v8 =	vadd.f32 v10, v9;
	v9 =	vmul.f32 v1, v41  }
0x1e2: {  	v10 =	vmul.f32 v3, v44;
	v4 =	vsel vm3, v6, v4;
	v6 =	vmul.f32 v2, v43  }
0x1e3: {  	vm4 =	vlt.f32 v7, v4;
	v5 =	vadd.f32 v5, v38;
	v8 =	vadd.f32 v9, v8  }
0x1e4: {  	v4 =	vsel vm4, v7, v4;
	v6 =	vadd.f32 v10, v6;
	v7 =	vmul.f32 v1, v45  }
0x1e5: {  	vm5 =	vlt.f32 v5, v4;
	v8 =	vadd.f32 v8, v42  }
0x1e6: {  	v4 =	vsel vm5, v5, v4;
	v5 =	vadd.f32 v7, v6  }
0x1e7: {  	v6 =	vmul.f32 v2, v47;
	v7 =	vmul.f32 v3, v48;
	vm6 =	vlt.f32 v8, v4  }
0x1e8: {  	v9 =	vmul.f32 v3, v52;
	v4 =	vsel vm6, v8, v4;
	v5 =	vadd.f32 v5, v46  }
0x1e9: {  	v8 =	vmul.f32 v1, v49;
	v6 =	vadd.f32 v7, v6;
	v7 =	vmul.f32 v2, v51  }
0x1ea: {  	vm7 =	vlt.f32 v5, v4  }
0x1eb: {  	v6 =	vadd.f32 v8, v6;
	v7 =	vadd.f32 v9, v7;
	v8 =	vmul.f32 v1, v53  }
0x1ec: {  	v9 =	vmul.f32 v3, v56;
	v4 =	vsel vm7, v5, v4;
	v5 =	vmul.f32 v2, v55  }
0x1ed: {  	v10 =	vmul.f32 v3, v60;
	v6 =	vadd.f32 v6, v50;
	v7 =	vadd.f32 v8, v7  }
0x1ee: {  	v8 =	vmul.f32 v1, v57;
	v5 =	vadd.f32 v9, v5;
	v9 =	vmul.f32 v2, v59  }
0x1ef: {  	vm8 =	vlt.f32 v6, v4;
	v7 =	vadd.f32 v7, v54  }
0x1f0: {  	v5 =	vadd.f32 v8, v5;
	v8 =	vadd.f32 v10, v9;
	v9 =	vmul.f32 v1, v61  }
0x1f1: {  	v4 =	vsel vm8, v6, v4  }
0x1f2: {  	vm9 =	vlt.f32 v7, v4;
	v5 =	vadd.f32 v5, v58;
	v6 =	vadd.f32 v9, v8  }
0x1f3: {  	v4 =	vsel vm9, v7, v4;
	v7 =	vmul.f32 v3, v0;
	v8 =	vimm.s32 $0x0  }
0x1f4: {  	v8 =	vsel vm0, $0x30, v8;
	vm10 =	vlt.f32 v5, v4;
	v6 =	vadd.f32 v6, v62  }
0x1f5: {  	v8 =	vsel vm1, $0x60, v8;
	v4 =	vsel vm10, v5, v4;
	v5 =	vmul.f32 v2, v63  }
0x1f6: {  	v10 =	vmul.f32 v3, v21;
	v9 =	vmul.f32 v2, v20;
	v8 =	vsel vm2, $0x90, v8  }
0x1f7: {  	vm11 =	vlt.f32 v6, v4;
	v5 =	vadd.f32 v7, v5;
	v7 =	vmul.f32 v1, v18  }
0x1f8: {  	v4 =	vsel vm11, v6, v4;
	v6 =	vsel vm3, $0xC0, v8;
	v8 =	vmul.f32 v1, v22  }
0x1f9: {  	v6 =	vsel vm4, $0xF0, v6;
	v5 =	vadd.f32 v7, v5;
	v7 =	vadd.f32 v10, v9  }
0x1fa: {  	v9 =	vmul.f32 v2, v24;
	v10 =	vmul.f32 v3, v25;
	v6 =	vsel vm5, $0x120, v6  }
0x1fb: {  	v6 =	vsel vm6, $0x150, v6;
	v7 =	vadd.f32 v8, v7;
	v5 =	vadd.f32 v5, v19  }
0x1fc: {  	v8 =	vadd.f32 v10, v9;
	v9 =	vmul.f32 v1, v26;
	v6 =	vsel vm7, $0x180, v6  }
0x1fd: {  	v6 =	vsel vm8, $0x1B0, v6;
	vm13 =	vlt.f32 v5, v4  }
0x1fe: {  	v7 =	vadd.f32 v7, v23;
	v8 =	vadd.f32 v9, v8;
	v6 =	vsel vm9, $0x1E0, v6  }
0x1ff: {  	v4 =	vsel vm13, v5, v4;
	v5 =	vsel vm10, $0x210, v6  }
0x200: {  	vm14 =	vlt.f32 v7, v4;
	v6 =	vadd.f32 v8, v27;
	v5 =	vsel vm11, $0x240, v5  }
0x201: {  	v7 =	vsel vm14, v7, v4;
	v4 =	vsel vm13, $0x270, v5  }
0x202: {  	vm15 =	vlt.f32 v6, v7;
	v4 =	vsel vm14, $0x2A0, v4  }
0x203: {  	v4 =	vsel vm15, $0x2D0, v4  }
0x204: {  	(v2sf) =	vpush v4, $0x0;
	_ =	sdelay $0xc  }
0x205: {  	(v2sf) =	vpush v4, $0x1  }
0x206: {  	v5 =	vsel vm15, v6, v7  }
0x207: {  	[tilespmem:s9+$0xF080] =	vst v5;
	s21 =	spop (v2sf)  }
0x208: {  	v5 =	vld [tilespmem:s21+$0x100]  }
0x209: {  	v6 =	vld [tilespmem:s21+$0x110];
	_ =	sdelay $0x1  }
0x20a: {  	v8 =	vbroadcast v2, $0x0;
	v7 =	vld [tilespmem:s21+$0x120]  }
0x20b: {  	v9 =	vbroadcast v3, $0x0  }
0x20c: {  	v5 =	vmul.f32 v5, v8  }
0x20d: {  	v6 =	vmul.f32 v6, v9;
	v8 =	vbroadcast v1, $0x0;
	_ =	sdelay $0x1  }
0x20e: {  	v5 =	vadd.f32 v6, v5;
	v6 =	vmul.f32 v7, v8;
	_ =	sdelay $0x1  }
0x20f: {  	(v2sf) =	vpush v4, $0x2;
	v5 =	vadd.f32 v6, v5;
	_ =	sdelay $0x1  }
0x210: {  	s21 =	spop (v2sf);
	[tilespmem:s8+$0xFFFFFF80] =	vst v5  }
0x211: {  	v5 =	vld [tilespmem:s21+$0x100]  }
0x212: {  	v6 =	vld [tilespmem:s21+$0x110];
	_ =	sdelay $0x1  }
0x213: {  	v8 =	vbroadcast v2, $0x1;
	v7 =	vld [tilespmem:s21+$0x120]  }
0x214: {  	v9 =	vbroadcast v3, $0x1  }
0x215: {  	v5 =	vmul.f32 v5, v8  }
0x216: {  	v6 =	vmul.f32 v6, v9;
	v8 =	vbroadcast v1, $0x1;
	_ =	sdelay $0x1  }
0x217: {  	v5 =	vadd.f32 v6, v5;
	v6 =	vmul.f32 v7, v8;
	_ =	sdelay $0x1  }
0x218: {  	(v2sf) =	vpush v4, $0x3;
	v5 =	vadd.f32 v6, v5;
	_ =	sdelay $0x1  }
0x219: {  	s21 =	spop (v2sf);
	[tilespmem:s8+$0xFFFFFF90] =	vst v5  }
0x21a: {  	v5 =	vld [tilespmem:s21+$0x100]  }
0x21b: {  	v6 =	vld [tilespmem:s21+$0x110];
	_ =	sdelay $0x1  }
0x21c: {  	v8 =	vbroadcast v2, $0x2;
	v7 =	vld [tilespmem:s21+$0x120]  }
0x21d: {  	v9 =	vbroadcast v3, $0x2  }
0x21e: {  	v5 =	vmul.f32 v5, v8  }
0x21f: {  	v6 =	vmul.f32 v6, v9;
	v8 =	vbroadcast v1, $0x2;
	_ =	sdelay $0x1  }
0x220: {  	v5 =	vadd.f32 v6, v5;
	v6 =	vmul.f32 v7, v8;
	_ =	sdelay $0x1  }
0x221: {  	(v2sf) =	vpush v4, $0x4;
	v5 =	vadd.f32 v6, v5;
	_ =	sdelay $0x1  }
0x222: {  	s21 =	spop (v2sf);
	[tilespmem:s8+$0xFFFFFFA0] =	vst v5  }
0x223: {  	v5 =	vld [tilespmem:s21+$0x100]  }
0x224: {  	v6 =	vld [tilespmem:s21+$0x110];
	_ =	sdelay $0x1  }
0x225: {  	v8 =	vbroadcast v2, $0x3;
	v7 =	vld [tilespmem:s21+$0x120]  }
0x226: {  	v9 =	vbroadcast v3, $0x3  }
0x227: {  	v5 =	vmul.f32 v5, v8  }
0x228: {  	v6 =	vmul.f32 v6, v9;
	v8 =	vbroadcast v1, $0x3;
	_ =	sdelay $0x1  }
0x229: {  	v5 =	vadd.f32 v6, v5;
	v6 =	vmul.f32 v7, v8;
	_ =	sdelay $0x1  }
0x22a: {  	(v2sf) =	vpush v4, $0x5;
	v5 =	vadd.f32 v6, v5;
	_ =	sdelay $0x1  }
0x22b: {  	s21 =	spop (v2sf);
	[tilespmem:s8+$0xFFFFFFB0] =	vst v5  }
0x22c: {  	v5 =	vld [tilespmem:s21+$0x100]  }
0x22d: {  	v6 =	vld [tilespmem:s21+$0x110];
	_ =	sdelay $0x1  }
0x22e: {  	v8 =	vbroadcast v2, $0x4;
	v7 =	vld [tilespmem:s21+$0x120]  }
0x22f: {  	v9 =	vbroadcast v3, $0x4  }
0x230: {  	v5 =	vmul.f32 v5, v8  }
0x231: {  	v6 =	vmul.f32 v6, v9;
	v8 =	vbroadcast v1, $0x4;
	_ =	sdelay $0x1  }
0x232: {  	v5 =	vadd.f32 v6, v5;
	v6 =	vmul.f32 v7, v8;
	_ =	sdelay $0x1  }
0x233: {  	(v2sf) =	vpush v4, $0x6;
	v5 =	vadd.f32 v6, v5;
	_ =	sdelay $0x1  }
0x234: {  	s21 =	spop (v2sf);
	[tilespmem:s8+$0xFFFFFFC0] =	vst v5  }
0x235: {  	v5 =	vld [tilespmem:s21+$0x100]  }
0x236: {  	v6 =	vld [tilespmem:s21+$0x110];
	_ =	sdelay $0x1  }
0x237: {  	v8 =	vbroadcast v2, $0x5;
	v7 =	vld [tilespmem:s21+$0x120]  }
0x238: {  	v9 =	vbroadcast v3, $0x5  }
0x239: {  	v5 =	vmul.f32 v5, v8  }
0x23a: {  	v6 =	vmul.f32 v6, v9;
	v8 =	vbroadcast v1, $0x5;
	_ =	sdelay $0x1  }
0x23b: {  	v5 =	vadd.f32 v6, v5;
	v6 =	vmul.f32 v7, v8;
	_ =	sdelay $0x1  }
0x23c: {  	(v2sf) =	vpush v4, $0x7;
	v5 =	vadd.f32 v6, v5;
	_ =	sdelay $0x1  }
0x23d: {  	s21 =	spop (v2sf);
	[tilespmem:s8+$0xFFFFFFD0] =	vst v5  }
0x23e: {  	v5 =	vld [tilespmem:s21+$0x100]  }
0x23f: {  	v6 =	vld [tilespmem:s21+$0x110];
	_ =	sdelay $0x1  }
0x240: {  	v8 =	vbroadcast v2, $0x6;
	v7 =	vld [tilespmem:s21+$0x120]  }
0x241: {  	v9 =	vbroadcast v3, $0x6  }
0x242: {  	v5 =	vmul.f32 v5, v8  }
0x243: {  	v6 =	vmul.f32 v6, v9;
	v8 =	vbroadcast v1, $0x6;
	_ =	sdelay $0x1  }
0x244: {  	v5 =	vadd.f32 v6, v5;
	v6 =	vmul.f32 v7, v8;
	_ =	sdelay $0x1  }
0x245: {  	(v2sf) =	vpush v4, $0x8;
	v5 =	vadd.f32 v6, v5;
	_ =	sdelay $0x1  }
0x246: {  	s21 =	spop (v2sf);
	[tilespmem:s8+$0xFFFFFFE0] =	vst v5  }
0x247: {  	v5 =	vld [tilespmem:s21+$0x100]  }
0x248: {  	v6 =	vld [tilespmem:s21+$0x110];
	_ =	sdelay $0x1  }
0x249: {  	v8 =	vbroadcast v2, $0x7;
	v7 =	vld [tilespmem:s21+$0x120]  }
0x24a: {  	v9 =	vbroadcast v3, $0x7  }
0x24b: {  	v5 =	vmul.f32 v5, v8  }
0x24c: {  	v6 =	vmul.f32 v6, v9;
	v8 =	vbroadcast v1, $0x7;
	_ =	sdelay $0x1  }
0x24d: {  	v5 =	vadd.f32 v6, v5;
	v6 =	vmul.f32 v7, v8;
	_ =	sdelay $0x1  }
0x24e: {  	(v2sf) =	vpush v4, $0x9;
	v5 =	vadd.f32 v6, v5;
	_ =	sdelay $0x1  }
0x24f: {  	s21 =	spop (v2sf);
	[tilespmem:s8+$0xFFFFFFF0] =	vst v5  }
0x250: {  	v5 =	vld [tilespmem:s21+$0x100]  }
0x251: {  	v6 =	vld [tilespmem:s21+$0x110];
	_ =	sdelay $0x1  }
0x252: {  	v8 =	vbroadcast v2, $0x8;
	v7 =	vld [tilespmem:s21+$0x120]  }
0x253: {  	v9 =	vbroadcast v3, $0x8  }
0x254: {  	v5 =	vmul.f32 v5, v8  }
0x255: {  	v6 =	vmul.f32 v6, v9;
	v8 =	vbroadcast v1, $0x8;
	_ =	sdelay $0x1  }
0x256: {  	v5 =	vadd.f32 v6, v5;
	v6 =	vmul.f32 v7, v8;
	_ =	sdelay $0x1  }
0x257: {  	(v2sf) =	vpush v4, $0xA;
	v5 =	vadd.f32 v6, v5;
	_ =	sdelay $0x1  }
0x258: {  	s21 =	spop (v2sf);
	[tilespmem:s8+$0x0] =	vst v5  }
0x259: {  	v5 =	vld [tilespmem:s21+$0x100]  }
0x25a: {  	v6 =	vld [tilespmem:s21+$0x110];
	_ =	sdelay $0x1  }
0x25b: {  	v8 =	vbroadcast v2, $0x9;
	v7 =	vld [tilespmem:s21+$0x120]  }
0x25c: {  	v9 =	vbroadcast v3, $0x9  }
0x25d: {  	v5 =	vmul.f32 v5, v8  }
0x25e: {  	v6 =	vmul.f32 v6, v9;
	v8 =	vbroadcast v1, $0x9;
	_ =	sdelay $0x1  }
0x25f: {  	v5 =	vadd.f32 v6, v5;
	v6 =	vmul.f32 v7, v8;
	_ =	sdelay $0x1  }
0x260: {  	(v2sf) =	vpush v4, $0xB;
	v5 =	vadd.f32 v6, v5;
	_ =	sdelay $0x1  }
0x261: {  	s21 =	spop (v2sf);
	[tilespmem:s8+$0x10] =	vst v5  }
0x262: {  	v5 =	vld [tilespmem:s21+$0x100]  }
0x263: {  	v6 =	vld [tilespmem:s21+$0x110];
	_ =	sdelay $0x1  }
0x264: {  	v8 =	vbroadcast v2, $0xA;
	v7 =	vld [tilespmem:s21+$0x120]  }
0x265: {  	v9 =	vbroadcast v3, $0xA  }
0x266: {  	v5 =	vmul.f32 v5, v8  }
0x267: {  	v6 =	vmul.f32 v6, v9;
	v8 =	vbroadcast v1, $0xA;
	_ =	sdelay $0x1  }
0x268: {  	v5 =	vadd.f32 v6, v5;
	v6 =	vmul.f32 v7, v8;
	_ =	sdelay $0x1  }
0x269: {  	(v2sf) =	vpush v4, $0xC;
	v5 =	vadd.f32 v6, v5;
	_ =	sdelay $0x1  }
0x26a: {  	s21 =	spop (v2sf);
	[tilespmem:s8+$0x20] =	vst v5  }
0x26b: {  	v5 =	vld [tilespmem:s21+$0x100]  }
0x26c: {  	v6 =	vld [tilespmem:s21+$0x110];
	_ =	sdelay $0x1  }
0x26d: {  	v8 =	vbroadcast v2, $0xB;
	v7 =	vld [tilespmem:s21+$0x120]  }
0x26e: {  	v9 =	vbroadcast v3, $0xB  }
0x26f: {  	v5 =	vmul.f32 v5, v8  }
0x270: {  	v6 =	vmul.f32 v6, v9;
	v8 =	vbroadcast v1, $0xB;
	_ =	sdelay $0x1  }
0x271: {  	v5 =	vadd.f32 v6, v5;
	v6 =	vmul.f32 v7, v8;
	_ =	sdelay $0x1  }
0x272: {  	(v2sf) =	vpush v4, $0xD;
	v5 =	vadd.f32 v6, v5;
	_ =	sdelay $0x1  }
0x273: {  	s21 =	spop (v2sf);
	[tilespmem:s8+$0x30] =	vst v5  }
0x274: {  	v5 =	vld [tilespmem:s21+$0x100]  }
0x275: {  	v6 =	vld [tilespmem:s21+$0x110];
	_ =	sdelay $0x1  }
0x276: {  	v8 =	vbroadcast v2, $0xC;
	v7 =	vld [tilespmem:s21+$0x120]  }
0x277: {  	v9 =	vbroadcast v3, $0xC  }
0x278: {  	v5 =	vmul.f32 v5, v8  }
0x279: {  	v6 =	vmul.f32 v6, v9;
	v8 =	vbroadcast v1, $0xC;
	_ =	sdelay $0x1  }
0x27a: {  	v5 =	vadd.f32 v6, v5;
	v6 =	vmul.f32 v7, v8;
	_ =	sdelay $0x1  }
0x27b: {  	(v2sf) =	vpush v4, $0xE;
	v5 =	vadd.f32 v6, v5;
	_ =	sdelay $0x1  }
0x27c: {  	s21 =	spop (v2sf);
	[tilespmem:s8+$0x40] =	vst v5  }
0x27d: {  	v5 =	vld [tilespmem:s21+$0x100]  }
0x27e: {  	v6 =	vld [tilespmem:s21+$0x110];
	_ =	sdelay $0x1  }
0x27f: {  	v8 =	vbroadcast v2, $0xD;
	v7 =	vld [tilespmem:s21+$0x120]  }
0x280: {  	v9 =	vbroadcast v3, $0xD  }
0x281: {  	v5 =	vmul.f32 v5, v8  }
0x282: {  	v6 =	vmul.f32 v6, v9;
	v8 =	vbroadcast v1, $0xD;
	_ =	sdelay $0x1  }
0x283: {  	v5 =	vadd.f32 v6, v5;
	v6 =	vmul.f32 v7, v8;
	_ =	sdelay $0x1  }
0x284: {  	(v2sf) =	vpush v4, $0xF;
	v5 =	vadd.f32 v6, v5;
	_ =	sdelay $0x1  }
0x285: {  	s21 =	spop (v2sf);
	[tilespmem:s8+$0x50] =	vst v5  }
0x286: {  	v4 =	vld [tilespmem:s21+$0x100]  }
0x287: {  	v5 =	vld [tilespmem:s21+$0x110];
	_ =	sdelay $0x1  }
0x288: {  	v7 =	vbroadcast v2, $0xE;
	v6 =	vld [tilespmem:s21+$0x120]  }
0x289: {  	v8 =	vbroadcast v3, $0xE  }
0x28a: {  	v4 =	vmul.f32 v4, v7  }
0x28b: {  	v5 =	vmul.f32 v5, v8;
	v7 =	vbroadcast v1, $0xE;
	_ =	sdelay $0x1  }
0x28c: {  	v4 =	vadd.f32 v5, v4;
	v5 =	vmul.f32 v6, v7;
	_ =	sdelay $0x1  }
0x28d: {  	v4 =	vadd.f32 v5, v4;
	_ =	sdelay $0x1  }
0x28e: {  	s21 =	spop (v2sf);
	[tilespmem:s8+$0x60] =	vst v4  }
0x28f: {  	v4 =	vld [tilespmem:s21+$0x100]  }
0x290: {  	v5 =	vld [tilespmem:s21+$0x110];
	_ =	sdelay $0x1  }
0x291: {  	v6 =	vld [tilespmem:s21+$0x120]  }
0x292: {  	v2 =	vbroadcast v2, $0xF;
	v3 =	vbroadcast v3, $0xF  }
0x293: {  	v1 =	vbroadcast v1, $0xF  }
0x294: {  	v2 =	vmul.f32 v4, v2;
	v3 =	vmul.f32 v5, v3  }
0x295: {  	p0 =	sne.s32 s20, $0x2880  }
.Ltmp1:
0x296: {  	v1 =	vmul.f32 v6, v1;
	v2 =	vadd.f32 v3, v2;
	(pc) =	sbr.rel @p0 .LBB2_5-.Ltmp1, $3  }
0x297: {  	_ = 	snop  }
0x298: {  	v1 =	vadd.f32 v1, v2;
	_ =	sdelay $0x1  }
0x299: {  	s20 =	sadd.s32 $0x40, s20;
	v10 =	vmov v14;
	v9 =	vmov v17;
	v8 =	vmov v13;
	[tilespmem:s8+$0x70] =	vst v1;
	s8 =	sadd.s32 $0x100, s8  }
0x29a: {  	s17 =	sadd.s32 $0x1, s17  }
0x29b: {  	p0 =	sne.s32 s17, $0x3  }
.Ltmp2:
0x29c: {  	_ = 	snop;
	(pc) =	sbr.rel @p0 .LBB2_2-.Ltmp2, $4  }
0x29d: {  	s8 =	sadd.s32 s3, s19;
	s21 =	sshll.u32 s18, $0x1  }
0x29e: {  	[hbm4b:s8+s5] =	stream.linear.scatter [tilespmem:s30], [sflag:$0x4], $0xA30, $0x38;
	[tilespmem:$0x19E00] =	vst v63  }
0x29f: {  	s8 =	sadd.s32 s4, s21  }
0x2a0: {  	v7 =	vmovc v16;
	v4 =	vmov v11;
	v5 =	vmov v12;
	v6 =	vmov v15;
	[hbm4b:s8+s5] =	stream.linear.scatter [tilespmem:s31], [sflag:$0x4], $0xA300, $0x38;
	[tilespmem:$0x19E00] =	vst v63  }
0x2a1: {  	_ =	swait.ge [sflag:s2], $0xA30  }
0x2a2: {  	[sflag:s2] =	ssyncset.done $0x0  }
0x2a3: {  	[sflag:s2] =	ssyncadd.s32 $0xFFFFF5D0  }
0x2a4: {  	_ =	swait.ge [sflag:s2], $0xA300  }
0x2a5: {  	[sflag:s2] =	ssyncset.done $0x0  }
0x2a6: {  	s1 =	sadd.s32 $0x1, s1;
	[sflag:s2] =	ssyncadd.s32 $0xFFFF5D00  }
0x2a7: {  	p0 =	sne.s32 s1, s15;
	_ =	swait.ge [sflag:s0], $0xA30  }
.Ltmp3:
0x2a8: {  	[sflag:s0] =	ssyncset.done $0x0;
	(pc) =	sbr.rel @p0 .LBB2_1-.Ltmp3, $4  }
0x2a9: {  	[sflag:s0] =	ssyncadd.s32 $0xFFFFF5D0  }
0x2aa: {  	_ =	swait.ge [sflag:s0], $0xA300  }
0x2ab: {  	[sflag:s0] =	ssyncset.done $0x0  }
0x2ac: {  	[sflag:s0] =	ssyncadd.s32 $0xFFFF5D00  }
0x2ad: {  	_ =	sfence.sel $0x180000  }
0x2ae: {  	[bflag:$0x0] =	sbarrier.arrive $0xFFFF  }
0x2af: {  	_ =	strace $0x90000047  }
0x2b0: {  	s0 =	stileid.u32;
	[bflag:$0x2] =	sbarrier.arrive $0xFFFF  }
0x2b1: {  	p0 =	sne.s32 s0, $0x0;
	s0 =	rddreg [dreg:$0x4]  }
0x2b2: {  	s0 =	sadd.s32 @!p0 $0x100000, s0  }
0x2b3: {  	[sflag:s0] =	ssyncadd.tile.s32 @!p0 $0x1;
	_ =	shalt  }
.Lfunc_end2:
_tile_overlayer_lowered:
.L_overlay_start_2:
0x2b4: {  	(tag) =	ssettag $0x2  }
0x2b5: {  	s0 =	rddreg [dreg:$0x0];
	s2 =	stileid.u32  }
0x2b6: {  	s1 =	rddreg [dreg:$0x1];
	p0 =	sne.s32 s2, $0x0  }
0x2b7: {  	s3 =	rddreg [dreg:$0x2];
	[bflag:$0x3] =	sbarrier.arrive $0xFFFF;
	s2 =	simm.s32 @!p0 $0x1C05  }
0x2b8: {  	[timem:s3], [sflag:s2] =	dma.local @!p0 [hbm:s0], s1  }
0x2b9: {  	s0 =	simm.s32 @!p0 $0x5  }
0x2ba: {  	_ =	swait.ge @!p0 [sflag:s0], s1  }
0x2bb: {  	s1 =	ssub.s32 @!p0 $0x0, s1;
	[sflag:s0] =	ssyncset.done @!p0 $0x0  }
0x2bc: {  	[sflag:s0] =	ssyncadd.s32 @!p0 s1  }
0x2bd: {  	[bflag:$0x3] =	sbarrier.arrive $0xFFFF  }
0x2be: {  	_ =	shalt  }

</sc_bundles>
